<compile_context>
chip_gen: v7x
topology: tpu7x:2x2x1
jax: 0.10.2.dev20260603
libtpu: 0.0.44.dev20260713+nightly
codegen_flags: <defaults>
</compile_context>

<pallas_src>
import functools

import jax
import jax.numpy as jnp
from jax import lax
from jax.experimental import pallas as pl
from jax.experimental.pallas import tpu as pltpu
from jax.experimental.pallas import tpu_sc as plsc

N = 10000
E = 320000
NT = 64
D = 2 * NT
H = 32
NP = 10240
NTILES = 16
NCORES = 2
RPT = NP // NTILES
CHUNK = 1024
EPT = E // NTILES
NCHUNK = -(-EPT // CHUNK)
NCHUNKX = NCHUNK
EPT_PAD = NCHUNKX * CHUNK
BLK = 1024
FBLK = 1000


def _leaky(x):
    return jnp.where(x >= 0, x, 0.01 * x)


def _dot(a, b):
    return jnp.dot(a, b, preferred_element_type=jnp.float32)


def _msg_math(x, wm1, bm1, wm2, bm2):
    h = _leaky(_dot(x, wm1) + bm1)
    return _leaky(_dot(h, wm2) + bm2)


def _msg_body(x_ref, wm1, bm1, wm2, bm2, m_ref):
    m_ref[...] = _msg_math(x_ref[...], wm1[...], bm1[...], wm2[...], bm2[...])


def _msg_call(x, wm1, bm1r, wm2, bm2r):
    rows = x.shape[0]
    return pl.pallas_call(
        _msg_body,
        grid=(rows // BLK,),
        in_specs=[
            pl.BlockSpec((BLK, D), lambda b: (b, 0)),
            pl.BlockSpec((D, H), lambda b: (0, 0)),
            pl.BlockSpec((1, H), lambda b: (0, 0)),
            pl.BlockSpec((H, H), lambda b: (0, 0)),
            pl.BlockSpec((1, H), lambda b: (0, 0)),
        ],
        out_specs=pl.BlockSpec((BLK, H), lambda b: (b, 0)),
        out_shape=jax.ShapeDtypeStruct((rows, H), jnp.float32),
    )(x, wm1, bm1r, wm2, bm2r)


def _updmsg_body(x_ref, a_ref, wu1a, wu1b, bu1, wu2, bu2,
                 wm1, bm1, wm2, bm2, xo_ref, mo_ref):
    h = _leaky(_dot(x_ref[...], wu1a[...]) + _dot(a_ref[...], wu1b[...])
               + bu1[...])
    xn = _leaky(_dot(h, wu2[...]) + bu2[...])
    xo_ref[...] = xn
    mo_ref[...] = _msg_math(xn, wm1[...], bm1[...], wm2[...], bm2[...])


def _updmsg_call(x, aggr, wu1a, wu1b, bu1r, wu2, bu2r,
                 wm1, bm1r, wm2, bm2r):
    rows = x.shape[0]
    full = lambda b: (0, 0)
    return pl.pallas_call(
        _updmsg_body,
        grid=(rows // BLK,),
        in_specs=[
            pl.BlockSpec((BLK, D), lambda b: (b, 0)),
            pl.BlockSpec((BLK, H), lambda b: (b, 0)),
            pl.BlockSpec((D, H), full),
            pl.BlockSpec((H, H), full),
            pl.BlockSpec((1, H), full),
            pl.BlockSpec((H, D), full),
            pl.BlockSpec((1, D), full),
            pl.BlockSpec((D, H), full),
            pl.BlockSpec((1, H), full),
            pl.BlockSpec((H, H), full),
            pl.BlockSpec((1, H), full),
        ],
        out_specs=[
            pl.BlockSpec((BLK, D), lambda b: (b, 0)),
            pl.BlockSpec((BLK, H), lambda b: (b, 0)),
        ],
        out_shape=[
            jax.ShapeDtypeStruct((rows, D), jnp.float32),
            jax.ShapeDtypeStruct((rows, H), jnp.float32),
        ],
    )(x, aggr, wu1a, wu1b, bu1r, wu2, bu2r, wm1, bm1r, wm2, bm2r)


@functools.cache
def _build_sc_scatter():
    mesh = plsc.VectorSubcoreMesh(core_axis_name="c", subcore_axis_name="s",
                                  num_cores=NCORES, num_subcores=NTILES)

    @functools.partial(
        pl.kernel,
        out_type=jax.ShapeDtypeStruct((2 * NP, H), jnp.float32),
        mesh=mesh,
        scratch_types=[
            pltpu.VMEM((NCHUNKX, CHUNK), jnp.int32),
            pltpu.VMEM((NCHUNK, CHUNK), jnp.int32),
            pltpu.VMEM((CHUNK, H), jnp.float32),
            pltpu.VMEM((CHUNK, H), jnp.float32),
            pltpu.VMEM_SHARED((NP, H), jnp.float32),
            pltpu.SemaphoreType.DMA,
            pltpu.SemaphoreType.DMA,
        ],
        compiler_params=pltpu.CompilerParams(use_tc_tiling_on_sc=False),
    )
    def _sc_scatter_kernel(m_hbm, srcs_hbm, dsts_hbm, zeros_hbm, out_hbm,
                           src_v, dst_v, buf_a, buf_b, aggr_sh, sem_a, sem_b):
        c = lax.axis_index("c")
        t = lax.axis_index("s")
        w = c * NTILES + t
        pltpu.sync_copy(srcs_hbm.at[w], src_v)
        pltpu.sync_copy(dsts_hbm.at[w], dst_v)
        r0 = t * RPT
        pltpu.sync_copy(zeros_hbm, aggr_sh.at[pl.ds(r0, RPT)])
        plsc.subcore_barrier()

        def step(jj, carry):
            j = 2 * jj
            pltpu.async_copy(m_hbm.at[src_v.at[j]], buf_a, sem_a)
            da = pltpu.make_async_copy(m_hbm.at[src_v.at[j]], buf_a, sem_a)
            pltpu.async_copy(m_hbm.at[src_v.at[j + 1]], buf_b, sem_b)
            da.wait()
            pltpu.sync_copy(buf_a, aggr_sh.at[dst_v.at[j]], add=True)
            pltpu.make_async_copy(m_hbm.at[src_v.at[j + 1]], buf_b,
                                  sem_b).wait()
            pltpu.sync_copy(buf_b, aggr_sh.at[dst_v.at[j + 1]], add=True)
            return carry

        lax.fori_loop(0, NCHUNK // 2, step, 0)
        plsc.subcore_barrier()
        o0 = (1 - c) * NP + r0
        pltpu.sync_copy(aggr_sh.at[pl.ds(r0, RPT)], out_hbm.at[pl.ds(o0, RPT)])

    return _sc_scatter_kernel


def _sc_scatter(m, srcs, dsts, zeros_np):
    return _build_sc_scatter()(m, srcs, dsts, zeros_np)


def _bf_body(x_ref, wb, bbr, bf_ref, ss_ref):
    b = pl.program_id(0)
    bf = jnp.tanh(_dot(x_ref[...], wb[...]) + bbr[...])
    bf_ref[...] = bf

    @pl.when(b == 0)
    def _():
        ss_ref[...] = jnp.zeros_like(ss_ref)

    ss_ref[...] += jnp.sum(bf * bf, axis=0, keepdims=True)


def _bf_call(x, wb, bbr):
    full = lambda b: (0, 0)
    return pl.pallas_call(
        _bf_body,
        grid=(N // FBLK,),
        in_specs=[
            pl.BlockSpec((FBLK, D), lambda b: (b, 0)),
            pl.BlockSpec((D, D), full),
            pl.BlockSpec((1, D), full),
        ],
        out_specs=[
            pl.BlockSpec((FBLK, D), lambda b: (b, 0)),
            pl.BlockSpec((1, D), full),
        ],
        out_shape=[
            jax.ShapeDtypeStruct((N, D), jnp.float32),
            jax.ShapeDtypeStruct((1, D), jnp.float32),
        ],
    )(x, wb, bbr)


def _scale_body(bf_ref, ss_ref, out_ref):
    ss = ss_ref[...]
    ii = lax.broadcasted_iota(jnp.int32, (D, D), 0)
    jj = lax.broadcasted_iota(jnp.int32, (D, D), 1)
    fold = ((ii % NT) == (jj % NT)).astype(jnp.float32)
    tot = _dot(ss, fold)
    nrm = jnp.sqrt(tot)
    scl = jnp.where(nrm > 1.0, 1.0 / nrm, 1.0)
    out_ref[...] = bf_ref[...] * scl


def _scale_call(bf, ss):
    return pl.pallas_call(
        _scale_body,
        grid=(N // FBLK,),
        in_specs=[
            pl.BlockSpec((FBLK, D), lambda b: (b, 0)),
            pl.BlockSpec((1, D), lambda b: (0, 0)),
        ],
        out_specs=pl.BlockSpec((FBLK, D), lambda b: (b, 0)),
        out_shape=jax.ShapeDtypeStruct((N, D), jnp.float32),
    )(bf, ss)


def _prep_edges(ei, src_off):
    src = jnp.pad(ei[0].astype(jnp.int32).reshape(NTILES, EPT),
                  ((0, 0), (0, NCHUNKX * CHUNK - EPT))) + src_off
    dst = jnp.pad(ei[1].astype(jnp.int32).reshape(NTILES, EPT),
                  ((0, 0), (0, NCHUNK * CHUNK - EPT)),
                  constant_values=N)
    return (src.reshape(NTILES, NCHUNKX, CHUNK),
            dst.reshape(NTILES, NCHUNK, CHUNK))


def kernel(x_served, x_interfered, edge_index_si, edge_index_is,
           Wm1, bm1, Wm2, bm2, Wu1, bu1, Wu2, bu2, Wb, bb):
    f32 = jnp.float32
    bm1r = bm1.reshape(1, H).astype(f32)
    bm2r = bm2.reshape(1, H).astype(f32)
    bu1r = bu1.reshape(1, H).astype(f32)
    bu2r = bu2.reshape(1, D).astype(f32)
    bbr = bb.reshape(1, D).astype(f32)
    wu1a = Wu1[:D]
    wu1b = Wu1[D:]

    x = jnp.zeros((2 * NP, D), f32)
    x = x.at[0:N].set(x_served).at[NP:NP + N].set(x_interfered)
    zeros_np = jnp.zeros((RPT, H), f32)

    s_si, d_si = _prep_edges(edge_index_si, 0)
    s_is, d_is = _prep_edges(edge_index_is, NP)
    srcs = jnp.concatenate([s_si, s_is], axis=0)
    dsts = jnp.concatenate([d_si, d_is], axis=0)

    m = _msg_call(x, Wm1, bm1r, Wm2, bm2r)
    for _ in range(3):
        aggr = _sc_scatter(m, srcs, dsts, zeros_np)
        x, m = _updmsg_call(x, aggr, wu1a, wu1b, bu1r, Wu2, bu2r,
                            Wm1, bm1r, Wm2, bm2r)

    bf, ss = _bf_call(x, Wb, bbr)
    return _scale_call(bf, ss)

# --- scband reference (transcript-rebuilt; emitter-appended) ---
"""Pipeline reference for scband-fdgnn-21492016349640 (READ-ONLY COPY).

The authoritative reference and input builder live on the scoring server;
editing this copy changes nothing except your own understanding.
"""

import jax, jax.numpy as jnp
import numpy as np

N = 10000
E = 320000
NT = 64
D = 2 * NT
H = 32


def _leaky(x):
    return jnp.where(x >= 0, x, 0.01 * x)


def setup_inputs(seed: int = 0) -> dict:
    key = jax.random.key(seed)
    ks = jax.random.split(key, 16)
    inp = {}
    inp["x_served"] = jax.random.normal(ks[0], (N, D), dtype=jnp.float32)
    inp["x_interfered"] = jax.random.normal(ks[1], (N, D), dtype=jnp.float32)
    inp["edge_index_si"] = jax.random.randint(ks[2], (2, E), 0, N)
    inp["edge_index_is"] = jax.random.randint(ks[3], (2, E), 0, N)
    # mlp_m: [2*Nt, 32, 32]
    inp["Wm1"] = jax.random.normal(ks[4], (D, H), dtype=jnp.float32) / np.sqrt(D)
    inp["bm1"] = jax.random.normal(ks[5], (H,), dtype=jnp.float32) * 0.01
    inp["Wm2"] = jax.random.normal(ks[6], (H, H), dtype=jnp.float32) / np.sqrt(H)
    inp["bm2"] = jax.random.normal(ks[7], (H,), dtype=jnp.float32) * 0.01
    # mlp_u: [32 + 2*Nt, 32, 2*Nt]
    inp["Wu1"] = jax.random.normal(ks[8], (H + D, H), dtype=jnp.float32) / np.sqrt(H + D)
    inp["bu1"] = jax.random.normal(ks[9], (H,), dtype=jnp.float32) * 0.01
    inp["Wu2"] = jax.random.normal(ks[10], (H, D), dtype=jnp.float32) / np.sqrt(H)
    inp["bu2"] = jax.random.normal(ks[11], (D,), dtype=jnp.float32) * 0.01
    # bf_output linear: [2*Nt -> 2*Nt]
    inp["Wb"] = jax.random.normal(ks[12], (D, D), dtype=jnp.float32) / np.sqrt(D)
    inp["bb"] = jax.random.normal(ks[13], (D,), dtype=jnp.float32) * 0.01
    return inp


def reference(x_served, x_interfered, edge_index_si, edge_index_is,
              Wm1, bm1, Wm2, bm2, Wu1, bu1, Wu2, bu2, Wb, bb):
    def _msg(xj):
        h = _leaky(xj @ Wm1 + bm1)
        return _leaky(h @ Wm2 + bm2)

    def _upd(x_dst, aggr):
        t = jnp.concatenate([x_dst, aggr], axis=1)
        h = _leaky(t @ Wu1 + bu1)
        return _leaky(h @ Wu2 + bu2)

    def _conv(x_src, x_dst, ei):
        src, dst = ei[0], ei[1]
        m = _msg(jnp.take(x_src, src, axis=0))
        aggr = jnp.zeros((x_dst.shape[0], m.shape[1]), dtype=m.dtype).at[dst].add(m)
        return _upd(x_dst, aggr)

    s, i = x_served, x_interfered
    for _ in range(3):
        new_i = _conv(s, i, edge_index_si)  # served -> interfered
        new_s = _conv(i, s, edge_index_is)  # interfered -> served
        s, i = new_s, new_i

    bf = jnp.tanh(s @ Wb + bb)
    real = bf[:, :NT]
    imag = bf[:, NT:]
    norms = jnp.sqrt(jnp.sum(real * real + imag * imag, axis=0))
    scale = jnp.where(norms > 1.0, 1.0 / norms, jnp.ones_like(norms))
    return jnp.concatenate([real * scale, imag * scale], axis=1)

if __name__ == "__main__":
    import jax
    _d = setup_inputs()
    print(jax.jit(kernel)(*tuple(_d.values())))

</pallas_src>

<mosaic_0001>
#map = affine_map<(d0, d1) -> (0, 0)>
#map1 = affine_map<(d0, d1) -> (0, 0, 0)>
module attributes {stable_mosaic.version = 14 : i64} {
  func.func @_sc_scatter_kernel(%arg0: i32, %arg1: i32, %arg2: memref<20480x32xf32, #tpu.memory_space<hbm>>, %arg3: memref<32x20x1024xi32, #tpu.memory_space<hbm>>, %arg4: memref<32x20x1024xi32, #tpu.memory_space<hbm>>, %arg5: memref<640x32xf32, #tpu.memory_space<hbm>>, %arg6: memref<20480x32xf32, #tpu.memory_space<hbm>>, %arg7: memref<20x1024xi32, #tpu.memory_space<vmem>>, %arg8: memref<20x1024xi32, #tpu.memory_space<vmem>>, %arg9: memref<1024x32xf32, #tpu.memory_space<vmem>>, %arg10: memref<1024x32xf32, #tpu.memory_space<vmem>>, %arg11: memref<10240x32xf32, #tpu.memory_space<vmem_shared>>, %arg12: memref<!tpu.dma_semaphore, #tpu.memory_space<semaphore_mem>>, %arg13: memref<!tpu.dma_semaphore, #tpu.memory_space<semaphore_mem>>) attributes {dimension_semantics = [#tpu.dimension_semantics<core_parallel>, #tpu.dimension_semantics<subcore_parallel>], iteration_bounds = array<i64: 2, 16>, scalar_prefetch = 0 : i64, scratch_operands = 7 : i64, tpu.core_type = #tpu.core_type<sc_vector_subcore>, window_params = [{transform_indices = #map}, {transform_indices = #map1}, {transform_indices = #map1}, {transform_indices = #map}, {transform_indices = #map}]} {
    %mul3A = arith.constant 16 : i32
    %mul3A_0 = arith.muli %arg0, %mul3A : i32
    %add3A = arith.addi %mul3A_0, %arg1 : i32
    "tpu.region"() ({
      %run_scoped3A = tpu.sem_alloc : memref<!tpu.dma_semaphore, #tpu.memory_space<semaphore_mem>>
      %dma_start3A = arith.constant 0 : i32
      %dma_start3A_13 = arith.constant 0 : i32
      %dma_start3A_14 = tpu.memref_slice %arg3[%add3A, %dma_start3A, %dma_start3A_13] : memref<32x20x1024xi32, #tpu.memory_space<hbm>> -> memref<1x20x1024xi32, #tpu.memory_space<hbm>>
      %dma_start3A_15 = tpu.memref_squeeze %dma_start3A_14 : memref<1x20x1024xi32, #tpu.memory_space<hbm>> -> memref<20x1024xi32, #tpu.memory_space<hbm>>
      %dma_start3A_16 = arith.constant 0 : i32
      %dma_start3A_17 = arith.constant 0 : i32
      %dma_start3A_18 = tpu.memref_slice %arg3[%add3A, %dma_start3A_16, %dma_start3A_17] : memref<32x20x1024xi32, #tpu.memory_space<hbm>> -> memref<1x20x1024xi32, #tpu.memory_space<hbm>>
      %dma_start3A_19 = tpu.memref_squeeze %dma_start3A_18 : memref<1x20x1024xi32, #tpu.memory_space<hbm>> -> memref<20x1024xi32, #tpu.memory_space<hbm>>
      tpu.enqueue_dma source(%dma_start3A_19 : memref<20x1024xi32, #tpu.memory_space<hbm>>) target(%arg7 : memref<20x1024xi32, #tpu.memory_space<vmem>>) target_semaphore(%run_scoped3A : memref<!tpu.dma_semaphore, #tpu.memory_space<semaphore_mem>>)
      %dma_wait3A = arith.constant 0 : i32
      %dma_wait3A_20 = arith.constant 0 : i32
      %dma_wait3A_21 = tpu.memref_slice %arg3[%add3A, %dma_wait3A, %dma_wait3A_20] : memref<32x20x1024xi32, #tpu.memory_space<hbm>> -> memref<1x20x1024xi32, #tpu.memory_space<hbm>>
      %dma_wait3A_22 = tpu.memref_squeeze %dma_wait3A_21 : memref<1x20x1024xi32, #tpu.memory_space<hbm>> -> memref<20x1024xi32, #tpu.memory_space<hbm>>
      %dma_wait3A_23 = arith.constant 0 : i32
      %dma_wait3A_24 = arith.constant 0 : i32
      %dma_wait3A_25 = tpu.memref_slice %arg3[%add3A, %dma_wait3A_23, %dma_wait3A_24] : memref<32x20x1024xi32, #tpu.memory_space<hbm>> -> memref<1x20x1024xi32, #tpu.memory_space<hbm>>
      %dma_wait3A_26 = tpu.memref_squeeze %dma_wait3A_25 : memref<1x20x1024xi32, #tpu.memory_space<hbm>> -> memref<20x1024xi32, #tpu.memory_space<hbm>>
      tpu.wait_dma2 semaphore(%run_scoped3A : memref<!tpu.dma_semaphore, #tpu.memory_space<semaphore_mem>>) src(%dma_wait3A_26 : memref<20x1024xi32, #tpu.memory_space<hbm>>) dst(%arg7 : memref<20x1024xi32, #tpu.memory_space<vmem>>)
      tpu.yield
    }) : () -> ()
    "tpu.region"() ({
      %run_scoped3A = tpu.sem_alloc : memref<!tpu.dma_semaphore, #tpu.memory_space<semaphore_mem>>
      %dma_start3A = arith.constant 0 : i32
      %dma_start3A_13 = arith.constant 0 : i32
      %dma_start3A_14 = tpu.memref_slice %arg4[%add3A, %dma_start3A, %dma_start3A_13] : memref<32x20x1024xi32, #tpu.memory_space<hbm>> -> memref<1x20x1024xi32, #tpu.memory_space<hbm>>
      %dma_start3A_15 = tpu.memref_squeeze %dma_start3A_14 : memref<1x20x1024xi32, #tpu.memory_space<hbm>> -> memref<20x1024xi32, #tpu.memory_space<hbm>>
      %dma_start3A_16 = arith.constant 0 : i32
      %dma_start3A_17 = arith.constant 0 : i32
      %dma_start3A_18 = tpu.memref_slice %arg4[%add3A, %dma_start3A_16, %dma_start3A_17] : memref<32x20x1024xi32, #tpu.memory_space<hbm>> -> memref<1x20x1024xi32, #tpu.memory_space<hbm>>
      %dma_start3A_19 = tpu.memref_squeeze %dma_start3A_18 : memref<1x20x1024xi32, #tpu.memory_space<hbm>> -> memref<20x1024xi32, #tpu.memory_space<hbm>>
      tpu.enqueue_dma source(%dma_start3A_19 : memref<20x1024xi32, #tpu.memory_space<hbm>>) target(%arg8 : memref<20x1024xi32, #tpu.memory_space<vmem>>) target_semaphore(%run_scoped3A : memref<!tpu.dma_semaphore, #tpu.memory_space<semaphore_mem>>)
      %dma_wait3A = arith.constant 0 : i32
      %dma_wait3A_20 = arith.constant 0 : i32
      %dma_wait3A_21 = tpu.memref_slice %arg4[%add3A, %dma_wait3A, %dma_wait3A_20] : memref<32x20x1024xi32, #tpu.memory_space<hbm>> -> memref<1x20x1024xi32, #tpu.memory_space<hbm>>
      %dma_wait3A_22 = tpu.memref_squeeze %dma_wait3A_21 : memref<1x20x1024xi32, #tpu.memory_space<hbm>> -> memref<20x1024xi32, #tpu.memory_space<hbm>>
      %dma_wait3A_23 = arith.constant 0 : i32
      %dma_wait3A_24 = arith.constant 0 : i32
      %dma_wait3A_25 = tpu.memref_slice %arg4[%add3A, %dma_wait3A_23, %dma_wait3A_24] : memref<32x20x1024xi32, #tpu.memory_space<hbm>> -> memref<1x20x1024xi32, #tpu.memory_space<hbm>>
      %dma_wait3A_26 = tpu.memref_squeeze %dma_wait3A_25 : memref<1x20x1024xi32, #tpu.memory_space<hbm>> -> memref<20x1024xi32, #tpu.memory_space<hbm>>
      tpu.wait_dma2 semaphore(%run_scoped3A : memref<!tpu.dma_semaphore, #tpu.memory_space<semaphore_mem>>) src(%dma_wait3A_26 : memref<20x1024xi32, #tpu.memory_space<hbm>>) dst(%arg8 : memref<20x1024xi32, #tpu.memory_space<vmem>>)
      tpu.yield
    }) : () -> ()
    %mul3A_1 = arith.constant 640 : i32
    %mul3A_2 = arith.muli %arg1, %mul3A_1 : i32
    "tpu.region"() ({
      %run_scoped3A = tpu.sem_alloc : memref<!tpu.dma_semaphore, #tpu.memory_space<semaphore_mem>>
      %dma_start3A = arith.constant 0 : i32
      %dma_start3A_13 = tpu.memref_slice %arg11[%mul3A_2, %dma_start3A] : memref<10240x32xf32, #tpu.memory_space<vmem_shared>> -> memref<640x32xf32, #tpu.memory_space<vmem_shared>>
      tpu.enqueue_dma source(%arg5 : memref<640x32xf32, #tpu.memory_space<hbm>>) target(%dma_start3A_13 : memref<640x32xf32, #tpu.memory_space<vmem_shared>>) target_semaphore(%run_scoped3A : memref<!tpu.dma_semaphore, #tpu.memory_space<semaphore_mem>>)
      %dma_wait3A = arith.constant 0 : i32
      %dma_wait3A_14 = tpu.memref_slice %arg11[%mul3A_2, %dma_wait3A] : memref<10240x32xf32, #tpu.memory_space<vmem_shared>> -> memref<640x32xf32, #tpu.memory_space<vmem_shared>>
      tpu.wait_dma2 semaphore(%run_scoped3A : memref<!tpu.dma_semaphore, #tpu.memory_space<semaphore_mem>>) src(%arg5 : memref<640x32xf32, #tpu.memory_space<hbm>>) dst(%dma_wait3A_14 : memref<640x32xf32, #tpu.memory_space<vmem_shared>>)
      tpu.yield
    }) : () -> ()
    %barrier3A = arith.constant 0 : index
    tpu.barrier barrier_id(%barrier3A)
    %scan3A = arith.constant 0 : i32
    %scan3A_3 = arith.constant 0 : i32
    %scan3A_4 = arith.constant 10 : i32
    %scan3A_5 = arith.addi %scan3A_3, %scan3A_4 : i32
    %scan3A_6 = arith.constant 1 : i32
    scf.for %scan3A_13 = %scan3A_3 to %scan3A_5 step %scan3A_6  : i32 {
      %mul3A_14 = arith.constant 2 : i32
      %mul3A_15 = arith.muli %mul3A_14, %scan3A_13 : i32
      %dma_start3A = arith.constant 0 : i32
      %dma_start3A_16 = tpu.memref_slice %arg7[%mul3A_15, %dma_start3A] : memref<20x1024xi32, #tpu.memory_space<vmem>> -> memref<1x1024xi32, #tpu.memory_space<vmem>>
      %dma_start3A_17 = tpu.memref_squeeze %dma_start3A_16 : memref<1x1024xi32, #tpu.memory_space<vmem>> -> memref<1024xi32, #tpu.memory_space<vmem>>
      %dma_start3A_18 = arith.constant 0 : i32
      %dma_start3A_19 = arith.constant 0 : i32
      %dma_start3A_20 = tpu.memref_slice %arg2[%dma_start3A_18, %dma_start3A_19] : memref<20480x32xf32, #tpu.memory_space<hbm>> -> memref<20480x32xf32, #tpu.memory_space<hbm>>
      tpu.enqueue_indirect_dma source(%dma_start3A_20 : memref<20480x32xf32, #tpu.memory_space<hbm>>) target(%arg9 : memref<1024x32xf32, #tpu.memory_space<vmem>>) offsets(%dma_start3A_17 : memref<1024xi32, #tpu.memory_space<vmem>>) semaphore(%arg12 : memref<!tpu.dma_semaphore, #tpu.memory_space<semaphore_mem>>)
      %add3A_21 = arith.constant 1 : i32
      %add3A_22 = arith.addi %mul3A_15, %add3A_21 : i32
      %dma_start3A_23 = arith.constant 0 : i32
      %dma_start3A_24 = tpu.memref_slice %arg7[%add3A_22, %dma_start3A_23] : memref<20x1024xi32, #tpu.memory_space<vmem>> -> memref<1x1024xi32, #tpu.memory_space<vmem>>
      %dma_start3A_25 = tpu.memref_squeeze %dma_start3A_24 : memref<1x1024xi32, #tpu.memory_space<vmem>> -> memref<1024xi32, #tpu.memory_space<vmem>>
      %dma_start3A_26 = arith.constant 0 : i32
      %dma_start3A_27 = arith.constant 0 : i32
      %dma_start3A_28 = tpu.memref_slice %arg2[%dma_start3A_26, %dma_start3A_27] : memref<20480x32xf32, #tpu.memory_space<hbm>> -> memref<20480x32xf32, #tpu.memory_space<hbm>>
      tpu.enqueue_indirect_dma source(%dma_start3A_28 : memref<20480x32xf32, #tpu.memory_space<hbm>>) target(%arg10 : memref<1024x32xf32, #tpu.memory_space<vmem>>) offsets(%dma_start3A_25 : memref<1024xi32, #tpu.memory_space<vmem>>) semaphore(%arg13 : memref<!tpu.dma_semaphore, #tpu.memory_space<semaphore_mem>>)
      %dma_wait3A = arith.constant 0 : i32
      %dma_wait3A_29 = tpu.memref_slice %arg7[%mul3A_15, %dma_wait3A] : memref<20x1024xi32, #tpu.memory_space<vmem>> -> memref<1x1024xi32, #tpu.memory_space<vmem>>
      %dma_wait3A_30 = tpu.memref_squeeze %dma_wait3A_29 : memref<1x1024xi32, #tpu.memory_space<vmem>> -> memref<1024xi32, #tpu.memory_space<vmem>>
      %dma_wait3A_31 = arith.constant 0 : i32
      %dma_wait3A_32 = arith.constant 0 : i32
      %dma_wait3A_33 = tpu.memref_slice %arg2[%dma_wait3A_31, %dma_wait3A_32] : memref<20480x32xf32, #tpu.memory_space<hbm>> -> memref<20480x32xf32, #tpu.memory_space<hbm>>
      tpu.wait_indirect_dma semaphore(%arg12 : memref<!tpu.dma_semaphore, #tpu.memory_space<semaphore_mem>>) src(%dma_wait3A_33 : memref<20480x32xf32, #tpu.memory_space<hbm>>) dst(%arg9 : memref<1024x32xf32, #tpu.memory_space<vmem>>)
      "tpu.region"() ({
        %run_scoped3A = tpu.sem_alloc : memref<!tpu.dma_semaphore, #tpu.memory_space<semaphore_mem>>
        %dma_start3A_44 = arith.constant 0 : i32
        %dma_start3A_45 = tpu.memref_slice %arg8[%mul3A_15, %dma_start3A_44] : memref<20x1024xi32, #tpu.memory_space<vmem>> -> memref<1x1024xi32, #tpu.memory_space<vmem>>
        %dma_start3A_46 = tpu.memref_squeeze %dma_start3A_45 : memref<1x1024xi32, #tpu.memory_space<vmem>> -> memref<1024xi32, #tpu.memory_space<vmem>>
        %dma_start3A_47 = arith.constant 0 : i32
        %dma_start3A_48 = arith.constant 0 : i32
        %dma_start3A_49 = tpu.memref_slice %arg11[%dma_start3A_47, %dma_start3A_48] : memref<10240x32xf32, #tpu.memory_space<vmem_shared>> -> memref<10240x32xf32, #tpu.memory_space<vmem_shared>>
        tpu.enqueue_indirect_dma source(%arg9 : memref<1024x32xf32, #tpu.memory_space<vmem>>) target(%dma_start3A_49 : memref<10240x32xf32, #tpu.memory_space<vmem_shared>>) offsets(%dma_start3A_46 : memref<1024xi32, #tpu.memory_space<vmem>>) semaphore(%run_scoped3A : memref<!tpu.dma_semaphore, #tpu.memory_space<semaphore_mem>>) {add = true}
        %dma_wait3A_50 = arith.constant 0 : i32
        %dma_wait3A_51 = tpu.memref_slice %arg8[%mul3A_15, %dma_wait3A_50] : memref<20x1024xi32, #tpu.memory_space<vmem>> -> memref<1x1024xi32, #tpu.memory_space<vmem>>
        %dma_wait3A_52 = tpu.memref_squeeze %dma_wait3A_51 : memref<1x1024xi32, #tpu.memory_space<vmem>> -> memref<1024xi32, #tpu.memory_space<vmem>>
        %dma_wait3A_53 = arith.constant 0 : i32
        %dma_wait3A_54 = arith.constant 0 : i32
        %dma_wait3A_55 = tpu.memref_slice %arg11[%dma_wait3A_53, %dma_wait3A_54] : memref<10240x32xf32, #tpu.memory_space<vmem_shared>> -> memref<10240x32xf32, #tpu.memory_space<vmem_shared>>
        tpu.wait_indirect_dma semaphore(%run_scoped3A : memref<!tpu.dma_semaphore, #tpu.memory_space<semaphore_mem>>) src(%arg9 : memref<1024x32xf32, #tpu.memory_space<vmem>>) dst(%dma_wait3A_55 : memref<10240x32xf32, #tpu.memory_space<vmem_shared>>)
        tpu.yield
      }) : () -> ()
      %add3A_34 = arith.constant 1 : i32
      %add3A_35 = arith.addi %mul3A_15, %add3A_34 : i32
      %dma_wait3A_36 = arith.constant 0 : i32
      %dma_wait3A_37 = tpu.memref_slice %arg7[%add3A_35, %dma_wait3A_36] : memref<20x1024xi32, #tpu.memory_space<vmem>> -> memref<1x1024xi32, #tpu.memory_space<vmem>>
      %dma_wait3A_38 = tpu.memref_squeeze %dma_wait3A_37 : memref<1x1024xi32, #tpu.memory_space<vmem>> -> memref<1024xi32, #tpu.memory_space<vmem>>
      %dma_wait3A_39 = arith.constant 0 : i32
      %dma_wait3A_40 = arith.constant 0 : i32
      %dma_wait3A_41 = tpu.memref_slice %arg2[%dma_wait3A_39, %dma_wait3A_40] : memref<20480x32xf32, #tpu.memory_space<hbm>> -> memref<20480x32xf32, #tpu.memory_space<hbm>>
      tpu.wait_indirect_dma semaphore(%arg13 : memref<!tpu.dma_semaphore, #tpu.memory_space<semaphore_mem>>) src(%dma_wait3A_41 : memref<20480x32xf32, #tpu.memory_space<hbm>>) dst(%arg10 : memref<1024x32xf32, #tpu.memory_space<vmem>>)
      %add3A_42 = arith.constant 1 : i32
      %add3A_43 = arith.addi %mul3A_15, %add3A_42 : i32
      "tpu.region"() ({
        %run_scoped3A = tpu.sem_alloc : memref<!tpu.dma_semaphore, #tpu.memory_space<semaphore_mem>>
        %dma_start3A_44 = arith.constant 0 : i32
        %dma_start3A_45 = tpu.memref_slice %arg8[%add3A_43, %dma_start3A_44] : memref<20x1024xi32, #tpu.memory_space<vmem>> -> memref<1x1024xi32, #tpu.memory_space<vmem>>
        %dma_start3A_46 = tpu.memref_squeeze %dma_start3A_45 : memref<1x1024xi32, #tpu.memory_space<vmem>> -> memref<1024xi32, #tpu.memory_space<vmem>>
        %dma_start3A_47 = arith.constant 0 : i32
        %dma_start3A_48 = arith.constant 0 : i32
        %dma_start3A_49 = tpu.memref_slice %arg11[%dma_start3A_47, %dma_start3A_48] : memref<10240x32xf32, #tpu.memory_space<vmem_shared>> -> memref<10240x32xf32, #tpu.memory_space<vmem_shared>>
        tpu.enqueue_indirect_dma source(%arg10 : memref<1024x32xf32, #tpu.memory_space<vmem>>) target(%dma_start3A_49 : memref<10240x32xf32, #tpu.memory_space<vmem_shared>>) offsets(%dma_start3A_46 : memref<1024xi32, #tpu.memory_space<vmem>>) semaphore(%run_scoped3A : memref<!tpu.dma_semaphore, #tpu.memory_space<semaphore_mem>>) {add = true}
        %dma_wait3A_50 = arith.constant 0 : i32
        %dma_wait3A_51 = tpu.memref_slice %arg8[%add3A_43, %dma_wait3A_50] : memref<20x1024xi32, #tpu.memory_space<vmem>> -> memref<1x1024xi32, #tpu.memory_space<vmem>>
        %dma_wait3A_52 = tpu.memref_squeeze %dma_wait3A_51 : memref<1x1024xi32, #tpu.memory_space<vmem>> -> memref<1024xi32, #tpu.memory_space<vmem>>
        %dma_wait3A_53 = arith.constant 0 : i32
        %dma_wait3A_54 = arith.constant 0 : i32
        %dma_wait3A_55 = tpu.memref_slice %arg11[%dma_wait3A_53, %dma_wait3A_54] : memref<10240x32xf32, #tpu.memory_space<vmem_shared>> -> memref<10240x32xf32, #tpu.memory_space<vmem_shared>>
        tpu.wait_indirect_dma semaphore(%run_scoped3A : memref<!tpu.dma_semaphore, #tpu.memory_space<semaphore_mem>>) src(%arg10 : memref<1024x32xf32, #tpu.memory_space<vmem>>) dst(%dma_wait3A_55 : memref<10240x32xf32, #tpu.memory_space<vmem_shared>>)
        tpu.yield
      }) : () -> ()
    }
    %scan3A_7 = arith.constant 10 : i32
    %barrier3A_8 = arith.constant 0 : index
    tpu.barrier barrier_id(%barrier3A_8)
    %sub3A = arith.constant 1 : i32
    %sub3A_9 = arith.subi %sub3A, %arg0 : i32
    %mul3A_10 = arith.constant 10240 : i32
    %mul3A_11 = arith.muli %sub3A_9, %mul3A_10 : i32
    %add3A_12 = arith.addi %mul3A_11, %mul3A_2 : i32
    "tpu.region"() ({
      %run_scoped3A = tpu.sem_alloc : memref<!tpu.dma_semaphore, #tpu.memory_space<semaphore_mem>>
      %dma_start3A = arith.constant 0 : i32
      %dma_start3A_13 = tpu.memref_slice %arg6[%add3A_12, %dma_start3A] : memref<20480x32xf32, #tpu.memory_space<hbm>> -> memref<640x32xf32, #tpu.memory_space<hbm>>
      %dma_start3A_14 = arith.constant 0 : i32
      %dma_start3A_15 = tpu.memref_slice %arg11[%mul3A_2, %dma_start3A_14] : memref<10240x32xf32, #tpu.memory_space<vmem_shared>> -> memref<640x32xf32, #tpu.memory_space<vmem_shared>>
      tpu.enqueue_dma source(%dma_start3A_15 : memref<640x32xf32, #tpu.memory_space<vmem_shared>>) target(%dma_start3A_13 : memref<640x32xf32, #tpu.memory_space<hbm>>) target_semaphore(%run_scoped3A : memref<!tpu.dma_semaphore, #tpu.memory_space<semaphore_mem>>)
      %dma_wait3A = arith.constant 0 : i32
      %dma_wait3A_16 = tpu.memref_slice %arg6[%add3A_12, %dma_wait3A] : memref<20480x32xf32, #tpu.memory_space<hbm>> -> memref<640x32xf32, #tpu.memory_space<hbm>>
      %dma_wait3A_17 = arith.constant 0 : i32
      %dma_wait3A_18 = tpu.memref_slice %arg11[%mul3A_2, %dma_wait3A_17] : memref<10240x32xf32, #tpu.memory_space<vmem_shared>> -> memref<640x32xf32, #tpu.memory_space<vmem_shared>>
      tpu.wait_dma2 semaphore(%run_scoped3A : memref<!tpu.dma_semaphore, #tpu.memory_space<semaphore_mem>>) src(%dma_wait3A_18 : memref<640x32xf32, #tpu.memory_space<vmem_shared>>) dst(%dma_wait3A_16 : memref<640x32xf32, #tpu.memory_space<hbm>>)
      tpu.yield
    }) : () -> ()
    return
  }
}

#map = affine_map<(d0, d1) -> (0, 0)>
#map1 = affine_map<(d0, d1) -> (0, 0, 0)>
module attributes {stable_mosaic.version = 14 : i64} {
  func.func @_sc_scatter_kernel(%arg0: i32, %arg1: i32, %arg2: memref<20480x32xf32, #tpu.memory_space<hbm>>, %arg3: memref<32x20x1024xi32, #tpu.memory_space<hbm>>, %arg4: memref<32x20x1024xi32, #tpu.memory_space<hbm>>, %arg5: memref<640x32xf32, #tpu.memory_space<hbm>>, %arg6: memref<20480x32xf32, #tpu.memory_space<hbm>>, %arg7: memref<20x1024xi32, #tpu.memory_space<vmem>>, %arg8: memref<20x1024xi32, #tpu.memory_space<vmem>>, %arg9: memref<1024x32xf32, #tpu.memory_space<vmem>>, %arg10: memref<1024x32xf32, #tpu.memory_space<vmem>>, %arg11: memref<10240x32xf32, #tpu.memory_space<vmem_shared>>, %arg12: memref<!tpu.dma_semaphore, #tpu.memory_space<semaphore_mem>>, %arg13: memref<!tpu.dma_semaphore, #tpu.memory_space<semaphore_mem>>) attributes {dimension_semantics = [#tpu.dimension_semantics<core_parallel>, #tpu.dimension_semantics<subcore_parallel>], iteration_bounds = array<i64: 2, 16>, scalar_prefetch = 0 : i64, scratch_operands = 7 : i64, tpu.core_type = #tpu.core_type<sc_vector_subcore>, window_params = [{transform_indices = #map}, {transform_indices = #map1}, {transform_indices = #map1}, {transform_indices = #map}, {transform_indices = #map}]} {
    %mul3A = arith.constant 16 : i32
    %mul3A_0 = arith.muli %arg0, %mul3A : i32
    %add3A = arith.addi %mul3A_0, %arg1 : i32
    "tpu.region"() ({
      %run_scoped3A = tpu.sem_alloc : memref<!tpu.dma_semaphore, #tpu.memory_space<semaphore_mem>>
      %dma_start3A = arith.constant 0 : i32
      %dma_start3A_13 = arith.constant 0 : i32
      %dma_start3A_14 = tpu.memref_slice %arg3[%add3A, %dma_start3A, %dma_start3A_13] : memref<32x20x1024xi32, #tpu.memory_space<hbm>> -> memref<1x20x1024xi32, #tpu.memory_space<hbm>>
      %dma_start3A_15 = tpu.memref_squeeze %dma_start3A_14 : memref<1x20x1024xi32, #tpu.memory_space<hbm>> -> memref<20x1024xi32, #tpu.memory_space<hbm>>
      %dma_start3A_16 = arith.constant 0 : i32
      %dma_start3A_17 = arith.constant 0 : i32
      %dma_start3A_18 = tpu.memref_slice %arg3[%add3A, %dma_start3A_16, %dma_start3A_17] : memref<32x20x1024xi32, #tpu.memory_space<hbm>> -> memref<1x20x1024xi32, #tpu.memory_space<hbm>>
      %dma_start3A_19 = tpu.memref_squeeze %dma_start3A_18 : memref<1x20x1024xi32, #tpu.memory_space<hbm>> -> memref<20x1024xi32, #tpu.memory_space<hbm>>
      tpu.enqueue_dma source(%dma_start3A_19 : memref<20x1024xi32, #tpu.memory_space<hbm>>) target(%arg7 : memref<20x1024xi32, #tpu.memory_space<vmem>>) target_semaphore(%run_scoped3A : memref<!tpu.dma_semaphore, #tpu.memory_space<semaphore_mem>>)
      %dma_wait3A = arith.constant 0 : i32
      %dma_wait3A_20 = arith.constant 0 : i32
      %dma_wait3A_21 = tpu.memref_slice %arg3[%add3A, %dma_wait3A, %dma_wait3A_20] : memref<32x20x1024xi32, #tpu.memory_space<hbm>> -> memref<1x20x1024xi32, #tpu.memory_space<hbm>>
      %dma_wait3A_22 = tpu.memref_squeeze %dma_wait3A_21 : memref<1x20x1024xi32, #tpu.memory_space<hbm>> -> memref<20x1024xi32, #tpu.memory_space<hbm>>
      %dma_wait3A_23 = arith.constant 0 : i32
      %dma_wait3A_24 = arith.constant 0 : i32
      %dma_wait3A_25 = tpu.memref_slice %arg3[%add3A, %dma_wait3A_23, %dma_wait3A_24] : memref<32x20x1024xi32, #tpu.memory_space<hbm>> -> memref<1x20x1024xi32, #tpu.memory_space<hbm>>
      %dma_wait3A_26 = tpu.memref_squeeze %dma_wait3A_25 : memref<1x20x1024xi32, #tpu.memory_space<hbm>> -> memref<20x1024xi32, #tpu.memory_space<hbm>>
      tpu.wait_dma2 semaphore(%run_scoped3A : memref<!tpu.dma_semaphore, #tpu.memory_space<semaphore_mem>>) src(%dma_wait3A_26 : memref<20x1024xi32, #tpu.memory_space<hbm>>) dst(%arg7 : memref<20x1024xi32, #tpu.memory_space<vmem>>)
      tpu.yield
    }) : () -> ()
    "tpu.region"() ({
      %run_scoped3A = tpu.sem_alloc : memref<!tpu.dma_semaphore, #tpu.memory_space<semaphore_mem>>
      %dma_start3A = arith.constant 0 : i32
      %dma_start3A_13 = arith.constant 0 : i32
      %dma_start3A_14 = tpu.memref_slice %arg4[%add3A, %dma_start3A, %dma_start3A_13] : memref<32x20x1024xi32, #tpu.memory_space<hbm>> -> memref<1x20x1024xi32, #tpu.memory_space<hbm>>
      %dma_start3A_15 = tpu.memref_squeeze %dma_start3A_14 : memref<1x20x1024xi32, #tpu.memory_space<hbm>> -> memref<20x1024xi32, #tpu.memory_space<hbm>>
      %dma_start3A_16 = arith.constant 0 : i32
      %dma_start3A_17 = arith.constant 0 : i32
      %dma_start3A_18 = tpu.memref_slice %arg4[%add3A, %dma_start3A_16, %dma_start3A_17] : memref<32x20x1024xi32, #tpu.memory_space<hbm>> -> memref<1x20x1024xi32, #tpu.memory_space<hbm>>
      %dma_start3A_19 = tpu.memref_squeeze %dma_start3A_18 : memref<1x20x1024xi32, #tpu.memory_space<hbm>> -> memref<20x1024xi32, #tpu.memory_space<hbm>>
      tpu.enqueue_dma source(%dma_start3A_19 : memref<20x1024xi32, #tpu.memory_space<hbm>>) target(%arg8 : memref<20x1024xi32, #tpu.memory_space<vmem>>) target_semaphore(%run_scoped3A : memref<!tpu.dma_semaphore, #tpu.memory_space<semaphore_mem>>)
      %dma_wait3A = arith.constant 0 : i32
      %dma_wait3A_20 = arith.constant 0 : i32
      %dma_wait3A_21 = tpu.memref_slice %arg4[%add3A, %dma_wait3A, %dma_wait3A_20] : memref<32x20x1024xi32, #tpu.memory_space<hbm>> -> memref<1x20x1024xi32, #tpu.memory_space<hbm>>
      %dma_wait3A_22 = tpu.memref_squeeze %dma_wait3A_21 : memref<1x20x1024xi32, #tpu.memory_space<hbm>> -> memref<20x1024xi32, #tpu.memory_space<hbm>>
      %dma_wait3A_23 = arith.constant 0 : i32
      %dma_wait3A_24 = arith.constant 0 : i32
      %dma_wait3A_25 = tpu.memref_slice %arg4[%add3A, %dma_wait3A_23, %dma_wait3A_24] : memref<32x20x1024xi32, #tpu.memory_space<hbm>> -> memref<1x20x1024xi32, #tpu.memory_space<hbm>>
      %dma_wait3A_26 = tpu.memref_squeeze %dma_wait3A_25 : memref<1x20x1024xi32, #tpu.memory_space<hbm>> -> memref<20x1024xi32, #tpu.memory_space<hbm>>
      tpu.wait_dma2 semaphore(%run_scoped3A : memref<!tpu.dma_semaphore, #tpu.memory_space<semaphore_mem>>) src(%dma_wait3A_26 : memref<20x1024xi32, #tpu.memory_space<hbm>>) dst(%arg8 : memref<20x1024xi32, #tpu.memory_space<vmem>>)
      tpu.yield
    }) : () -> ()
    %mul3A_1 = arith.constant 640 : i32
    %mul3A_2 = arith.muli %arg1, %mul3A_1 : i32
    "tpu.region"() ({
      %run_scoped3A = tpu.sem_alloc : memref<!tpu.dma_semaphore, #tpu.memory_space<semaphore_mem>>
      %dma_start3A = arith.constant 0 : i32
      %dma_start3A_13 = tpu.memref_slice %arg11[%mul3A_2, %dma_start3A] : memref<10240x32xf32, #tpu.memory_space<vmem_shared>> -> memref<640x32xf32, #tpu.memory_space<vmem_shared>>
      tpu.enqueue_dma source(%arg5 : memref<640x32xf32, #tpu.memory_space<hbm>>) target(%dma_start3A_13 : memref<640x32xf32, #tpu.memory_space<vmem_shared>>) target_semaphore(%run_scoped3A : memref<!tpu.dma_semaphore, #tpu.memory_space<semaphore_mem>>)
      %dma_wait3A = arith.constant 0 : i32
      %dma_wait3A_14 = tpu.memref_slice %arg11[%mul3A_2, %dma_wait3A] : memref<10240x32xf32, #tpu.memory_space<vmem_shared>> -> memref<640x32xf32, #tpu.memory_space<vmem_shared>>
      tpu.wait_dma2 semaphore(%run_scoped3A : memref<!tpu.dma_semaphore, #tpu.memory_space<semaphore_mem>>) src(%arg5 : memref<640x32xf32, #tpu.memory_space<hbm>>) dst(%dma_wait3A_14 : memref<640x32xf32, #tpu.memory_space<vmem_shared>>)
      tpu.yield
    }) : () -> ()
    %barrier3A = arith.constant 0 : index
    tpu.barrier barrier_id(%barrier3A)
    %scan3A = arith.constant 0 : i32
    %scan3A_3 = arith.constant 0 : i32
    %scan3A_4 = arith.constant 10 : i32
    %scan3A_5 = arith.addi %scan3A_3, %scan3A_4 : i32
    %scan3A_6 = arith.constant 1 : i32
    scf.for %scan3A_13 = %scan3A_3 to %scan3A_5 step %scan3A_6  : i32 {
      %mul3A_14 = arith.constant 2 : i32
      %mul3A_15 = arith.muli %mul3A_14, %scan3A_13 : i32
      %dma_start3A = arith.constant 0 : i32
      %dma_start3A_16 = tpu.memref_slice %arg7[%mul3A_15, %dma_start3A] : memref<20x1024xi32, #tpu.memory_space<vmem>> -> memref<1x1024xi32, #tpu.memory_space<vmem>>
      %dma_start3A_17 = tpu.memref_squeeze %dma_start3A_16 : memref<1x1024xi32, #tpu.memory_space<vmem>> -> memref<1024xi32, #tpu.memory_space<vmem>>
      %dma_start3A_18 = arith.constant 0 : i32
      %dma_start3A_19 = arith.constant 0 : i32
      %dma_start3A_20 = tpu.memref_slice %arg2[%dma_start3A_18, %dma_start3A_19] : memref<20480x32xf32, #tpu.memory_space<hbm>> -> memref<20480x32xf32, #tpu.memory_space<hbm>>
      tpu.enqueue_indirect_dma source(%dma_start3A_20 : memref<20480x32xf32, #tpu.memory_space<hbm>>) target(%arg9 : memref<1024x32xf32, #tpu.memory_space<vmem>>) offsets(%dma_start3A_17 : memref<1024xi32, #tpu.memory_space<vmem>>) semaphore(%arg12 : memref<!tpu.dma_semaphore, #tpu.memory_space<semaphore_mem>>)
      %add3A_21 = arith.constant 1 : i32
      %add3A_22 = arith.addi %mul3A_15, %add3A_21 : i32
      %dma_start3A_23 = arith.constant 0 : i32
      %dma_start3A_24 = tpu.memref_slice %arg7[%add3A_22, %dma_start3A_23] : memref<20x1024xi32, #tpu.memory_space<vmem>> -> memref<1x1024xi32, #tpu.memory_space<vmem>>
      %dma_start3A_25 = tpu.memref_squeeze %dma_start3A_24 : memref<1x1024xi32, #tpu.memory_space<vmem>> -> memref<1024xi32, #tpu.memory_space<vmem>>
      %dma_start3A_26 = arith.constant 0 : i32
      %dma_start3A_27 = arith.constant 0 : i32
      %dma_start3A_28 = tpu.memref_slice %arg2[%dma_start3A_26, %dma_start3A_27] : memref<20480x32xf32, #tpu.memory_space<hbm>> -> memref<20480x32xf32, #tpu.memory_space<hbm>>
      tpu.enqueue_indirect_dma source(%dma_start3A_28 : memref<20480x32xf32, #tpu.memory_space<hbm>>) target(%arg10 : memref<1024x32xf32, #tpu.memory_space<vmem>>) offsets(%dma_start3A_25 : memref<1024xi32, #tpu.memory_space<vmem>>) semaphore(%arg13 : memref<!tpu.dma_semaphore, #tpu.memory_space<semaphore_mem>>)
      %dma_wait3A = arith.constant 0 : i32
      %dma_wait3A_29 = tpu.memref_slice %arg7[%mul3A_15, %dma_wait3A] : memref<20x1024xi32, #tpu.memory_space<vmem>> -> memref<1x1024xi32, #tpu.memory_space<vmem>>
      %dma_wait3A_30 = tpu.memref_squeeze %dma_wait3A_29 : memref<1x1024xi32, #tpu.memory_space<vmem>> -> memref<1024xi32, #tpu.memory_space<vmem>>
      %dma_wait3A_31 = arith.constant 0 : i32
      %dma_wait3A_32 = arith.constant 0 : i32
      %dma_wait3A_33 = tpu.memref_slice %arg2[%dma_wait3A_31, %dma_wait3A_32] : memref<20480x32xf32, #tpu.memory_space<hbm>> -> memref<20480x32xf32, #tpu.memory_space<hbm>>
      tpu.wait_indirect_dma semaphore(%arg12 : memref<!tpu.dma_semaphore, #tpu.memory_space<semaphore_mem>>) src(%dma_wait3A_33 : memref<20480x32xf32, #tpu.memory_space<hbm>>) dst(%arg9 : memref<1024x32xf32, #tpu.memory_space<vmem>>)
      "tpu.region"() ({
        %run_scoped3A = tpu.sem_alloc : memref<!tpu.dma_semaphore, #tpu.memory_space<semaphore_mem>>
        %dma_start3A_44 = arith.constant 0 : i32
        %dma_start3A_45 = tpu.memref_slice %arg8[%mul3A_15, %dma_start3A_44] : memref<20x1024xi32, #tpu.memory_space<vmem>> -> memref<1x1024xi32, #tpu.memory_space<vmem>>
        %dma_start3A_46 = tpu.memref_squeeze %dma_start3A_45 : memref<1x1024xi32, #tpu.memory_space<vmem>> -> memref<1024xi32, #tpu.memory_space<vmem>>
        %dma_start3A_47 = arith.constant 0 : i32
        %dma_start3A_48 = arith.constant 0 : i32
        %dma_start3A_49 = tpu.memref_slice %arg11[%dma_start3A_47, %dma_start3A_48] : memref<10240x32xf32, #tpu.memory_space<vmem_shared>> -> memref<10240x32xf32, #tpu.memory_space<vmem_shared>>
        tpu.enqueue_indirect_dma source(%arg9 : memref<1024x32xf32, #tpu.memory_space<vmem>>) target(%dma_start3A_49 : memref<10240x32xf32, #tpu.memory_space<vmem_shared>>) offsets(%dma_start3A_46 : memref<1024xi32, #tpu.memory_space<vmem>>) semaphore(%run_scoped3A : memref<!tpu.dma_semaphore, #tpu.memory_space<semaphore_mem>>) {add = true}
        %dma_wait3A_50 = arith.constant 0 : i32
        %dma_wait3A_51 = tpu.memref_slice %arg8[%mul3A_15, %dma_wait3A_50] : memref<20x1024xi32, #tpu.memory_space<vmem>> -> memref<1x1024xi32, #tpu.memory_space<vmem>>
        %dma_wait3A_52 = tpu.memref_squeeze %dma_wait3A_51 : memref<1x1024xi32, #tpu.memory_space<vmem>> -> memref<1024xi32, #tpu.memory_space<vmem>>
        %dma_wait3A_53 = arith.constant 0 : i32
        %dma_wait3A_54 = arith.constant 0 : i32
        %dma_wait3A_55 = tpu.memref_slice %arg11[%dma_wait3A_53, %dma_wait3A_54] : memref<10240x32xf32, #tpu.memory_space<vmem_shared>> -> memref<10240x32xf32, #tpu.memory_space<vmem_shared>>
        tpu.wait_indirect_dma semaphore(%run_scoped3A : memref<!tpu.dma_semaphore, #tpu.memory_space<semaphore_mem>>) src(%arg9 : memref<1024x32xf32, #tpu.memory_space<vmem>>) dst(%dma_wait3A_55 : memref<10240x32xf32, #tpu.memory_space<vmem_shared>>)
        tpu.yield
      }) : () -> ()
      %add3A_34 = arith.constant 1 : i32
      %add3A_35 = arith.addi %mul3A_15, %add3A_34 : i32
      %dma_wait3A_36 = arith.constant 0 : i32
      %dma_wait3A_37 = tpu.memref_slice %arg7[%add3A_35, %dma_wait3A_36] : memref<20x1024xi32, #tpu.memory_space<vmem>> -> memref<1x1024xi32, #tpu.memory_space<vmem>>
      %dma_wait3A_38 = tpu.memref_squeeze %dma_wait3A_37 : memref<1x1024xi32, #tpu.memory_space<vmem>> -> memref<1024xi32, #tpu.memory_space<vmem>>
      %dma_wait3A_39 = arith.constant 0 : i32
      %dma_wait3A_40 = arith.constant 0 : i32
      %dma_wait3A_41 = tpu.memref_slice %arg2[%dma_wait3A_39, %dma_wait3A_40] : memref<20480x32xf32, #tpu.memory_space<hbm>> -> memref<20480x32xf32, #tpu.memory_space<hbm>>
      tpu.wait_indirect_dma semaphore(%arg13 : memref<!tpu.dma_semaphore, #tpu.memory_space<semaphore_mem>>) src(%dma_wait3A_41 : memref<20480x32xf32, #tpu.memory_space<hbm>>) dst(%arg10 : memref<1024x32xf32, #tpu.memory_space<vmem>>)
      %add3A_42 = arith.constant 1 : i32
      %add3A_43 = arith.addi %mul3A_15, %add3A_42 : i32
      "tpu.region"() ({
        %run_scoped3A = tpu.sem_alloc : memref<!tpu.dma_semaphore, #tpu.memory_space<semaphore_mem>>
        %dma_start3A_44 = arith.constant 0 : i32
        %dma_start3A_45 = tpu.memref_slice %arg8[%add3A_43, %dma_start3A_44] : memref<20x1024xi32, #tpu.memory_space<vmem>> -> memref<1x1024xi32, #tpu.memory_space<vmem>>
        %dma_start3A_46 = tpu.memref_squeeze %dma_start3A_45 : memref<1x1024xi32, #tpu.memory_space<vmem>> -> memref<1024xi32, #tpu.memory_space<vmem>>
        %dma_start3A_47 = arith.constant 0 : i32
        %dma_start3A_48 = arith.constant 0 : i32
        %dma_start3A_49 = tpu.memref_slice %arg11[%dma_start3A_47, %dma_start3A_48] : memref<10240x32xf32, #tpu.memory_space<vmem_shared>> -> memref<10240x32xf32, #tpu.memory_space<vmem_shared>>
        tpu.enqueue_indirect_dma source(%arg10 : memref<1024x32xf32, #tpu.memory_space<vmem>>) target(%dma_start3A_49 : memref<10240x32xf32, #tpu.memory_space<vmem_shared>>) offsets(%dma_start3A_46 : memref<1024xi32, #tpu.memory_space<vmem>>) semaphore(%run_scoped3A : memref<!tpu.dma_semaphore, #tpu.memory_space<semaphore_mem>>) {add = true}
        %dma_wait3A_50 = arith.constant 0 : i32
        %dma_wait3A_51 = tpu.memref_slice %arg8[%add3A_43, %dma_wait3A_50] : memref<20x1024xi32, #tpu.memory_space<vmem>> -> memref<1x1024xi32, #tpu.memory_space<vmem>>
        %dma_wait3A_52 = tpu.memref_squeeze %dma_wait3A_51 : memref<1x1024xi32, #tpu.memory_space<vmem>> -> memref<1024xi32, #tpu.memory_space<vmem>>
        %dma_wait3A_53 = arith.constant 0 : i32
        %dma_wait3A_54 = arith.constant 0 : i32
        %dma_wait3A_55 = tpu.memref_slice %arg11[%dma_wait3A_53, %dma_wait3A_54] : memref<10240x32xf32, #tpu.memory_space<vmem_shared>> -> memref<10240x32xf32, #tpu.memory_space<vmem_shared>>
        tpu.wait_indirect_dma semaphore(%run_scoped3A : memref<!tpu.dma_semaphore, #tpu.memory_space<semaphore_mem>>) src(%arg10 : memref<1024x32xf32, #tpu.memory_space<vmem>>) dst(%dma_wait3A_55 : memref<10240x32xf32, #tpu.memory_space<vmem_shared>>)
        tpu.yield
      }) : () -> ()
    }
    %scan3A_7 = arith.constant 10 : i32
    %barrier3A_8 = arith.constant 0 : index
    tpu.barrier barrier_id(%barrier3A_8)
    %sub3A = arith.constant 1 : i32
    %sub3A_9 = arith.subi %sub3A, %arg0 : i32
    %mul3A_10 = arith.constant 10240 : i32
    %mul3A_11 = arith.muli %sub3A_9, %mul3A_10 : i32
    %add3A_12 = arith.addi %mul3A_11, %mul3A_2 : i32
    "tpu.region"() ({
      %run_scoped3A = tpu.sem_alloc : memref<!tpu.dma_semaphore, #tpu.memory_space<semaphore_mem>>
      %dma_start3A = arith.constant 0 : i32
      %dma_start3A_13 = tpu.memref_slice %arg6[%add3A_12, %dma_start3A] : memref<20480x32xf32, #tpu.memory_space<hbm>> -> memref<640x32xf32, #tpu.memory_space<hbm>>
      %dma_start3A_14 = arith.constant 0 : i32
      %dma_start3A_15 = tpu.memref_slice %arg11[%mul3A_2, %dma_start3A_14] : memref<10240x32xf32, #tpu.memory_space<vmem_shared>> -> memref<640x32xf32, #tpu.memory_space<vmem_shared>>
      tpu.enqueue_dma source(%dma_start3A_15 : memref<640x32xf32, #tpu.memory_space<vmem_shared>>) target(%dma_start3A_13 : memref<640x32xf32, #tpu.memory_space<hbm>>) target_semaphore(%run_scoped3A : memref<!tpu.dma_semaphore, #tpu.memory_space<semaphore_mem>>)
      %dma_wait3A = arith.constant 0 : i32
      %dma_wait3A_16 = tpu.memref_slice %arg6[%add3A_12, %dma_wait3A] : memref<20480x32xf32, #tpu.memory_space<hbm>> -> memref<640x32xf32, #tpu.memory_space<hbm>>
      %dma_wait3A_17 = arith.constant 0 : i32
      %dma_wait3A_18 = tpu.memref_slice %arg11[%mul3A_2, %dma_wait3A_17] : memref<10240x32xf32, #tpu.memory_space<vmem_shared>> -> memref<640x32xf32, #tpu.memory_space<vmem_shared>>
      tpu.wait_dma2 semaphore(%run_scoped3A : memref<!tpu.dma_semaphore, #tpu.memory_space<semaphore_mem>>) src(%dma_wait3A_18 : memref<640x32xf32, #tpu.memory_space<vmem_shared>>) dst(%dma_wait3A_16 : memref<640x32xf32, #tpu.memory_space<hbm>>)
      tpu.yield
    }) : () -> ()
    return
  }
}

#map = affine_map<(d0, d1) -> (0, 0)>
#map1 = affine_map<(d0, d1) -> (0, 0, 0)>
module attributes {stable_mosaic.version = 14 : i64} {
  func.func @_sc_scatter_kernel(%arg0: i32, %arg1: i32, %arg2: memref<20480x32xf32, #tpu.memory_space<hbm>>, %arg3: memref<32x20x1024xi32, #tpu.memory_space<hbm>>, %arg4: memref<32x20x1024xi32, #tpu.memory_space<hbm>>, %arg5: memref<640x32xf32, #tpu.memory_space<hbm>>, %arg6: memref<20480x32xf32, #tpu.memory_space<hbm>>, %arg7: memref<20x1024xi32, #tpu.memory_space<vmem>>, %arg8: memref<20x1024xi32, #tpu.memory_space<vmem>>, %arg9: memref<1024x32xf32, #tpu.memory_space<vmem>>, %arg10: memref<1024x32xf32, #tpu.memory_space<vmem>>, %arg11: memref<10240x32xf32, #tpu.memory_space<vmem_shared>>, %arg12: memref<!tpu.dma_semaphore, #tpu.memory_space<semaphore_mem>>, %arg13: memref<!tpu.dma_semaphore, #tpu.memory_space<semaphore_mem>>) attributes {dimension_semantics = [#tpu.dimension_semantics<core_parallel>, #tpu.dimension_semantics<subcore_parallel>], iteration_bounds = array<i64: 2, 16>, scalar_prefetch = 0 : i64, scratch_operands = 7 : i64, tpu.core_type = #tpu.core_type<sc_vector_subcore>, window_params = [{transform_indices = #map}, {transform_indices = #map1}, {transform_indices = #map1}, {transform_indices = #map}, {transform_indices = #map}]} {
    %mul3A = arith.constant 16 : i32
    %mul3A_0 = arith.muli %arg0, %mul3A : i32
    %add3A = arith.addi %mul3A_0, %arg1 : i32
    "tpu.region"() ({
      %run_scoped3A = tpu.sem_alloc : memref<!tpu.dma_semaphore, #tpu.memory_space<semaphore_mem>>
      %dma_start3A = arith.constant 0 : i32
      %dma_start3A_13 = arith.constant 0 : i32
      %dma_start3A_14 = tpu.memref_slice %arg3[%add3A, %dma_start3A, %dma_start3A_13] : memref<32x20x1024xi32, #tpu.memory_space<hbm>> -> memref<1x20x1024xi32, #tpu.memory_space<hbm>>
      %dma_start3A_15 = tpu.memref_squeeze %dma_start3A_14 : memref<1x20x1024xi32, #tpu.memory_space<hbm>> -> memref<20x1024xi32, #tpu.memory_space<hbm>>
      %dma_start3A_16 = arith.constant 0 : i32
      %dma_start3A_17 = arith.constant 0 : i32
      %dma_start3A_18 = tpu.memref_slice %arg3[%add3A, %dma_start3A_16, %dma_start3A_17] : memref<32x20x1024xi32, #tpu.memory_space<hbm>> -> memref<1x20x1024xi32, #tpu.memory_space<hbm>>
      %dma_start3A_19 = tpu.memref_squeeze %dma_start3A_18 : memref<1x20x1024xi32, #tpu.memory_space<hbm>> -> memref<20x1024xi32, #tpu.memory_space<hbm>>
      tpu.enqueue_dma source(%dma_start3A_19 : memref<20x1024xi32, #tpu.memory_space<hbm>>) target(%arg7 : memref<20x1024xi32, #tpu.memory_space<vmem>>) target_semaphore(%run_scoped3A : memref<!tpu.dma_semaphore, #tpu.memory_space<semaphore_mem>>)
      %dma_wait3A = arith.constant 0 : i32
      %dma_wait3A_20 = arith.constant 0 : i32
      %dma_wait3A_21 = tpu.memref_slice %arg3[%add3A, %dma_wait3A, %dma_wait3A_20] : memref<32x20x1024xi32, #tpu.memory_space<hbm>> -> memref<1x20x1024xi32, #tpu.memory_space<hbm>>
      %dma_wait3A_22 = tpu.memref_squeeze %dma_wait3A_21 : memref<1x20x1024xi32, #tpu.memory_space<hbm>> -> memref<20x1024xi32, #tpu.memory_space<hbm>>
      %dma_wait3A_23 = arith.constant 0 : i32
      %dma_wait3A_24 = arith.constant 0 : i32
      %dma_wait3A_25 = tpu.memref_slice %arg3[%add3A, %dma_wait3A_23, %dma_wait3A_24] : memref<32x20x1024xi32, #tpu.memory_space<hbm>> -> memref<1x20x1024xi32, #tpu.memory_space<hbm>>
      %dma_wait3A_26 = tpu.memref_squeeze %dma_wait3A_25 : memref<1x20x1024xi32, #tpu.memory_space<hbm>> -> memref<20x1024xi32, #tpu.memory_space<hbm>>
      tpu.wait_dma2 semaphore(%run_scoped3A : memref<!tpu.dma_semaphore, #tpu.memory_space<semaphore_mem>>) src(%dma_wait3A_26 : memref<20x1024xi32, #tpu.memory_space<hbm>>) dst(%arg7 : memref<20x1024xi32, #tpu.memory_space<vmem>>)
      tpu.yield
    }) : () -> ()
    "tpu.region"() ({
      %run_scoped3A = tpu.sem_alloc : memref<!tpu.dma_semaphore, #tpu.memory_space<semaphore_mem>>
      %dma_start3A = arith.constant 0 : i32
      %dma_start3A_13 = arith.constant 0 : i32
      %dma_start3A_14 = tpu.memref_slice %arg4[%add3A, %dma_start3A, %dma_start3A_13] : memref<32x20x1024xi32, #tpu.memory_space<hbm>> -> memref<1x20x1024xi32, #tpu.memory_space<hbm>>
      %dma_start3A_15 = tpu.memref_squeeze %dma_start3A_14 : memref<1x20x1024xi32, #tpu.memory_space<hbm>> -> memref<20x1024xi32, #tpu.memory_space<hbm>>
      %dma_start3A_16 = arith.constant 0 : i32
      %dma_start3A_17 = arith.constant 0 : i32
      %dma_start3A_18 = tpu.memref_slice %arg4[%add3A, %dma_start3A_16, %dma_start3A_17] : memref<32x20x1024xi32, #tpu.memory_space<hbm>> -> memref<1x20x1024xi32, #tpu.memory_space<hbm>>
      %dma_start3A_19 = tpu.memref_squeeze %dma_start3A_18 : memref<1x20x1024xi32, #tpu.memory_space<hbm>> -> memref<20x1024xi32, #tpu.memory_space<hbm>>
      tpu.enqueue_dma source(%dma_start3A_19 : memref<20x1024xi32, #tpu.memory_space<hbm>>) target(%arg8 : memref<20x1024xi32, #tpu.memory_space<vmem>>) target_semaphore(%run_scoped3A : memref<!tpu.dma_semaphore, #tpu.memory_space<semaphore_mem>>)
      %dma_wait3A = arith.constant 0 : i32
      %dma_wait3A_20 = arith.constant 0 : i32
      %dma_wait3A_21 = tpu.memref_slice %arg4[%add3A, %dma_wait3A, %dma_wait3A_20] : memref<32x20x1024xi32, #tpu.memory_space<hbm>> -> memref<1x20x1024xi32, #tpu.memory_space<hbm>>
      %dma_wait3A_22 = tpu.memref_squeeze %dma_wait3A_21 : memref<1x20x1024xi32, #tpu.memory_space<hbm>> -> memref<20x1024xi32, #tpu.memory_space<hbm>>
      %dma_wait3A_23 = arith.constant 0 : i32
      %dma_wait3A_24 = arith.constant 0 : i32
      %dma_wait3A_25 = tpu.memref_slice %arg4[%add3A, %dma_wait3A_23, %dma_wait3A_24] : memref<32x20x1024xi32, #tpu.memory_space<hbm>> -> memref<1x20x1024xi32, #tpu.memory_space<hbm>>
      %dma_wait3A_26 = tpu.memref_squeeze %dma_wait3A_25 : memref<1x20x1024xi32, #tpu.memory_space<hbm>> -> memref<20x1024xi32, #tpu.memory_space<hbm>>
      tpu.wait_dma2 semaphore(%run_scoped3A : memref<!tpu.dma_semaphore, #tpu.memory_space<semaphore_mem>>) src(%dma_wait3A_26 : memref<20x1024xi32, #tpu.memory_space<hbm>>) dst(%arg8 : memref<20x1024xi32, #tpu.memory_space<vmem>>)
      tpu.yield
    }) : () -> ()
    %mul3A_1 = arith.constant 640 : i32
    %mul3A_2 = arith.muli %arg1, %mul3A_1 : i32
    "tpu.region"() ({
      %run_scoped3A = tpu.sem_alloc : memref<!tpu.dma_semaphore, #tpu.memory_space<semaphore_mem>>
      %dma_start3A = arith.constant 0 : i32
      %dma_start3A_13 = tpu.memref_slice %arg11[%mul3A_2, %dma_start3A] : memref<10240x32xf32, #tpu.memory_space<vmem_shared>> -> memref<640x32xf32, #tpu.memory_space<vmem_shared>>
      tpu.enqueue_dma source(%arg5 : memref<640x32xf32, #tpu.memory_space<hbm>>) target(%dma_start3A_13 : memref<640x32xf32, #tpu.memory_space<vmem_shared>>) target_semaphore(%run_scoped3A : memref<!tpu.dma_semaphore, #tpu.memory_space<semaphore_mem>>)
      %dma_wait3A = arith.constant 0 : i32
      %dma_wait3A_14 = tpu.memref_slice %arg11[%mul3A_2, %dma_wait3A] : memref<10240x32xf32, #tpu.memory_space<vmem_shared>> -> memref<640x32xf32, #tpu.memory_space<vmem_shared>>
      tpu.wait_dma2 semaphore(%run_scoped3A : memref<!tpu.dma_semaphore, #tpu.memory_space<semaphore_mem>>) src(%arg5 : memref<640x32xf32, #tpu.memory_space<hbm>>) dst(%dma_wait3A_14 : memref<640x32xf32, #tpu.memory_space<vmem_shared>>)
      tpu.yield
    }) : () -> ()
    %barrier3A = arith.constant 0 : index
    tpu.barrier barrier_id(%barrier3A)
    %scan3A = arith.constant 0 : i32
    %scan3A_3 = arith.constant 0 : i32
    %scan3A_4 = arith.constant 10 : i32
    %scan3A_5 = arith.addi %scan3A_3, %scan3A_4 : i32
    %scan3A_6 = arith.constant 1 : i32
    scf.for %scan3A_13 = %scan3A_3 to %scan3A_5 step %scan3A_6  : i32 {
      %mul3A_14 = arith.constant 2 : i32
      %mul3A_15 = arith.muli %mul3A_14, %scan3A_13 : i32
      %dma_start3A = arith.constant 0 : i32
      %dma_start3A_16 = tpu.memref_slice %arg7[%mul3A_15, %dma_start3A] : memref<20x1024xi32, #tpu.memory_space<vmem>> -> memref<1x1024xi32, #tpu.memory_space<vmem>>
      %dma_start3A_17 = tpu.memref_squeeze %dma_start3A_16 : memref<1x1024xi32, #tpu.memory_space<vmem>> -> memref<1024xi32, #tpu.memory_space<vmem>>
      %dma_start3A_18 = arith.constant 0 : i32
      %dma_start3A_19 = arith.constant 0 : i32
      %dma_start3A_20 = tpu.memref_slice %arg2[%dma_start3A_18, %dma_start3A_19] : memref<20480x32xf32, #tpu.memory_space<hbm>> -> memref<20480x32xf32, #tpu.memory_space<hbm>>
      tpu.enqueue_indirect_dma source(%dma_start3A_20 : memref<20480x32xf32, #tpu.memory_space<hbm>>) target(%arg9 : memref<1024x32xf32, #tpu.memory_space<vmem>>) offsets(%dma_start3A_17 : memref<1024xi32, #tpu.memory_space<vmem>>) semaphore(%arg12 : memref<!tpu.dma_semaphore, #tpu.memory_space<semaphore_mem>>)
      %add3A_21 = arith.constant 1 : i32
      %add3A_22 = arith.addi %mul3A_15, %add3A_21 : i32
      %dma_start3A_23 = arith.constant 0 : i32
      %dma_start3A_24 = tpu.memref_slice %arg7[%add3A_22, %dma_start3A_23] : memref<20x1024xi32, #tpu.memory_space<vmem>> -> memref<1x1024xi32, #tpu.memory_space<vmem>>
      %dma_start3A_25 = tpu.memref_squeeze %dma_start3A_24 : memref<1x1024xi32, #tpu.memory_space<vmem>> -> memref<1024xi32, #tpu.memory_space<vmem>>
      %dma_start3A_26 = arith.constant 0 : i32
      %dma_start3A_27 = arith.constant 0 : i32
      %dma_start3A_28 = tpu.memref_slice %arg2[%dma_start3A_26, %dma_start3A_27] : memref<20480x32xf32, #tpu.memory_space<hbm>> -> memref<20480x32xf32, #tpu.memory_space<hbm>>
      tpu.enqueue_indirect_dma source(%dma_start3A_28 : memref<20480x32xf32, #tpu.memory_space<hbm>>) target(%arg10 : memref<1024x32xf32, #tpu.memory_space<vmem>>) offsets(%dma_start3A_25 : memref<1024xi32, #tpu.memory_space<vmem>>) semaphore(%arg13 : memref<!tpu.dma_semaphore, #tpu.memory_space<semaphore_mem>>)
      %dma_wait3A = arith.constant 0 : i32
      %dma_wait3A_29 = tpu.memref_slice %arg7[%mul3A_15, %dma_wait3A] : memref<20x1024xi32, #tpu.memory_space<vmem>> -> memref<1x1024xi32, #tpu.memory_space<vmem>>
      %dma_wait3A_30 = tpu.memref_squeeze %dma_wait3A_29 : memref<1x1024xi32, #tpu.memory_space<vmem>> -> memref<1024xi32, #tpu.memory_space<vmem>>
      %dma_wait3A_31 = arith.constant 0 : i32
      %dma_wait3A_32 = arith.constant 0 : i32
      %dma_wait3A_33 = tpu.memref_slice %arg2[%dma_wait3A_31, %dma_wait3A_32] : memref<20480x32xf32, #tpu.memory_space<hbm>> -> memref<20480x32xf32, #tpu.memory_space<hbm>>
      tpu.wait_indirect_dma semaphore(%arg12 : memref<!tpu.dma_semaphore, #tpu.memory_space<semaphore_mem>>) src(%dma_wait3A_33 : memref<20480x32xf32, #tpu.memory_space<hbm>>) dst(%arg9 : memref<1024x32xf32, #tpu.memory_space<vmem>>)
      "tpu.region"() ({
        %run_scoped3A = tpu.sem_alloc : memref<!tpu.dma_semaphore, #tpu.memory_space<semaphore_mem>>
        %dma_start3A_44 = arith.constant 0 : i32
        %dma_start3A_45 = tpu.memref_slice %arg8[%mul3A_15, %dma_start3A_44] : memref<20x1024xi32, #tpu.memory_space<vmem>> -> memref<1x1024xi32, #tpu.memory_space<vmem>>
        %dma_start3A_46 = tpu.memref_squeeze %dma_start3A_45 : memref<1x1024xi32, #tpu.memory_space<vmem>> -> memref<1024xi32, #tpu.memory_space<vmem>>
        %dma_start3A_47 = arith.constant 0 : i32
        %dma_start3A_48 = arith.constant 0 : i32
        %dma_start3A_49 = tpu.memref_slice %arg11[%dma_start3A_47, %dma_start3A_48] : memref<10240x32xf32, #tpu.memory_space<vmem_shared>> -> memref<10240x32xf32, #tpu.memory_space<vmem_shared>>
        tpu.enqueue_indirect_dma source(%arg9 : memref<1024x32xf32, #tpu.memory_space<vmem>>) target(%dma_start3A_49 : memref<10240x32xf32, #tpu.memory_space<vmem_shared>>) offsets(%dma_start3A_46 : memref<1024xi32, #tpu.memory_space<vmem>>) semaphore(%run_scoped3A : memref<!tpu.dma_semaphore, #tpu.memory_space<semaphore_mem>>) {add = true}
        %dma_wait3A_50 = arith.constant 0 : i32
        %dma_wait3A_51 = tpu.memref_slice %arg8[%mul3A_15, %dma_wait3A_50] : memref<20x1024xi32, #tpu.memory_space<vmem>> -> memref<1x1024xi32, #tpu.memory_space<vmem>>
        %dma_wait3A_52 = tpu.memref_squeeze %dma_wait3A_51 : memref<1x1024xi32, #tpu.memory_space<vmem>> -> memref<1024xi32, #tpu.memory_space<vmem>>
        %dma_wait3A_53 = arith.constant 0 : i32
        %dma_wait3A_54 = arith.constant 0 : i32
        %dma_wait3A_55 = tpu.memref_slice %arg11[%dma_wait3A_53, %dma_wait3A_54] : memref<10240x32xf32, #tpu.memory_space<vmem_shared>> -> memref<10240x32xf32, #tpu.memory_space<vmem_shared>>
        tpu.wait_indirect_dma semaphore(%run_scoped3A : memref<!tpu.dma_semaphore, #tpu.memory_space<semaphore_mem>>) src(%arg9 : memref<1024x32xf32, #tpu.memory_space<vmem>>) dst(%dma_wait3A_55 : memref<10240x32xf32, #tpu.memory_space<vmem_shared>>)
        tpu.yield
      }) : () -> ()
      %add3A_34 = arith.constant 1 : i32
      %add3A_35 = arith.addi %mul3A_15, %add3A_34 : i32
      %dma_wait3A_36 = arith.constant 0 : i32
      %dma_wait3A_37 = tpu.memref_slice %arg7[%add3A_35, %dma_wait3A_36] : memref<20x1024xi32, #tpu.memory_space<vmem>> -> memref<1x1024xi32, #tpu.memory_space<vmem>>
      %dma_wait3A_38 = tpu.memref_squeeze %dma_wait3A_37 : memref<1x1024xi32, #tpu.memory_space<vmem>> -> memref<1024xi32, #tpu.memory_space<vmem>>
      %dma_wait3A_39 = arith.constant 0 : i32
      %dma_wait3A_40 = arith.constant 0 : i32
      %dma_wait3A_41 = tpu.memref_slice %arg2[%dma_wait3A_39, %dma_wait3A_40] : memref<20480x32xf32, #tpu.memory_space<hbm>> -> memref<20480x32xf32, #tpu.memory_space<hbm>>
      tpu.wait_indirect_dma semaphore(%arg13 : memref<!tpu.dma_semaphore, #tpu.memory_space<semaphore_mem>>) src(%dma_wait3A_41 : memref<20480x32xf32, #tpu.memory_space<hbm>>) dst(%arg10 : memref<1024x32xf32, #tpu.memory_space<vmem>>)
      %add3A_42 = arith.constant 1 : i32
      %add3A_43 = arith.addi %mul3A_15, %add3A_42 : i32
      "tpu.region"() ({
        %run_scoped3A = tpu.sem_alloc : memref<!tpu.dma_semaphore, #tpu.memory_space<semaphore_mem>>
        %dma_start3A_44 = arith.constant 0 : i32
        %dma_start3A_45 = tpu.memref_slice %arg8[%add3A_43, %dma_start3A_44] : memref<20x1024xi32, #tpu.memory_space<vmem>> -> memref<1x1024xi32, #tpu.memory_space<vmem>>
        %dma_start3A_46 = tpu.memref_squeeze %dma_start3A_45 : memref<1x1024xi32, #tpu.memory_space<vmem>> -> memref<1024xi32, #tpu.memory_space<vmem>>
        %dma_start3A_47 = arith.constant 0 : i32
        %dma_start3A_48 = arith.constant 0 : i32
        %dma_start3A_49 = tpu.memref_slice %arg11[%dma_start3A_47, %dma_start3A_48] : memref<10240x32xf32, #tpu.memory_space<vmem_shared>> -> memref<10240x32xf32, #tpu.memory_space<vmem_shared>>
        tpu.enqueue_indirect_dma source(%arg10 : memref<1024x32xf32, #tpu.memory_space<vmem>>) target(%dma_start3A_49 : memref<10240x32xf32, #tpu.memory_space<vmem_shared>>) offsets(%dma_start3A_46 : memref<1024xi32, #tpu.memory_space<vmem>>) semaphore(%run_scoped3A : memref<!tpu.dma_semaphore, #tpu.memory_space<semaphore_mem>>) {add = true}
        %dma_wait3A_50 = arith.constant 0 : i32
        %dma_wait3A_51 = tpu.memref_slice %arg8[%add3A_43, %dma_wait3A_50] : memref<20x1024xi32, #tpu.memory_space<vmem>> -> memref<1x1024xi32, #tpu.memory_space<vmem>>
        %dma_wait3A_52 = tpu.memref_squeeze %dma_wait3A_51 : memref<1x1024xi32, #tpu.memory_space<vmem>> -> memref<1024xi32, #tpu.memory_space<vmem>>
        %dma_wait3A_53 = arith.constant 0 : i32
        %dma_wait3A_54 = arith.constant 0 : i32
        %dma_wait3A_55 = tpu.memref_slice %arg11[%dma_wait3A_53, %dma_wait3A_54] : memref<10240x32xf32, #tpu.memory_space<vmem_shared>> -> memref<10240x32xf32, #tpu.memory_space<vmem_shared>>
        tpu.wait_indirect_dma semaphore(%run_scoped3A : memref<!tpu.dma_semaphore, #tpu.memory_space<semaphore_mem>>) src(%arg10 : memref<1024x32xf32, #tpu.memory_space<vmem>>) dst(%dma_wait3A_55 : memref<10240x32xf32, #tpu.memory_space<vmem_shared>>)
        tpu.yield
      }) : () -> ()
    }
    %scan3A_7 = arith.constant 10 : i32
    %barrier3A_8 = arith.constant 0 : index
    tpu.barrier barrier_id(%barrier3A_8)
    %sub3A = arith.constant 1 : i32
    %sub3A_9 = arith.subi %sub3A, %arg0 : i32
    %mul3A_10 = arith.constant 10240 : i32
    %mul3A_11 = arith.muli %sub3A_9, %mul3A_10 : i32
    %add3A_12 = arith.addi %mul3A_11, %mul3A_2 : i32
    "tpu.region"() ({
      %run_scoped3A = tpu.sem_alloc : memref<!tpu.dma_semaphore, #tpu.memory_space<semaphore_mem>>
      %dma_start3A = arith.constant 0 : i32
      %dma_start3A_13 = tpu.memref_slice %arg6[%add3A_12, %dma_start3A] : memref<20480x32xf32, #tpu.memory_space<hbm>> -> memref<640x32xf32, #tpu.memory_space<hbm>>
      %dma_start3A_14 = arith.constant 0 : i32
      %dma_start3A_15 = tpu.memref_slice %arg11[%mul3A_2, %dma_start3A_14] : memref<10240x32xf32, #tpu.memory_space<vmem_shared>> -> memref<640x32xf32, #tpu.memory_space<vmem_shared>>
      tpu.enqueue_dma source(%dma_start3A_15 : memref<640x32xf32, #tpu.memory_space<vmem_shared>>) target(%dma_start3A_13 : memref<640x32xf32, #tpu.memory_space<hbm>>) target_semaphore(%run_scoped3A : memref<!tpu.dma_semaphore, #tpu.memory_space<semaphore_mem>>)
      %dma_wait3A = arith.constant 0 : i32
      %dma_wait3A_16 = tpu.memref_slice %arg6[%add3A_12, %dma_wait3A] : memref<20480x32xf32, #tpu.memory_space<hbm>> -> memref<640x32xf32, #tpu.memory_space<hbm>>
      %dma_wait3A_17 = arith.constant 0 : i32
      %dma_wait3A_18 = tpu.memref_slice %arg11[%mul3A_2, %dma_wait3A_17] : memref<10240x32xf32, #tpu.memory_space<vmem_shared>> -> memref<640x32xf32, #tpu.memory_space<vmem_shared>>
      tpu.wait_dma2 semaphore(%run_scoped3A : memref<!tpu.dma_semaphore, #tpu.memory_space<semaphore_mem>>) src(%dma_wait3A_18 : memref<640x32xf32, #tpu.memory_space<vmem_shared>>) dst(%dma_wait3A_16 : memref<640x32xf32, #tpu.memory_space<hbm>>)
      tpu.yield
    }) : () -> ()
    return
  }
}

module attributes {stable_mosaic.version = 14 : i64} {
  func.func @_msg_body(%arg0: i32, %arg1: memref<1024x128xf32, #tpu.memory_space<vmem>>, %arg2: memref<128x32xf32, #tpu.memory_space<vmem>>, %arg3: memref<1x32xf32, #tpu.memory_space<vmem>>, %arg4: memref<32x32xf32, #tpu.memory_space<vmem>>, %arg5: memref<1x32xf32, #tpu.memory_space<vmem>>, %arg6: memref<1024x32xf32, #tpu.memory_space<vmem>>) attributes {dimension_semantics = [#tpu.dimension_semantics<arbitrary>], iteration_bounds = array<i64: 20>, scalar_prefetch = 0 : i64, scratch_operands = 0 : i64, tpu.core_type = #tpu.core_type<tc>, window_params = [{transform_indices = @transform_0, window_bounds = array<i64: 1024, 128>}, {pipeline_mode = #tpu.pipeline_mode<synchronous>, transform_indices = @transform_1, window_bounds = array<i64: 128, 32>}, {pipeline_mode = #tpu.pipeline_mode<synchronous>, transform_indices = @transform_2, window_bounds = array<i64: 1, 32>}, {pipeline_mode = #tpu.pipeline_mode<synchronous>, transform_indices = @transform_3, window_bounds = array<i64: 32, 32>}, {pipeline_mode = #tpu.pipeline_mode<synchronous>, transform_indices = @transform_4, window_bounds = array<i64: 1, 32>}, {transform_indices = @transform_5, window_bounds = array<i64: 1024, 32>}]} {
    %get3A = arith.constant 0 : index
    %get3A_0 = arith.constant 0 : index
    %get3A_1 = vector.load %arg1[%get3A, %get3A_0] : memref<1024x128xf32, #tpu.memory_space<vmem>>, vector<1024x128xf32>
    %get3A_2 = arith.constant 0 : index
    %get3A_3 = arith.constant 0 : index
    %get3A_4 = vector.load %arg2[%get3A_2, %get3A_3] : memref<128x32xf32, #tpu.memory_space<vmem>>, vector<128x32xf32>
    %get3A_5 = arith.constant 0 : index
    %get3A_6 = arith.constant 0 : index
    %get3A_7 = vector.load %arg3[%get3A_5, %get3A_6] : memref<1x32xf32, #tpu.memory_space<vmem>>, vector<1x32xf32>
    %get3A_8 = arith.constant 0 : index
    %get3A_9 = arith.constant 0 : index
    %get3A_10 = vector.load %arg4[%get3A_8, %get3A_9] : memref<32x32xf32, #tpu.memory_space<vmem>>, vector<32x32xf32>
    %get3A_11 = arith.constant 0 : index
    %get3A_12 = arith.constant 0 : index
    %get3A_13 = vector.load %arg5[%get3A_11, %get3A_12] : memref<1x32xf32, #tpu.memory_space<vmem>>, vector<1x32xf32>
    %dot_general3A = arith.constant dense<0.000000e+00> : vector<1024x32xf32>
    %dot_general3A_14 = tpu.matmul %get3A_1, %get3A_4, %dot_general3A {dimension_numbers = #tpu.dot_dimension_numbers<[1], [0], [0], [1], [0, 0, 1, 1], [], []>, transpose_lhs_hint = false} : vector<1024x128xf32>, vector<128x32xf32>, vector<1024x32xf32> -> vector<1024x32xf32>
    %add3A = vector.broadcast %get3A_7 : vector<1x32xf32> to vector<1024x32xf32>
    %add3A_15 = arith.addf %dot_general3A_14, %add3A : vector<1024x32xf32>
    %ge3A = arith.constant 0.000000e+00 : f32
    %ge3A_16 = vector.broadcast %ge3A : f32 to vector<1024x32xf32>
    %ge3A_17 = arith.cmpf oge, %add3A_15, %ge3A_16 : vector<1024x32xf32>
    %mul3A = arith.constant 0.00999999977 : f32
    %mul3A_18 = vector.broadcast %mul3A : f32 to vector<1024x32xf32>
    %mul3A_19 = arith.mulf %mul3A_18, %add3A_15 : vector<1024x32xf32>
    %select_n3A = arith.select %ge3A_17, %add3A_15, %mul3A_19 : vector<1024x32xi1>, vector<1024x32xf32>
    %dot_general3A_20 = arith.constant dense<0.000000e+00> : vector<1024x32xf32>
    %dot_general3A_21 = tpu.matmul %select_n3A, %get3A_10, %dot_general3A_20 {dimension_numbers = #tpu.dot_dimension_numbers<[1], [0], [0], [1], [0, 0, 1, 1], [], []>, transpose_lhs_hint = false} : vector<1024x32xf32>, vector<32x32xf32>, vector<1024x32xf32> -> vector<1024x32xf32>
    %add3A_22 = vector.broadcast %get3A_13 : vector<1x32xf32> to vector<1024x32xf32>
    %add3A_23 = arith.addf %dot_general3A_21, %add3A_22 : vector<1024x32xf32>
    %ge3A_24 = arith.constant 0.000000e+00 : f32
    %ge3A_25 = vector.broadcast %ge3A_24 : f32 to vector<1024x32xf32>
    %ge3A_26 = arith.cmpf oge, %add3A_23, %ge3A_25 : vector<1024x32xf32>
    %mul3A_27 = arith.constant 0.00999999977 : f32
    %mul3A_28 = vector.broadcast %mul3A_27 : f32 to vector<1024x32xf32>
    %mul3A_29 = arith.mulf %mul3A_28, %add3A_23 : vector<1024x32xf32>
    %select_n3A_30 = arith.select %ge3A_26, %add3A_23, %mul3A_29 : vector<1024x32xi1>, vector<1024x32xf32>
    %swap3A = arith.constant 0 : index
    %swap3A_31 = arith.constant 0 : index
    %swap3A_32 = vector.load %arg6[%swap3A, %swap3A_31] : memref<1024x32xf32, #tpu.memory_space<vmem>>, vector<1024x32xf32>
    tpu.vector_store %arg6[%swap3A, %swap3A_31], %select_n3A_30 {strides = array<i32>} : memref<1024x32xf32, #tpu.memory_space<vmem>>, vector<1024x32xf32>,
    return
  }
  func.func @transform_0(%arg0: i32) -> (i32, i32) {
    %c0_i32 = arith.constant 0 : i32
    %c0_i32_0 = arith.constant 0 : i32
    return %arg0, %c0_i32 : i32, i32
  }
  func.func @transform_1(%arg0: i32) -> (i32, i32) {
    %c0_i32 = arith.constant 0 : i32
    %c0_i32_0 = arith.constant 0 : i32
    %c0_i32_1 = arith.constant 0 : i32
    return %c0_i32, %c0_i32_0 : i32, i32
  }
  func.func @transform_2(%arg0: i32) -> (i32, i32) {
    %c0_i32 = arith.constant 0 : i32
    %c0_i32_0 = arith.constant 0 : i32
    %c0_i32_1 = arith.constant 0 : i32
    return %c0_i32, %c0_i32_0 : i32, i32
  }
  func.func @transform_3(%arg0: i32) -> (i32, i32) {
    %c0_i32 = arith.constant 0 : i32
    %c0_i32_0 = arith.constant 0 : i32
    %c0_i32_1 = arith.constant 0 : i32
    return %c0_i32, %c0_i32_0 : i32, i32
  }
  func.func @transform_4(%arg0: i32) -> (i32, i32) {
    %c0_i32 = arith.constant 0 : i32
    %c0_i32_0 = arith.constant 0 : i32
    %c0_i32_1 = arith.constant 0 : i32
    return %c0_i32, %c0_i32_0 : i32, i32
  }
  func.func @transform_5(%arg0: i32) -> (i32, i32) {
    %c0_i32 = arith.constant 0 : i32
    %c0_i32_0 = arith.constant 0 : i32
    return %arg0, %c0_i32 : i32, i32
  }
}

module attributes {stable_mosaic.version = 14 : i64} {
  func.func @_updmsg_body(%arg0: i32, %arg1: memref<1024x128xf32, #tpu.memory_space<vmem>>, %arg2: memref<1024x32xf32, #tpu.memory_space<vmem>>, %arg3: memref<128x32xf32, #tpu.memory_space<vmem>>, %arg4: memref<32x32xf32, #tpu.memory_space<vmem>>, %arg5: memref<1x32xf32, #tpu.memory_space<vmem>>, %arg6: memref<32x128xf32, #tpu.memory_space<vmem>>, %arg7: memref<1x128xf32, #tpu.memory_space<vmem>>, %arg8: memref<128x32xf32, #tpu.memory_space<vmem>>, %arg9: memref<1x32xf32, #tpu.memory_space<vmem>>, %arg10: memref<32x32xf32, #tpu.memory_space<vmem>>, %arg11: memref<1x32xf32, #tpu.memory_space<vmem>>, %arg12: memref<1024x128xf32, #tpu.memory_space<vmem>>, %arg13: memref<1024x32xf32, #tpu.memory_space<vmem>>) attributes {dimension_semantics = [#tpu.dimension_semantics<arbitrary>], iteration_bounds = array<i64: 20>, scalar_prefetch = 0 : i64, scratch_operands = 0 : i64, tpu.core_type = #tpu.core_type<tc>, window_params = [{transform_indices = @transform_0, window_bounds = array<i64: 1024, 128>}, {transform_indices = @transform_1, window_bounds = array<i64: 1024, 32>}, {pipeline_mode = #tpu.pipeline_mode<synchronous>, transform_indices = @transform_2, window_bounds = array<i64: 128, 32>}, {pipeline_mode = #tpu.pipeline_mode<synchronous>, transform_indices = @transform_3, window_bounds = array<i64: 32, 32>}, {pipeline_mode = #tpu.pipeline_mode<synchronous>, transform_indices = @transform_4, window_bounds = array<i64: 1, 32>}, {pipeline_mode = #tpu.pipeline_mode<synchronous>, transform_indices = @transform_5, window_bounds = array<i64: 32, 128>}, {pipeline_mode = #tpu.pipeline_mode<synchronous>, transform_indices = @transform_6, window_bounds = array<i64: 1, 128>}, {pipeline_mode = #tpu.pipeline_mode<synchronous>, transform_indices = @transform_7, window_bounds = array<i64: 128, 32>}, {pipeline_mode = #tpu.pipeline_mode<synchronous>, transform_indices = @transform_8, window_bounds = array<i64: 1, 32>}, {pipeline_mode = #tpu.pipeline_mode<synchronous>, transform_indices = @transform_9, window_bounds = array<i64: 32, 32>}, {pipeline_mode = #tpu.pipeline_mode<synchronous>, transform_indices = @transform_10, window_bounds = array<i64: 1, 32>}, {transform_indices = @transform_11, window_bounds = array<i64: 1024, 128>}, {transform_indices = @transform_12, window_bounds = array<i64: 1024, 32>}]} {
    %get3A = arith.constant 0 : index
    %get3A_0 = arith.constant 0 : index
    %get3A_1 = vector.load %arg1[%get3A, %get3A_0] : memref<1024x128xf32, #tpu.memory_space<vmem>>, vector<1024x128xf32>
    %get3A_2 = arith.constant 0 : index
    %get3A_3 = arith.constant 0 : index
    %get3A_4 = vector.load %arg3[%get3A_2, %get3A_3] : memref<128x32xf32, #tpu.memory_space<vmem>>, vector<128x32xf32>
    %dot_general3A = arith.constant dense<0.000000e+00> : vector<1024x32xf32>
    %dot_general3A_5 = tpu.matmul %get3A_1, %get3A_4, %dot_general3A {dimension_numbers = #tpu.dot_dimension_numbers<[1], [0], [0], [1], [0, 0, 1, 1], [], []>, transpose_lhs_hint = false} : vector<1024x128xf32>, vector<128x32xf32>, vector<1024x32xf32> -> vector<1024x32xf32>
    %get3A_6 = arith.constant 0 : index
    %get3A_7 = arith.constant 0 : index
    %get3A_8 = vector.load %arg2[%get3A_6, %get3A_7] : memref<1024x32xf32, #tpu.memory_space<vmem>>, vector<1024x32xf32>
    %get3A_9 = arith.constant 0 : index
    %get3A_10 = arith.constant 0 : index
    %get3A_11 = vector.load %arg4[%get3A_9, %get3A_10] : memref<32x32xf32, #tpu.memory_space<vmem>>, vector<32x32xf32>
    %dot_general3A_12 = arith.constant dense<0.000000e+00> : vector<1024x32xf32>
    %dot_general3A_13 = tpu.matmul %get3A_8, %get3A_11, %dot_general3A_12 {dimension_numbers = #tpu.dot_dimension_numbers<[1], [0], [0], [1], [0, 0, 1, 1], [], []>, transpose_lhs_hint = false} : vector<1024x32xf32>, vector<32x32xf32>, vector<1024x32xf32> -> vector<1024x32xf32>
    %add3A = arith.addf %dot_general3A_5, %dot_general3A_13 : vector<1024x32xf32>
    %get3A_14 = arith.constant 0 : index
    %get3A_15 = arith.constant 0 : index
    %get3A_16 = vector.load %arg5[%get3A_14, %get3A_15] : memref<1x32xf32, #tpu.memory_space<vmem>>, vector<1x32xf32>
    %add3A_17 = vector.broadcast %get3A_16 : vector<1x32xf32> to vector<1024x32xf32>
    %add3A_18 = arith.addf %add3A, %add3A_17 : vector<1024x32xf32>
    %ge3A = arith.constant 0.000000e+00 : f32
    %ge3A_19 = vector.broadcast %ge3A : f32 to vector<1024x32xf32>
    %ge3A_20 = arith.cmpf oge, %add3A_18, %ge3A_19 : vector<1024x32xf32>
    %mul3A = arith.constant 0.00999999977 : f32
    %mul3A_21 = vector.broadcast %mul3A : f32 to vector<1024x32xf32>
    %mul3A_22 = arith.mulf %mul3A_21, %add3A_18 : vector<1024x32xf32>
    %select_n3A = arith.select %ge3A_20, %add3A_18, %mul3A_22 : vector<1024x32xi1>, vector<1024x32xf32>
    %get3A_23 = arith.constant 0 : index
    %get3A_24 = arith.constant 0 : index
    %get3A_25 = vector.load %arg6[%get3A_23, %get3A_24] : memref<32x128xf32, #tpu.memory_space<vmem>>, vector<32x128xf32>
    %dot_general3A_26 = arith.constant dense<0.000000e+00> : vector<1024x128xf32>
    %dot_general3A_27 = tpu.matmul %select_n3A, %get3A_25, %dot_general3A_26 {dimension_numbers = #tpu.dot_dimension_numbers<[1], [0], [0], [1], [0, 0, 1, 1], [], []>, transpose_lhs_hint = false} : vector<1024x32xf32>, vector<32x128xf32>, vector<1024x128xf32> -> vector<1024x128xf32>
    %get3A_28 = arith.constant 0 : index
    %get3A_29 = arith.constant 0 : index
    %get3A_30 = vector.load %arg7[%get3A_28, %get3A_29] : memref<1x128xf32, #tpu.memory_space<vmem>>, vector<1x128xf32>
    %add3A_31 = vector.broadcast %get3A_30 : vector<1x128xf32> to vector<1024x128xf32>
    %add3A_32 = arith.addf %dot_general3A_27, %add3A_31 : vector<1024x128xf32>
    %ge3A_33 = arith.constant 0.000000e+00 : f32
    %ge3A_34 = vector.broadcast %ge3A_33 : f32 to vector<1024x128xf32>
    %ge3A_35 = arith.cmpf oge, %add3A_32, %ge3A_34 : vector<1024x128xf32>
    %mul3A_36 = arith.constant 0.00999999977 : f32
    %mul3A_37 = vector.broadcast %mul3A_36 : f32 to vector<1024x128xf32>
    %mul3A_38 = arith.mulf %mul3A_37, %add3A_32 : vector<1024x128xf32>
    %select_n3A_39 = arith.select %ge3A_35, %add3A_32, %mul3A_38 : vector<1024x128xi1>, vector<1024x128xf32>
    %swap3A = arith.constant 0 : index
    %swap3A_40 = arith.constant 0 : index
    %swap3A_41 = vector.load %arg12[%swap3A, %swap3A_40] : memref<1024x128xf32, #tpu.memory_space<vmem>>, vector<1024x128xf32>
    tpu.vector_store %arg12[%swap3A, %swap3A_40], %select_n3A_39 {strides = array<i32>} : memref<1024x128xf32, #tpu.memory_space<vmem>>, vector<1024x128xf32>,
    %get3A_42 = arith.constant 0 : index
    %get3A_43 = arith.constant 0 : index
    %get3A_44 = vector.load %arg8[%get3A_42, %get3A_43] : memref<128x32xf32, #tpu.memory_space<vmem>>, vector<128x32xf32>
    %get3A_45 = arith.constant 0 : index
    %get3A_46 = arith.constant 0 : index
    %get3A_47 = vector.load %arg9[%get3A_45, %get3A_46] : memref<1x32xf32, #tpu.memory_space<vmem>>, vector<1x32xf32>
    %get3A_48 = arith.constant 0 : index
    %get3A_49 = arith.constant 0 : index
    %get3A_50 = vector.load %arg10[%get3A_48, %get3A_49] : memref<32x32xf32, #tpu.memory_space<vmem>>, vector<32x32xf32>
    %get3A_51 = arith.constant 0 : index
    %get3A_52 = arith.constant 0 : index
    %get3A_53 = vector.load %arg11[%get3A_51, %get3A_52] : memref<1x32xf32, #tpu.memory_space<vmem>>, vector<1x32xf32>
    %dot_general3A_54 = arith.constant dense<0.000000e+00> : vector<1024x32xf32>
    %dot_general3A_55 = tpu.matmul %select_n3A_39, %get3A_44, %dot_general3A_54 {dimension_numbers = #tpu.dot_dimension_numbers<[1], [0], [0], [1], [0, 0, 1, 1], [], []>, transpose_lhs_hint = false} : vector<1024x128xf32>, vector<128x32xf32>, vector<1024x32xf32> -> vector<1024x32xf32>
    %add3A_56 = vector.broadcast %get3A_47 : vector<1x32xf32> to vector<1024x32xf32>
    %add3A_57 = arith.addf %dot_general3A_55, %add3A_56 : vector<1024x32xf32>
    %ge3A_58 = arith.constant 0.000000e+00 : f32
    %ge3A_59 = vector.broadcast %ge3A_58 : f32 to vector<1024x32xf32>
    %ge3A_60 = arith.cmpf oge, %add3A_57, %ge3A_59 : vector<1024x32xf32>
    %mul3A_61 = arith.constant 0.00999999977 : f32
    %mul3A_62 = vector.broadcast %mul3A_61 : f32 to vector<1024x32xf32>
    %mul3A_63 = arith.mulf %mul3A_62, %add3A_57 : vector<1024x32xf32>
    %select_n3A_64 = arith.select %ge3A_60, %add3A_57, %mul3A_63 : vector<1024x32xi1>, vector<1024x32xf32>
    %dot_general3A_65 = arith.constant dense<0.000000e+00> : vector<1024x32xf32>
    %dot_general3A_66 = tpu.matmul %select_n3A_64, %get3A_50, %dot_general3A_65 {dimension_numbers = #tpu.dot_dimension_numbers<[1], [0], [0], [1], [0, 0, 1, 1], [], []>, transpose_lhs_hint = false} : vector<1024x32xf32>, vector<32x32xf32>, vector<1024x32xf32> -> vector<1024x32xf32>
    %add3A_67 = vector.broadcast %get3A_53 : vector<1x32xf32> to vector<1024x32xf32>
    %add3A_68 = arith.addf %dot_general3A_66, %add3A_67 : vector<1024x32xf32>
    %ge3A_69 = arith.constant 0.000000e+00 : f32
    %ge3A_70 = vector.broadcast %ge3A_69 : f32 to vector<1024x32xf32>
    %ge3A_71 = arith.cmpf oge, %add3A_68, %ge3A_70 : vector<1024x32xf32>
    %mul3A_72 = arith.constant 0.00999999977 : f32
    %mul3A_73 = vector.broadcast %mul3A_72 : f32 to vector<1024x32xf32>
    %mul3A_74 = arith.mulf %mul3A_73, %add3A_68 : vector<1024x32xf32>
    %select_n3A_75 = arith.select %ge3A_71, %add3A_68, %mul3A_74 : vector<1024x32xi1>, vector<1024x32xf32>
    %swap3A_76 = arith.constant 0 : index
    %swap3A_77 = arith.constant 0 : index
    %swap3A_78 = vector.load %arg13[%swap3A_76, %swap3A_77] : memref<1024x32xf32, #tpu.memory_space<vmem>>, vector<1024x32xf32>
    tpu.vector_store %arg13[%swap3A_76, %swap3A_77], %select_n3A_75 {strides = array<i32>} : memref<1024x32xf32, #tpu.memory_space<vmem>>, vector<1024x32xf32>,
    return
  }
  func.func @transform_0(%arg0: i32) -> (i32, i32) {
    %c0_i32 = arith.constant 0 : i32
    %c0_i32_0 = arith.constant 0 : i32
    return %arg0, %c0_i32 : i32, i32
  }
  func.func @transform_1(%arg0: i32) -> (i32, i32) {
    %c0_i32 = arith.constant 0 : i32
    %c0_i32_0 = arith.constant 0 : i32
    return %arg0, %c0_i32 : i32, i32
  }
  func.func @transform_2(%arg0: i32) -> (i32, i32) {
    %c0_i32 = arith.constant 0 : i32
    %c0_i32_0 = arith.constant 0 : i32
    %c0_i32_1 = arith.constant 0 : i32
    return %c0_i32, %c0_i32_0 : i32, i32
  }
  func.func @transform_3(%arg0: i32) -> (i32, i32) {
    %c0_i32 = arith.constant 0 : i32
    %c0_i32_0 = arith.constant 0 : i32
    %c0_i32_1 = arith.constant 0 : i32
    return %c0_i32, %c0_i32_0 : i32, i32
  }
  func.func @transform_4(%arg0: i32) -> (i32, i32) {
    %c0_i32 = arith.constant 0 : i32
    %c0_i32_0 = arith.constant 0 : i32
    %c0_i32_1 = arith.constant 0 : i32
    return %c0_i32, %c0_i32_0 : i32, i32
  }
  func.func @transform_5(%arg0: i32) -> (i32, i32) {
    %c0_i32 = arith.constant 0 : i32
    %c0_i32_0 = arith.constant 0 : i32
    %c0_i32_1 = arith.constant 0 : i32
    return %c0_i32, %c0_i32_0 : i32, i32
  }
  func.func @transform_6(%arg0: i32) -> (i32, i32) {
    %c0_i32 = arith.constant 0 : i32
    %c0_i32_0 = arith.constant 0 : i32
    %c0_i32_1 = arith.constant 0 : i32
    return %c0_i32, %c0_i32_0 : i32, i32
  }
  func.func @transform_7(%arg0: i32) -> (i32, i32) {
    %c0_i32 = arith.constant 0 : i32
    %c0_i32_0 = arith.constant 0 : i32
    %c0_i32_1 = arith.constant 0 : i32
    return %c0_i32, %c0_i32_0 : i32, i32
  }
  func.func @transform_8(%arg0: i32) -> (i32, i32) {
    %c0_i32 = arith.constant 0 : i32
    %c0_i32_0 = arith.constant 0 : i32
    %c0_i32_1 = arith.constant 0 : i32
    return %c0_i32, %c0_i32_0 : i32, i32
  }
  func.func @transform_9(%arg0: i32) -> (i32, i32) {
    %c0_i32 = arith.constant 0 : i32
    %c0_i32_0 = arith.constant 0 : i32
    %c0_i32_1 = arith.constant 0 : i32
    return %c0_i32, %c0_i32_0 : i32, i32
  }
  func.func @transform_10(%arg0: i32) -> (i32, i32) {
    %c0_i32 = arith.constant 0 : i32
    %c0_i32_0 = arith.constant 0 : i32
    %c0_i32_1 = arith.constant 0 : i32
    return %c0_i32, %c0_i32_0 : i32, i32
  }
  func.func @transform_11(%arg0: i32) -> (i32, i32) {
    %c0_i32 = arith.constant 0 : i32
    %c0_i32_0 = arith.constant 0 : i32
    return %arg0, %c0_i32 : i32, i32
  }
  func.func @transform_12(%arg0: i32) -> (i32, i32) {
    %c0_i32 = arith.constant 0 : i32
    %c0_i32_0 = arith.constant 0 : i32
    return %arg0, %c0_i32 : i32, i32
  }
}

module attributes {stable_mosaic.version = 14 : i64} {
  func.func @_updmsg_body(%arg0: i32, %arg1: memref<1024x128xf32, #tpu.memory_space<vmem>>, %arg2: memref<1024x32xf32, #tpu.memory_space<vmem>>, %arg3: memref<128x32xf32, #tpu.memory_space<vmem>>, %arg4: memref<32x32xf32, #tpu.memory_space<vmem>>, %arg5: memref<1x32xf32, #tpu.memory_space<vmem>>, %arg6: memref<32x128xf32, #tpu.memory_space<vmem>>, %arg7: memref<1x128xf32, #tpu.memory_space<vmem>>, %arg8: memref<128x32xf32, #tpu.memory_space<vmem>>, %arg9: memref<1x32xf32, #tpu.memory_space<vmem>>, %arg10: memref<32x32xf32, #tpu.memory_space<vmem>>, %arg11: memref<1x32xf32, #tpu.memory_space<vmem>>, %arg12: memref<1024x128xf32, #tpu.memory_space<vmem>>, %arg13: memref<1024x32xf32, #tpu.memory_space<vmem>>) attributes {dimension_semantics = [#tpu.dimension_semantics<arbitrary>], iteration_bounds = array<i64: 20>, scalar_prefetch = 0 : i64, scratch_operands = 0 : i64, tpu.core_type = #tpu.core_type<tc>, window_params = [{transform_indices = @transform_0, window_bounds = array<i64: 1024, 128>}, {transform_indices = @transform_1, window_bounds = array<i64: 1024, 32>}, {pipeline_mode = #tpu.pipeline_mode<synchronous>, transform_indices = @transform_2, window_bounds = array<i64: 128, 32>}, {pipeline_mode = #tpu.pipeline_mode<synchronous>, transform_indices = @transform_3, window_bounds = array<i64: 32, 32>}, {pipeline_mode = #tpu.pipeline_mode<synchronous>, transform_indices = @transform_4, window_bounds = array<i64: 1, 32>}, {pipeline_mode = #tpu.pipeline_mode<synchronous>, transform_indices = @transform_5, window_bounds = array<i64: 32, 128>}, {pipeline_mode = #tpu.pipeline_mode<synchronous>, transform_indices = @transform_6, window_bounds = array<i64: 1, 128>}, {pipeline_mode = #tpu.pipeline_mode<synchronous>, transform_indices = @transform_7, window_bounds = array<i64: 128, 32>}, {pipeline_mode = #tpu.pipeline_mode<synchronous>, transform_indices = @transform_8, window_bounds = array<i64: 1, 32>}, {pipeline_mode = #tpu.pipeline_mode<synchronous>, transform_indices = @transform_9, window_bounds = array<i64: 32, 32>}, {pipeline_mode = #tpu.pipeline_mode<synchronous>, transform_indices = @transform_10, window_bounds = array<i64: 1, 32>}, {transform_indices = @transform_11, window_bounds = array<i64: 1024, 128>}, {transform_indices = @transform_12, window_bounds = array<i64: 1024, 32>}]} {
    %get3A = arith.constant 0 : index
    %get3A_0 = arith.constant 0 : index
    %get3A_1 = vector.load %arg1[%get3A, %get3A_0] : memref<1024x128xf32, #tpu.memory_space<vmem>>, vector<1024x128xf32>
    %get3A_2 = arith.constant 0 : index
    %get3A_3 = arith.constant 0 : index
    %get3A_4 = vector.load %arg3[%get3A_2, %get3A_3] : memref<128x32xf32, #tpu.memory_space<vmem>>, vector<128x32xf32>
    %dot_general3A = arith.constant dense<0.000000e+00> : vector<1024x32xf32>
    %dot_general3A_5 = tpu.matmul %get3A_1, %get3A_4, %dot_general3A {dimension_numbers = #tpu.dot_dimension_numbers<[1], [0], [0], [1], [0, 0, 1, 1], [], []>, transpose_lhs_hint = false} : vector<1024x128xf32>, vector<128x32xf32>, vector<1024x32xf32> -> vector<1024x32xf32>
    %get3A_6 = arith.constant 0 : index
    %get3A_7 = arith.constant 0 : index
    %get3A_8 = vector.load %arg2[%get3A_6, %get3A_7] : memref<1024x32xf32, #tpu.memory_space<vmem>>, vector<1024x32xf32>
    %get3A_9 = arith.constant 0 : index
    %get3A_10 = arith.constant 0 : index
    %get3A_11 = vector.load %arg4[%get3A_9, %get3A_10] : memref<32x32xf32, #tpu.memory_space<vmem>>, vector<32x32xf32>
    %dot_general3A_12 = arith.constant dense<0.000000e+00> : vector<1024x32xf32>
    %dot_general3A_13 = tpu.matmul %get3A_8, %get3A_11, %dot_general3A_12 {dimension_numbers = #tpu.dot_dimension_numbers<[1], [0], [0], [1], [0, 0, 1, 1], [], []>, transpose_lhs_hint = false} : vector<1024x32xf32>, vector<32x32xf32>, vector<1024x32xf32> -> vector<1024x32xf32>
    %add3A = arith.addf %dot_general3A_5, %dot_general3A_13 : vector<1024x32xf32>
    %get3A_14 = arith.constant 0 : index
    %get3A_15 = arith.constant 0 : index
    %get3A_16 = vector.load %arg5[%get3A_14, %get3A_15] : memref<1x32xf32, #tpu.memory_space<vmem>>, vector<1x32xf32>
    %add3A_17 = vector.broadcast %get3A_16 : vector<1x32xf32> to vector<1024x32xf32>
    %add3A_18 = arith.addf %add3A, %add3A_17 : vector<1024x32xf32>
    %ge3A = arith.constant 0.000000e+00 : f32
    %ge3A_19 = vector.broadcast %ge3A : f32 to vector<1024x32xf32>
    %ge3A_20 = arith.cmpf oge, %add3A_18, %ge3A_19 : vector<1024x32xf32>
    %mul3A = arith.constant 0.00999999977 : f32
    %mul3A_21 = vector.broadcast %mul3A : f32 to vector<1024x32xf32>
    %mul3A_22 = arith.mulf %mul3A_21, %add3A_18 : vector<1024x32xf32>
    %select_n3A = arith.select %ge3A_20, %add3A_18, %mul3A_22 : vector<1024x32xi1>, vector<1024x32xf32>
    %get3A_23 = arith.constant 0 : index
    %get3A_24 = arith.constant 0 : index
    %get3A_25 = vector.load %arg6[%get3A_23, %get3A_24] : memref<32x128xf32, #tpu.memory_space<vmem>>, vector<32x128xf32>
    %dot_general3A_26 = arith.constant dense<0.000000e+00> : vector<1024x128xf32>
    %dot_general3A_27 = tpu.matmul %select_n3A, %get3A_25, %dot_general3A_26 {dimension_numbers = #tpu.dot_dimension_numbers<[1], [0], [0], [1], [0, 0, 1, 1], [], []>, transpose_lhs_hint = false} : vector<1024x32xf32>, vector<32x128xf32>, vector<1024x128xf32> -> vector<1024x128xf32>
    %get3A_28 = arith.constant 0 : index
    %get3A_29 = arith.constant 0 : index
    %get3A_30 = vector.load %arg7[%get3A_28, %get3A_29] : memref<1x128xf32, #tpu.memory_space<vmem>>, vector<1x128xf32>
    %add3A_31 = vector.broadcast %get3A_30 : vector<1x128xf32> to vector<1024x128xf32>
    %add3A_32 = arith.addf %dot_general3A_27, %add3A_31 : vector<1024x128xf32>
    %ge3A_33 = arith.constant 0.000000e+00 : f32
    %ge3A_34 = vector.broadcast %ge3A_33 : f32 to vector<1024x128xf32>
    %ge3A_35 = arith.cmpf oge, %add3A_32, %ge3A_34 : vector<1024x128xf32>
    %mul3A_36 = arith.constant 0.00999999977 : f32
    %mul3A_37 = vector.broadcast %mul3A_36 : f32 to vector<1024x128xf32>
    %mul3A_38 = arith.mulf %mul3A_37, %add3A_32 : vector<1024x128xf32>
    %select_n3A_39 = arith.select %ge3A_35, %add3A_32, %mul3A_38 : vector<1024x128xi1>, vector<1024x128xf32>
    %swap3A = arith.constant 0 : index
    %swap3A_40 = arith.constant 0 : index
    %swap3A_41 = vector.load %arg12[%swap3A, %swap3A_40] : memref<1024x128xf32, #tpu.memory_space<vmem>>, vector<1024x128xf32>
    tpu.vector_store %arg12[%swap3A, %swap3A_40], %select_n3A_39 {strides = array<i32>} : memref<1024x128xf32, #tpu.memory_space<vmem>>, vector<1024x128xf32>,
    %get3A_42 = arith.constant 0 : index
    %get3A_43 = arith.constant 0 : index
    %get3A_44 = vector.load %arg8[%get3A_42, %get3A_43] : memref<128x32xf32, #tpu.memory_space<vmem>>, vector<128x32xf32>
    %get3A_45 = arith.constant 0 : index
    %get3A_46 = arith.constant 0 : index
    %get3A_47 = vector.load %arg9[%get3A_45, %get3A_46] : memref<1x32xf32, #tpu.memory_space<vmem>>, vector<1x32xf32>
    %get3A_48 = arith.constant 0 : index
    %get3A_49 = arith.constant 0 : index
    %get3A_50 = vector.load %arg10[%get3A_48, %get3A_49] : memref<32x32xf32, #tpu.memory_space<vmem>>, vector<32x32xf32>
    %get3A_51 = arith.constant 0 : index
    %get3A_52 = arith.constant 0 : index
    %get3A_53 = vector.load %arg11[%get3A_51, %get3A_52] : memref<1x32xf32, #tpu.memory_space<vmem>>, vector<1x32xf32>
    %dot_general3A_54 = arith.constant dense<0.000000e+00> : vector<1024x32xf32>
    %dot_general3A_55 = tpu.matmul %select_n3A_39, %get3A_44, %dot_general3A_54 {dimension_numbers = #tpu.dot_dimension_numbers<[1], [0], [0], [1], [0, 0, 1, 1], [], []>, transpose_lhs_hint = false} : vector<1024x128xf32>, vector<128x32xf32>, vector<1024x32xf32> -> vector<1024x32xf32>
    %add3A_56 = vector.broadcast %get3A_47 : vector<1x32xf32> to vector<1024x32xf32>
    %add3A_57 = arith.addf %dot_general3A_55, %add3A_56 : vector<1024x32xf32>
    %ge3A_58 = arith.constant 0.000000e+00 : f32
    %ge3A_59 = vector.broadcast %ge3A_58 : f32 to vector<1024x32xf32>
    %ge3A_60 = arith.cmpf oge, %add3A_57, %ge3A_59 : vector<1024x32xf32>
    %mul3A_61 = arith.constant 0.00999999977 : f32
    %mul3A_62 = vector.broadcast %mul3A_61 : f32 to vector<1024x32xf32>
    %mul3A_63 = arith.mulf %mul3A_62, %add3A_57 : vector<1024x32xf32>
    %select_n3A_64 = arith.select %ge3A_60, %add3A_57, %mul3A_63 : vector<1024x32xi1>, vector<1024x32xf32>
    %dot_general3A_65 = arith.constant dense<0.000000e+00> : vector<1024x32xf32>
    %dot_general3A_66 = tpu.matmul %select_n3A_64, %get3A_50, %dot_general3A_65 {dimension_numbers = #tpu.dot_dimension_numbers<[1], [0], [0], [1], [0, 0, 1, 1], [], []>, transpose_lhs_hint = false} : vector<1024x32xf32>, vector<32x32xf32>, vector<1024x32xf32> -> vector<1024x32xf32>
    %add3A_67 = vector.broadcast %get3A_53 : vector<1x32xf32> to vector<1024x32xf32>
    %add3A_68 = arith.addf %dot_general3A_66, %add3A_67 : vector<1024x32xf32>
    %ge3A_69 = arith.constant 0.000000e+00 : f32
    %ge3A_70 = vector.broadcast %ge3A_69 : f32 to vector<1024x32xf32>
    %ge3A_71 = arith.cmpf oge, %add3A_68, %ge3A_70 : vector<1024x32xf32>
    %mul3A_72 = arith.constant 0.00999999977 : f32
    %mul3A_73 = vector.broadcast %mul3A_72 : f32 to vector<1024x32xf32>
    %mul3A_74 = arith.mulf %mul3A_73, %add3A_68 : vector<1024x32xf32>
    %select_n3A_75 = arith.select %ge3A_71, %add3A_68, %mul3A_74 : vector<1024x32xi1>, vector<1024x32xf32>
    %swap3A_76 = arith.constant 0 : index
    %swap3A_77 = arith.constant 0 : index
    %swap3A_78 = vector.load %arg13[%swap3A_76, %swap3A_77] : memref<1024x32xf32, #tpu.memory_space<vmem>>, vector<1024x32xf32>
    tpu.vector_store %arg13[%swap3A_76, %swap3A_77], %select_n3A_75 {strides = array<i32>} : memref<1024x32xf32, #tpu.memory_space<vmem>>, vector<1024x32xf32>,
    return
  }
  func.func @transform_0(%arg0: i32) -> (i32, i32) {
    %c0_i32 = arith.constant 0 : i32
    %c0_i32_0 = arith.constant 0 : i32
    return %arg0, %c0_i32 : i32, i32
  }
  func.func @transform_1(%arg0: i32) -> (i32, i32) {
    %c0_i32 = arith.constant 0 : i32
    %c0_i32_0 = arith.constant 0 : i32
    return %arg0, %c0_i32 : i32, i32
  }
  func.func @transform_2(%arg0: i32) -> (i32, i32) {
    %c0_i32 = arith.constant 0 : i32
    %c0_i32_0 = arith.constant 0 : i32
    %c0_i32_1 = arith.constant 0 : i32
    return %c0_i32, %c0_i32_0 : i32, i32
  }
  func.func @transform_3(%arg0: i32) -> (i32, i32) {
    %c0_i32 = arith.constant 0 : i32
    %c0_i32_0 = arith.constant 0 : i32
    %c0_i32_1 = arith.constant 0 : i32
    return %c0_i32, %c0_i32_0 : i32, i32
  }
  func.func @transform_4(%arg0: i32) -> (i32, i32) {
    %c0_i32 = arith.constant 0 : i32
    %c0_i32_0 = arith.constant 0 : i32
    %c0_i32_1 = arith.constant 0 : i32
    return %c0_i32, %c0_i32_0 : i32, i32
  }
  func.func @transform_5(%arg0: i32) -> (i32, i32) {
    %c0_i32 = arith.constant 0 : i32
    %c0_i32_0 = arith.constant 0 : i32
    %c0_i32_1 = arith.constant 0 : i32
    return %c0_i32, %c0_i32_0 : i32, i32
  }
  func.func @transform_6(%arg0: i32) -> (i32, i32) {
    %c0_i32 = arith.constant 0 : i32
    %c0_i32_0 = arith.constant 0 : i32
    %c0_i32_1 = arith.constant 0 : i32
    return %c0_i32, %c0_i32_0 : i32, i32
  }
  func.func @transform_7(%arg0: i32) -> (i32, i32) {
    %c0_i32 = arith.constant 0 : i32
    %c0_i32_0 = arith.constant 0 : i32
    %c0_i32_1 = arith.constant 0 : i32
    return %c0_i32, %c0_i32_0 : i32, i32
  }
  func.func @transform_8(%arg0: i32) -> (i32, i32) {
    %c0_i32 = arith.constant 0 : i32
    %c0_i32_0 = arith.constant 0 : i32
    %c0_i32_1 = arith.constant 0 : i32
    return %c0_i32, %c0_i32_0 : i32, i32
  }
  func.func @transform_9(%arg0: i32) -> (i32, i32) {
    %c0_i32 = arith.constant 0 : i32
    %c0_i32_0 = arith.constant 0 : i32
    %c0_i32_1 = arith.constant 0 : i32
    return %c0_i32, %c0_i32_0 : i32, i32
  }
  func.func @transform_10(%arg0: i32) -> (i32, i32) {
    %c0_i32 = arith.constant 0 : i32
    %c0_i32_0 = arith.constant 0 : i32
    %c0_i32_1 = arith.constant 0 : i32
    return %c0_i32, %c0_i32_0 : i32, i32
  }
  func.func @transform_11(%arg0: i32) -> (i32, i32) {
    %c0_i32 = arith.constant 0 : i32
    %c0_i32_0 = arith.constant 0 : i32
    return %arg0, %c0_i32 : i32, i32
  }
  func.func @transform_12(%arg0: i32) -> (i32, i32) {
    %c0_i32 = arith.constant 0 : i32
    %c0_i32_0 = arith.constant 0 : i32
    return %arg0, %c0_i32 : i32, i32
  }
}

module attributes {stable_mosaic.version = 14 : i64} {
  func.func @_bf_body(%arg0: i32, %arg1: memref<1000x128xf32, #tpu.memory_space<vmem>>, %arg2: memref<128x128xf32, #tpu.memory_space<vmem>>, %arg3: memref<1x128xf32, #tpu.memory_space<vmem>>, %arg4: memref<1000x128xf32, #tpu.memory_space<vmem>>, %arg5: memref<1x128xf32, #tpu.memory_space<vmem>>) attributes {dimension_semantics = [#tpu.dimension_semantics<arbitrary>], iteration_bounds = array<i64: 10>, scalar_prefetch = 0 : i64, scratch_operands = 0 : i64, tpu.core_type = #tpu.core_type<tc>, window_params = [{transform_indices = @transform_0, window_bounds = array<i64: 1000, 128>}, {pipeline_mode = #tpu.pipeline_mode<synchronous>, transform_indices = @transform_1, window_bounds = array<i64: 128, 128>}, {pipeline_mode = #tpu.pipeline_mode<synchronous>, transform_indices = @transform_2, window_bounds = array<i64: 1, 128>}, {transform_indices = @transform_3, window_bounds = array<i64: 1000, 128>}, {pipeline_mode = #tpu.pipeline_mode<synchronous>, transform_indices = @transform_4, window_bounds = array<i64: 1, 128>}]} {
    %get3A = arith.constant 0 : index
    %get3A_0 = arith.constant 0 : index
    %get3A_1 = vector.load %arg1[%get3A, %get3A_0] : memref<1000x128xf32, #tpu.memory_space<vmem>>, vector<1000x128xf32>
    %get3A_2 = arith.constant 0 : index
    %get3A_3 = arith.constant 0 : index
    %get3A_4 = vector.load %arg2[%get3A_2, %get3A_3] : memref<128x128xf32, #tpu.memory_space<vmem>>, vector<128x128xf32>
    %dot_general3A = arith.constant dense<0.000000e+00> : vector<1000x128xf32>
    %dot_general3A_5 = tpu.matmul %get3A_1, %get3A_4, %dot_general3A {dimension_numbers = #tpu.dot_dimension_numbers<[1], [0], [0], [1], [0, 0, 1, 1], [], []>, transpose_lhs_hint = false} : vector<1000x128xf32>, vector<128x128xf32>, vector<1000x128xf32> -> vector<1000x128xf32>
    %get3A_6 = arith.constant 0 : index
    %get3A_7 = arith.constant 0 : index
    %get3A_8 = vector.load %arg3[%get3A_6, %get3A_7] : memref<1x128xf32, #tpu.memory_space<vmem>>, vector<1x128xf32>
    %add3A = vector.broadcast %get3A_8 : vector<1x128xf32> to vector<1000x128xf32>
    %add3A_9 = arith.addf %dot_general3A_5, %add3A : vector<1000x128xf32>
    %tanh3A = math.tanh %add3A_9 : vector<1000x128xf32>
    %swap3A = arith.constant 0 : index
    %swap3A_10 = arith.constant 0 : index
    %swap3A_11 = vector.load %arg4[%swap3A, %swap3A_10] : memref<1000x128xf32, #tpu.memory_space<vmem>>, vector<1000x128xf32>
    tpu.vector_store %arg4[%swap3A, %swap3A_10], %tanh3A {strides = array<i32>} : memref<1000x128xf32, #tpu.memory_space<vmem>>, vector<1000x128xf32>,
    %eq3A = arith.constant 0 : i32
    %eq3A_12 = arith.cmpi eq, %arg0, %eq3A : i32
    %convert_element_type3A = arith.extui %eq3A_12 : i1 to i32
    %cond3A = arith.constant 0 : i32
    %cond3A_13 = arith.cmpi ne, %convert_element_type3A, %cond3A : i32
    scf.if %cond3A_13 {
      %broadcast_in_dim3A_22 = arith.constant 0.000000e+00 : f32
      %broadcast_in_dim3A_23 = vector.broadcast %broadcast_in_dim3A_22 : f32 to vector<1x128xf32>
      %swap3A_24 = arith.constant 0 : index
      %swap3A_25 = arith.constant 0 : index
      %swap3A_26 = vector.load %arg5[%swap3A_24, %swap3A_25] : memref<1x128xf32, #tpu.memory_space<vmem>>, vector<1x128xf32>
      tpu.vector_store %arg5[%swap3A_24, %swap3A_25], %broadcast_in_dim3A_23 {strides = array<i32>} : memref<1x128xf32, #tpu.memory_space<vmem>>, vector<1x128xf32>,
    } else {
    }
    %get3A_14 = arith.constant 0 : index
    %get3A_15 = arith.constant 0 : index
    %get3A_16 = vector.load %arg5[%get3A_14, %get3A_15] : memref<1x128xf32, #tpu.memory_space<vmem>>, vector<1x128xf32>
    %mul3A = arith.mulf %tanh3A, %tanh3A : vector<1000x128xf32>
    %reduce_sum3A = arith.constant dense<0.000000e+00> : vector<128xf32>
    %reduce_sum3A_17 = vector.multi_reduction <add>, %mul3A, %reduce_sum3A [0] : vector<1000x128xf32> to vector<128xf32>
    %broadcast_in_dim3A = vector.shape_cast %reduce_sum3A_17 : vector<128xf32> to vector<1x128xf32>
    %add3A_18 = arith.addf %get3A_16, %broadcast_in_dim3A : vector<1x128xf32>
    %swap3A_19 = arith.constant 0 : index
    %swap3A_20 = arith.constant 0 : index
    %swap3A_21 = vector.load %arg5[%swap3A_19, %swap3A_20] : memref<1x128xf32, #tpu.memory_space<vmem>>, vector<1x128xf32>
    tpu.vector_store %arg5[%swap3A_19, %swap3A_20], %add3A_18 {strides = array<i32>} : memref<1x128xf32, #tpu.memory_space<vmem>>, vector<1x128xf32>,
    return
  }
  func.func @transform_0(%arg0: i32) -> (i32, i32) {
    %c0_i32 = arith.constant 0 : i32
    %c0_i32_0 = arith.constant 0 : i32
    return %arg0, %c0_i32 : i32, i32
  }
  func.func @transform_1(%arg0: i32) -> (i32, i32) {
    %c0_i32 = arith.constant 0 : i32
    %c0_i32_0 = arith.constant 0 : i32
    %c0_i32_1 = arith.constant 0 : i32
    return %c0_i32, %c0_i32_0 : i32, i32
  }
  func.func @transform_2(%arg0: i32) -> (i32, i32) {
    %c0_i32 = arith.constant 0 : i32
    %c0_i32_0 = arith.constant 0 : i32
    %c0_i32_1 = arith.constant 0 : i32
    return %c0_i32, %c0_i32_0 : i32, i32
  }
  func.func @transform_3(%arg0: i32) -> (i32, i32) {
    %c0_i32 = arith.constant 0 : i32
    %c0_i32_0 = arith.constant 0 : i32
    return %arg0, %c0_i32 : i32, i32
  }
  func.func @transform_4(%arg0: i32) -> (i32, i32) {
    %c0_i32 = arith.constant 0 : i32
    %c0_i32_0 = arith.constant 0 : i32
    %c0_i32_1 = arith.constant 0 : i32
    return %c0_i32, %c0_i32_0 : i32, i32
  }
}

module attributes {stable_mosaic.version = 14 : i64} {
  func.func @_scale_body(%arg0: i32, %arg1: memref<1000x128xf32, #tpu.memory_space<vmem>>, %arg2: memref<1x128xf32, #tpu.memory_space<vmem>>, %arg3: memref<1000x128xf32, #tpu.memory_space<vmem>>) attributes {dimension_semantics = [#tpu.dimension_semantics<arbitrary>], iteration_bounds = array<i64: 10>, scalar_prefetch = 0 : i64, scratch_operands = 0 : i64, tpu.core_type = #tpu.core_type<tc>, window_params = [{transform_indices = @transform_0, window_bounds = array<i64: 1000, 128>}, {pipeline_mode = #tpu.pipeline_mode<synchronous>, transform_indices = @transform_1, window_bounds = array<i64: 1, 128>}, {transform_indices = @transform_2, window_bounds = array<i64: 1000, 128>}]} {
    %get3A = arith.constant 0 : index
    %get3A_0 = arith.constant 0 : index
    %get3A_1 = vector.load %arg2[%get3A, %get3A_0] : memref<1x128xf32, #tpu.memory_space<vmem>>, vector<1x128xf32>
    %iota3A = tpu.iota {dimensions = array<i32: 0>} : vector<128x128xi32>
    %iota3A_2 = tpu.iota {dimensions = array<i32: 1>} : vector<128x128xi32>
    %jit3A = arith.constant 64 : i32
    %eq3A = arith.constant 0 : i32
    %eq3A_3 = arith.cmpi eq, %jit3A, %eq3A : i32
    %jit3A_4 = arith.constant 1 : i32
    %select_n3A = arith.select %eq3A_3, %jit3A_4, %jit3A : i32
    %rem3A = vector.broadcast %select_n3A : i32 to vector<128x128xi32>
    %rem3A_5 = arith.remsi %iota3A, %rem3A : vector<128x128xi32>
    %ne3A = arith.constant 0 : i32
    %ne3A_6 = vector.broadcast %ne3A : i32 to vector<128x128xi32>
    %ne3A_7 = arith.cmpi ne, %rem3A_5, %ne3A_6 : vector<128x128xi32>
    %lt3A = arith.constant 0 : i32
    %lt3A_8 = vector.broadcast %lt3A : i32 to vector<128x128xi32>
    %lt3A_9 = arith.cmpi slt, %rem3A_5, %lt3A_8 : vector<128x128xi32>
    %lt3A_10 = arith.constant 0 : i32
    %lt3A_11 = arith.cmpi slt, %select_n3A, %lt3A_10 : i32
    %ne3A_12 = vector.broadcast %lt3A_11 : i1 to vector<128x128xi1>
    %ne3A_13 = vector.broadcast %ne3A_12 : vector<128x128xi1> to vector<128x128xi1>
    %ne3A_14 = arith.xori %lt3A_9, %ne3A_13 : vector<128x128xi1>
    %and3A = arith.andi %ne3A_14, %ne3A_7 : vector<128x128xi1>
    %add3A = vector.broadcast %select_n3A : i32 to vector<128x128xi32>
    %add3A_15 = arith.addi %rem3A_5, %add3A : vector<128x128xi32>
    %select_n3A_16 = arith.select %and3A, %add3A_15, %rem3A_5 : vector<128x128xi1>, vector<128x128xi32>
    %jit3A_17 = arith.constant 64 : i32
    %eq3A_18 = arith.constant 0 : i32
    %eq3A_19 = arith.cmpi eq, %jit3A_17, %eq3A_18 : i32
    %jit3A_20 = arith.constant 1 : i32
    %select_n3A_21 = arith.select %eq3A_19, %jit3A_20, %jit3A_17 : i32
    %rem3A_22 = vector.broadcast %select_n3A_21 : i32 to vector<128x128xi32>
    %rem3A_23 = arith.remsi %iota3A_2, %rem3A_22 : vector<128x128xi32>
    %ne3A_24 = arith.constant 0 : i32
    %ne3A_25 = vector.broadcast %ne3A_24 : i32 to vector<128x128xi32>
    %ne3A_26 = arith.cmpi ne, %rem3A_23, %ne3A_25 : vector<128x128xi32>
    %lt3A_27 = arith.constant 0 : i32
    %lt3A_28 = vector.broadcast %lt3A_27 : i32 to vector<128x128xi32>
    %lt3A_29 = arith.cmpi slt, %rem3A_23, %lt3A_28 : vector<128x128xi32>
    %lt3A_30 = arith.constant 0 : i32
    %lt3A_31 = arith.cmpi slt, %select_n3A_21, %lt3A_30 : i32
    %ne3A_32 = vector.broadcast %lt3A_31 : i1 to vector<128x128xi1>
    %ne3A_33 = vector.broadcast %ne3A_32 : vector<128x128xi1> to vector<128x128xi1>
    %ne3A_34 = arith.xori %lt3A_29, %ne3A_33 : vector<128x128xi1>
    %and3A_35 = arith.andi %ne3A_34, %ne3A_26 : vector<128x128xi1>
    %add3A_36 = vector.broadcast %select_n3A_21 : i32 to vector<128x128xi32>
    %add3A_37 = arith.addi %rem3A_23, %add3A_36 : vector<128x128xi32>
    %select_n3A_38 = arith.select %and3A_35, %add3A_37, %rem3A_23 : vector<128x128xi1>, vector<128x128xi32>
    %eq3A_39 = arith.cmpi eq, %select_n3A_16, %select_n3A_38 : vector<128x128xi32>
    %convert_element_type3A = arith.extui %eq3A_39 : vector<128x128xi1> to vector<128x128xi32>
    %convert_element_type3A_40 = arith.sitofp %convert_element_type3A : vector<128x128xi32> to vector<128x128xf32>
    %dot_general3A = arith.constant dense<0.000000e+00> : vector<1x128xf32>
    %dot_general3A_41 = tpu.matmul %get3A_1, %convert_element_type3A_40, %dot_general3A {dimension_numbers = #tpu.dot_dimension_numbers<[1], [0], [0], [1], [0, 0, 1, 1], [], []>, transpose_lhs_hint = false} : vector<1x128xf32>, vector<128x128xf32>, vector<1x128xf32> -> vector<1x128xf32>
    %sqrt3A = math.sqrt %dot_general3A_41 : vector<1x128xf32>
    %gt3A = arith.constant 1.000000e+00 : f32
    %gt3A_42 = vector.broadcast %gt3A : f32 to vector<1x128xf32>
    %gt3A_43 = arith.cmpf ogt, %sqrt3A, %gt3A_42 : vector<1x128xf32>
    %div3A = arith.constant 1.000000e+00 : f32
    %div3A_44 = vector.broadcast %div3A : f32 to vector<1x128xf32>
    %div3A_45 = arith.divf %div3A_44, %sqrt3A : vector<1x128xf32>
    %jit3A_46 = arith.constant 1.000000e+00 : f32
    %broadcast_in_dim3A = vector.broadcast %jit3A_46 : f32 to vector<1x128xf32>
    %select_n3A_47 = arith.select %gt3A_43, %div3A_45, %broadcast_in_dim3A : vector<1x128xi1>, vector<1x128xf32>
    %get3A_48 = arith.constant 0 : index
    %get3A_49 = arith.constant 0 : index
    %get3A_50 = vector.load %arg1[%get3A_48, %get3A_49] : memref<1000x128xf32, #tpu.memory_space<vmem>>, vector<1000x128xf32>
    %mul3A = vector.broadcast %select_n3A_47 : vector<1x128xf32> to vector<1000x128xf32>
    %mul3A_51 = arith.mulf %get3A_50, %mul3A : vector<1000x128xf32>
    %swap3A = arith.constant 0 : index
    %swap3A_52 = arith.constant 0 : index
    %swap3A_53 = vector.load %arg3[%swap3A, %swap3A_52] : memref<1000x128xf32, #tpu.memory_space<vmem>>, vector<1000x128xf32>
    tpu.vector_store %arg3[%swap3A, %swap3A_52], %mul3A_51 {strides = array<i32>} : memref<1000x128xf32, #tpu.memory_space<vmem>>, vector<1000x128xf32>,
    return
  }
  func.func @transform_0(%arg0: i32) -> (i32, i32) {
    %c0_i32 = arith.constant 0 : i32
    %c0_i32_0 = arith.constant 0 : i32
    return %arg0, %c0_i32 : i32, i32
  }
  func.func @transform_1(%arg0: i32) -> (i32, i32) {
    %c0_i32 = arith.constant 0 : i32
    %c0_i32_0 = arith.constant 0 : i32
    %c0_i32_1 = arith.constant 0 : i32
    return %c0_i32, %c0_i32_0 : i32, i32
  }
  func.func @transform_2(%arg0: i32) -> (i32, i32) {
    %c0_i32 = arith.constant 0 : i32
    %c0_i32_0 = arith.constant 0 : i32
    return %arg0, %c0_i32 : i32, i32
  }
}

</mosaic_0001>

<sc_bundles>
// kernel: kernel.11.cloned.1.call-start
scs
__scs_entry_jumppad:
0x0: {  	(pc) =	sbr.rel $0x88, $3  }
0x1: {  	(tag) =	ssettag $0x0;
	lr =	simm.s32 $0x1  }
0x2: {  	[smem:$0x3F93] =	sst lr;
	_ =	strace $0xD0000000  }
0x3: {  	_ = 	snop  }
0x4: {  	_ = 	snop  }
0x5: {  	_ = 	snop  }
0x6: {  	_ = 	snop  }
0x7: {  	_ = 	snop  }
__scs_overlays_trampoline_lowered:
0x8: {  	[smem:$0x3FA2] =	sst s0  }
0x9: {  	[smem:$0x3FA3] =	sst s1  }
0xa: {  	[smem:$0x3FA4] =	sst s2  }
0xb: {  	[smem:$0x3FA5] =	sst s3  }
0xc: {  	[smem:$0x3FA6] =	sst s4  }
0xd: {  	[smem:$0x3FA7] =	sst s5  }
0xe: {  	[smem:$0x3FA8] =	sst s6  }
0xf: {  	[smem:$0x3FA9] =	sst s7  }
0x10: {  	[smem:$0x3FAA] =	sst s8  }
0x11: {  	[smem:$0x3FAB] =	sst s9;
	s0 =	simm.s32 @!p0 $0x0  }
0x12: {  	s1 =	sld [smem:$0x3F91];
	s0 =	simm.s32 @p0 $0x1  }
0x13: {  	[smem:$0x3FAC] =	sst s0;
	s0 =	simm.s32 @!p1 $0x0  }
0x14: {  	s2 =	sld [smem:$0x3F90];
	s0 =	simm.s32 @p1 $0x1  }
0x15: {  	[smem:$0x3FAD] =	sst s0;
	s0 =	simm.s32 @!p2 $0x0  }
0x16: {  	s3 =	sld [smem:$0x3FDB];
	s0 =	simm.s32 @p2 $0x1  }
0x17: {  	s4 =	simm.s32 $0x1BF5;
	[smem:$0x3FAF] =	sst s0  }
0x18: {  	s0 =	sld [smem:$0x3F92];
	_ =	swait.ge [sflag:s4], $0x0  }
0x19: {  	s7 =	sld [smem:$0x3F93]  }
0x1a: {  	s8 =	sadd.s32 $0xFFFFE003, lr  }
0x1b: {  	s9 =	sadd.s32 $0xFFFFFEF7, lr;
	s5 =	simm.s32 $0xFFFFFFFF;
	p2 =	slt.u32 s8, $0xFFFFF086  }
0x1c: {  	p1 =	slt.u32 s9, $0xF7A;
	s5 =	simm.s32 @!p2 $0x0  }
0x1d: {  	s5 =	simm.s32 @p1 $0x1;
	p0 =	seq.s32 s7, s2  }
0x1e: {  	s7 =	smul.u32 @!p0 $0xF7A, s2;
	p2 =	seq.s32 @!p0 s5, $0x0  }
0x1f: {  	s9 =	smul.u32 $0xF7A, s1;
	s8 =	simm.s32 @!p0 $0x1BF5;
	p2 =	por !p2, p0  }
0x20: {  	[sflag:s8] =	ssyncset.s32 @!p0 $0xFFFFF086;
	s6 =	sadd.s32 @!p0 s3, s7;
	s7 =	simm.s32 @!p0 $0x108  }
0x21: {  	s3 =	sadd.s32 s3, s9;
	s6 =	sadd.s32 @!p0 $0x88, s6;
	s7 =	simm.s32 @p2 $0x1082  }
0x22: {  	[simem:s7], [sflag:s8] =	dma.local @!p0 [hbm:s6], $0xF7A  }
0x23: {  	s9 =	sor.u32 $0xD0000000, s2;
	s6 =	simm.s32 $0x108;
	_ =	swait.ge @!p0 [sflag:s8], $0x0  }
0x24: {  	s3 =	sadd.s32 $0x88, s3;
	s6 =	simm.s32 @!p1 $0x1082;
	[sflag:s4] =	ssyncset.s32 $0xFFFFF086  }
0x25: {  	[simem:s6], [sflag:s4] =	dma.local [hbm:s3], $0xF7A  }
0x26: {  	[smem:$0x3F93] =	sst s1;
	(tag) =	ssettag s2;
	_ =	strace s9  }
0x27: {  	s1 =	sld [smem:$0x3FA3]  }
0x28: {  	s2 =	sld [smem:$0x3FA4]  }
0x29: {  	s4 =	sld [smem:$0x3FA6]  }
0x2a: {  	p0 =	seq.s32 s5, $0x0;
	s5 =	sld [smem:$0x3FA7]  }
0x2b: {  	s6 =	sld [smem:$0x3FA8]  }
0x2c: {  	s7 =	sld [smem:$0x3FA9]  }
0x2d: {  	s3 =	simm.s32 $0x108;
	s8 =	sld [smem:$0x3FAA]  }
0x2e: {  	s3 =	simm.s32 @!p0 $0x1082;
	s9 =	sld [smem:$0x3FAB]  }
0x2f: {  	lr =	sadd.s32 s0, s3;
	s0 =	sld [smem:$0x3FA2]  }
0x30: {  	s3 =	sld [smem:$0x3FA5]  }
0x31: {  	[smem:$0x3FAE] =	sst s10  }
0x32: {  	s10 =	sld [smem:$0x3FAC];
	_ =	sdelay $0x3  }
0x33: {  	p0 =	seq.s32 s10, $0x1;
	s10 =	sld [smem:$0x3FAE];
	_ =	sdelay $0x3  }
0x34: {  	[smem:$0x3FAE] =	sst s10  }
0x35: {  	s10 =	sld [smem:$0x3FAD];
	_ =	sdelay $0x3  }
0x36: {  	p1 =	seq.s32 s10, $0x1;
	s10 =	sld [smem:$0x3FAE];
	_ =	sdelay $0x3  }
0x37: {  	[smem:$0x3FAE] =	sst s10  }
0x38: {  	s10 =	sld [smem:$0x3FAF]  }
0x39: {  	_ = 	snop;
	(pc) =	sbr.ind lr, $3  }
0x3a: {  	_ = 	snop  }
0x3b: {  	_ = 	snop  }
0x3c: {  	p2 =	seq.s32 s10, $0x1;
	s10 =	sld [smem:$0x3FAE]  }
0x3d: {  	_ =	shalt  }
0x3e: {  	_ =	shalt  }
0x3f: {  	_ =	shalt  }
0x40: {  	_ =	shalt  }
0x41: {  	_ =	shalt  }
0x42: {  	_ =	shalt  }
0x43: {  	_ =	shalt  }
0x44: {  	_ =	shalt  }
0x45: {  	_ =	shalt  }
0x46: {  	_ =	shalt  }
0x47: {  	_ =	shalt  }
0x48: {  	_ =	shalt  }
0x49: {  	_ =	shalt  }
0x4a: {  	_ =	shalt  }
0x4b: {  	_ =	shalt  }
0x4c: {  	_ =	shalt  }
0x4d: {  	_ =	shalt  }
0x4e: {  	_ =	shalt  }
0x4f: {  	_ =	shalt  }
0x50: {  	_ =	shalt  }
0x51: {  	_ =	shalt  }
0x52: {  	_ =	shalt  }
0x53: {  	_ =	shalt  }
0x54: {  	_ =	shalt  }
0x55: {  	_ =	shalt  }
0x56: {  	_ =	shalt  }
0x57: {  	_ =	shalt  }
0x58: {  	_ =	shalt  }
0x59: {  	_ =	shalt  }
0x5a: {  	_ =	shalt  }
0x5b: {  	_ =	shalt  }
0x5c: {  	_ =	shalt  }
0x5d: {  	_ =	shalt  }
0x5e: {  	_ =	shalt  }
0x5f: {  	_ =	shalt  }
0x60: {  	_ =	shalt  }
0x61: {  	_ =	shalt  }
0x62: {  	_ =	shalt  }
0x63: {  	_ =	shalt  }
0x64: {  	_ =	shalt  }
0x65: {  	_ =	shalt  }
0x66: {  	_ =	shalt  }
0x67: {  	_ =	shalt  }
0x68: {  	_ =	shalt  }
0x69: {  	_ =	shalt  }
0x6a: {  	_ =	shalt  }
0x6b: {  	_ =	shalt  }
0x6c: {  	_ =	shalt  }
0x6d: {  	_ =	shalt  }
0x6e: {  	_ =	shalt  }
0x6f: {  	_ =	shalt  }
0x70: {  	_ =	shalt  }
0x71: {  	_ =	shalt  }
0x72: {  	_ =	shalt  }
0x73: {  	_ =	shalt  }
0x74: {  	_ =	shalt  }
0x75: {  	_ =	shalt  }
0x76: {  	_ =	shalt  }
0x77: {  	_ =	shalt  }
0x78: {  	_ =	shalt  }
0x79: {  	_ =	shalt  }
0x7a: {  	_ =	shalt  }
0x7b: {  	_ =	shalt  }
0x7c: {  	_ =	shalt  }
0x7d: {  	_ =	shalt  }
0x7e: {  	_ =	shalt  }
0x7f: {  	_ =	shalt  }
0x80: {  	_ =	shalt  }
0x81: {  	_ =	shalt  }
0x82: {  	_ =	shalt  }
0x83: {  	_ =	shalt  }
0x84: {  	_ =	shalt  }
0x85: {  	_ =	shalt  }
0x86: {  	_ =	shalt  }
0x87: {  	_ =	shalt  }
.Lfunc_end0:
.L_simem_size_0:
called_computation_lowered:
.L_overlay_start_0:
0x88: {  	s2 =	sld [smem:$0x3FD9]  }
0x89: {  	s3 =	sld [smem:$0x3FFE];
	_ =	sdelay $0x1  }
0x8a: {  	s1 =	srdreg.scid  }
0x8b: {  	s0 =	sand.u32 $0x1, s1  }
0x8c: {  	s17 =	sshll.u32 s0, $0xA;
	s2 =	sadd.s32 s3, s2  }
0x8d: {  	s2 =	sadd.s32 s2, s17  }
0x8e: {  	[smem:$0x3FBA] =	sst s2  }
0x8f: {  	_ = 	snop  }
0x90: {  	s2 =	sld [smem:$0x3FD0];
	(tm) =	ssettm $0x1  }
0x91: {  	s18 =	sld [smem:$0x3FFB];
	_ =	sdelay $0x3  }
0x92: {  	_ =	strace s18  }
0x93: {  	s3 =	sld [smem:$0x3FFC];
	_ =	sdelay $0x3  }
0x94: {  	_ =	strace s3  }
0x95: {  	s3 =	sld [smem:$0x3FFD];
	_ =	sdelay $0x3  }
0x96: {  	_ =	strace s3  }
0x97: {  	_ =	strace $0x8FFFFFFF  }
0x98: {  	s19 =	sld [smem:$0x3FDB];
	_ =	sdelay $0x1  }
0x99: {  	s4 =	simm.s32 $_scs_section_size  }
0x9a: {  	s5 =	simm.s32 $_size__tile_overlayer_lowered;
	s6 =	simm.s32 $_tile_overlayer_lowered  }
0x9b: {  	s22 =	simm.s32 $0x1BFF;
	s21 =	sshll.u32 s6, $0x1;
	s3 =	sadd.s32 s4, s19  }
0x9c: {  	s7 =	simm.s32 $0x0;
	s20 =	sshll.u32 s5, $0x1;
	s5 =	sadd.s32 s21, s3  }
0x9d: {  	[timem:s7], [sflag:s22] =	dma.local [hbm:s5], s20  }
0x9e: {  	_ =	swait.ge [sflag:s22], s20  }
0x9f: {  	s4 =	ssub.s32 $0x0, s20;
	[sflag:s22] =	ssyncset.done $0x0  }
0xa0: {  	[sflag:s22] =	ssyncadd.s32 s4;
	_ =	sdelay $0x1  }
0xa1: {  	s23 =	simm.s32 $0x1B8B  }
0xa2: {  	_ =	swait.ge [sflag:s23], $0x1  }
0xa3: {  	[sflag:s23] =	ssyncset.done $0x0  }
0xa4: {  	s25 =	simm.s32 $0x1B8E;
	s24 =	sld [smem:$0x3FFE];
	[sflag:s23] =	ssyncadd.s32 $0xFFFFFFFF  }
0xa5: {  	s26 =	simm.s32 $execute0_lowered;
	[smem:$0x3FD2] =	sst s25  }
0xa6: {  	s5 =	sshll.u32 s26, $0x1;
	_ =	strace $0x80000046;
	[dreg:$0x1] =	wrdreg $0xFFFFFFFF  }
0xa7: {  	s28 =	simm.s32 $_size_execute0_lowered;
	s3 =	sadd.s32 s3, s5;
	[dreg:$0x0] =	wrdreg $0x0  }
0xa8: {  	s5 =	sshll.u32 s28, $0x1;
	[dreg:$0x2] =	wrdreg s3  }
0xa9: {  	[dreg:$0x3] =	wrdreg s5  }
0xaa: {  	[dreg:$0x4] =	wrdreg $0xC0  }
0xab: {  	_ =	task [dreg:s7], $0x5FFFF  }
0xac: {  	[dreg:$0x1] =	wrdreg $0xFFFFFFFF  }
0xad: {  	[dreg:$0x0] =	wrdreg $0x60  }
0xae: {  	[dreg:$0x2] =	wrdreg s2  }
0xaf: {  	[dreg:$0x3] =	wrdreg s24  }
0xb0: {  	[dreg:$0x4] =	wrdreg $0x1A0000  }
0xb1: {  	[dreg:$0x5] =	wrdreg $0x9  }
0xb2: {  	_ =	task.clear_ibuf [dreg:s7], $0x6FFFF;
	_ =	strace $0x90000046  }
0xb3: {  	s29 =	simm.s32 $0x9;
	_ =	strace $0x80000048  }
0xb4: {  	_ =	swait.ge [sflag:s29], $0x1  }
0xb5: {  	[sflag:s29] =	ssyncadd.s32 $0xFFFFFFFF  }
0xb6: {  	_ =	strace $0x90000048  }
0xb7: {  	_ =	sfence  }
0xb8: {  	s30 =	sld [smem:$0x0];
	_ =	sdelay $0x2  }
0xb9: {  	s31 =	sshll.u32 s1, $0xD;
	s1 =	sshrl.u32 s1, $0x2  }
0xba: {  	s3 =	sand.u32 $0x4000, s31;
	s1 =	sadd.s32 s1, s30  }
0xbb: {  	s0 =	sor.u32 s3, s0;
	s1 =	sshll.u32 s1, $0x11  }
0xbc: {  	s0 =	sor.u32 s1, s0  }
0xbd: {  	s0 =	sadd.s32 $0x8F2B, s0  }
0xbe: {  	[sflag:s0] =	ssyncadd.remote.s32 $0x1  }
0xbf: {  	_ =	sfence.sel $0xFFFF  }
0xc0: {  	[dreg:$0x0] =	wrdreg $0xFFFFFFFF;
	(pc) =	sbr.abs _section_cstart, $3  }
0xc1: {  	[dreg:$0x1] =	wrdreg $0xFFFFFFFF  }
0xc2: {  	_ =	task.clear_ibuf [dreg:s7], $0x2FFFF;
	_ =	strace $0x9FFFFFFF  }
0xc3: {  	(tm) =	ssettm $0x7FFFFFFF  }
tec
execute0_lowered:
.L_overlay_start_1:
0x0: {  	(tag) =	ssettag $0x1  }
0x1: {  	s3 =	rddreg [dreg:$0x0]  }
0x2: {  	s1 =	rddreg [dreg:$0x1]  }
0x3: {  	s2 =	rddreg [dreg:$0x2];
	s30 =	simm.s32 $0x0  }
0x4: {  	[smem:$0x7FF] =	sst s30;
	s7 =	sadd.s32 $0x7B200, s1  }
0x5: {  	s24 =	simm.s32 $0x5400;
	_ =	strace $0x80000047;
	[dreg:$0x4] =	wrdreg s7  }
0x6: {  	s25 =	simm.s32 $0x800;
	[dreg:$0x8] =	wrdreg s24  }
0x7: {  	s0 =	srdreg.scid;
	s26 =	simm.s32 $0xC00;
	[dreg:$0x9] =	wrdreg s25  }
0x8: {  	s12 =	stileid.u32;
	s8 =	simm.s32 $0x1400;
	[dreg:$0xa] =	wrdreg s26  }
0x9: {  	s10 =	simm.s32 $0x6000;
	s11 =	simm.s32 $0x6400;
	[dreg:$0xe] =	wrdreg s8  }
0xa: {  	s14 =	simm.s32 $0x1800;
	s16 =	simm.s32 $0x1C00;
	[dreg:$0xf] =	wrdreg s10  }
0xb: {  	s17 =	simm.s32 $0x6800;
	s18 =	simm.s32 $0x6C00;
	[dreg:$0x10] =	wrdreg s11  }
0xc: {  	s31 =	simm.s32 $0x5000;
	s19 =	simm.s32 $0x2000;
	[dreg:$0x11] =	wrdreg s14  }
0xd: {  	s21 =	simm.s32 $0x2400;
	s22 =	simm.s32 $0x7000;
	[dreg:$0x12] =	wrdreg s16  }
0xe: {  	s28 =	simm.s32 $0x3000;
	s29 =	simm.s32 $0x3400;
	[dreg:$0x13] =	wrdreg s17  }
0xf: {  	p0 =	por $0x0, $0x0;
	s5 =	smul.u32 $0xA00, s12;
	[dreg:$0x14] =	wrdreg s18  }
0x10: {  	s0 =	sand.u32 $0x1, s0;
	s9 =	smul.u32 $0x14000, s12;
	[dreg:$0x15] =	wrdreg s19  }
0x11: {  	s20 =	sshll.u32 s12, $0x6;
	s4 =	sshll.u32 s0, $0x4;
	[dreg:$0x16] =	wrdreg s21  }
0x12: {  	s6 =	sxor.u32 $0x1, s0;
	s0 =	ssub.s32 $0x2, s0;
	[dreg:$0x17] =	wrdreg s22  }
0x13: {  	s24 =	simm.s32 $0x2800;
	s25 =	simm.s32 $0x2C00;
	s8 =	simm.s32 $0x12000  }
0x14: {  	s26 =	simm.s32 $0x7800;
	s11 =	simm.s32 $0x1;
	s10 =	simm.s32 $0x2  }
0x15: {  	s18 =	simm.s32 $0x7C00;
	s22 =	simm.s32 $0x8800;
	s21 =	simm.s32 $0x8C00  }
0x16: {  	s19 =	simm.s32 $0x4400;
	s17 =	simm.s32 $0x9400;
	s16 =	simm.s32 $0x4C00  }
0x17: {  	s14 =	simm.s32 $0x9800;
	s4 =	sor.u32 s12, s4;
	[dreg:$0x19] =	wrdreg s24  }
0x18: {  	s6 =	smul.u32 $0xA000, s6;
	s7 =	sshrl.u32 s0, $0x1;
	[dreg:$0x1a] =	wrdreg s25  }
0x19: {  	s13 =	sshrl.u32 s9, $0x2;
	s9 =	simm.s32 $0xA000;
	[dreg:$0x1b] =	wrdreg s26  }
0x1a: {  	s26 =	simm.s32 $0x8000;
	s25 =	simm.s32 $0x8400;
	s24 =	simm.s32 $0x3C00  }
0x1b: {  	s4 =	smul.u32 $0xA00, s4;
	s0 =	ssub.s32 s0, s7;
	s15 =	sadd.s32 s13, s2  }
0x1c: {  	s7 =	simm.s32 $0x400;
	s13 =	simm.s32 $0x9C00;
	s5 =	sadd.s32 s5, s6  }
0x1d: {  	s6 =	simm.s32 $0x1000;
	s0 =	smax.u32 s0, $0x1;
	s4 =	sadd.s32 s4, s1  }
0x1e: {  	s1 =	sadd.s32 s5, s1;
	s5 =	simm.s32 $0x5C00;
	[dreg:$0xd] =	wrdreg s6  }
0x1f: {  	s6 =	sshrl.u32 s15, $0x3;
	s23 =	sadd.s32 $0x17200, s4;
	[dreg:$0xc] =	wrdreg s5  }
0x20: {  	p1 =	sne.s32 s0, $0x1;
	s4 =	sadd.s32 $0x3200, s4;
	[dreg:$0x5] =	wrdreg s23  }
.Ltmp0:
0x21: {  	s1 =	sadd.s32 $0x7BC00, s1;
	[dreg:$0x6] =	wrdreg s4;
	(pc) =	sbr.rel @!p1 .LBB2_1-.Ltmp0, $4  }
0x22: {  	s15 =	simm.s32 $0x4800;
	[dreg:$0x7] =	wrdreg s1;
	s4 =	simm.s32 $0x5800  }
0x23: {  	s5 =	sor.u32 $0x1C03, s20;
	s23 =	simm.s32 $0x7400;
	[dreg:$0xb] =	wrdreg s4  }
0x24: {  	s20 =	simm.s32 $0x9000;
	s1 =	sadd.s32 $0xFFFFFFFF, s0;
	[dreg:$0x18] =	wrdreg s23  }
0x25: {  	s4 =	simm.s32 $0x3;
	s23 =	simm.s32 $0x3800;
	s0 =	rddreg [dreg:$0x5]  }
0x26: {  	[tilespmem:s30], [sflag:$0x3] =	stream.linear.gather [hbm4b:s0+s30], $0x5000, $0x38;
	[tilespmem:$0x1F000] =	vst v63  }
0x27: {  	_ =	swait.ge [sflag:s4], $0x5000  }
0x28: {  	[sflag:s4] =	ssyncset.done $0x0  }
0x29: {  	s12 =	rddreg [dreg:$0x6];
	[sflag:s4] =	ssyncadd.s32 $0xFFFFB000  }
0x2a: {  	[tilespmem:s31], [sflag:$0x3] =	stream.linear.gather [hbm4b:s12+s30], $0x5000, $0x38;
	[tilespmem:$0x1F000] =	vst v63  }
0x2b: {  	_ =	swait.ge [sflag:s4], $0x5000  }
0x2c: {  	[sflag:s4] =	ssyncset.done $0x0  }
0x2d: {  	s12 =	rddreg [dreg:$0x4];
	[sflag:s4] =	ssyncadd.s32 $0xFFFFB000  }
0x2e: {  	[spmem:s6], [sflag:s5] =	dma.local [hbm:s12], $0xA00  }
0x2f: {  	_ =	swait.ge [sflag:s4], $0xA00  }
0x30: {  	[sflag:s4] =	ssyncset.done $0x0  }
0x31: {  	[sflag:s4] =	ssyncadd.s32 $0xFFFFF600  }
0x32: {  	[bflag:$0x0] =	sbarrier.arrive $0xFFFF  }
0x33: {  	[tilespmem:s9], [sflag:$0x1] =	stream.indirect.gather [hbm4b:s3+s7], $0x20, s30, s7, $0xb8;
	[tilespmem:$0x1F000] =	vst v63  }
0x34: {  	_ = 	snop  }
0x35: {  	[tilespmem:s8], [sflag:$0x2] =	stream.indirect.gather [hbm4b:s3+s7], $0x20, s7, s7, $0xb8;
	[tilespmem:$0x1F000] =	vst v63  }
0x36: {  	_ =	swait.ge [sflag:s11], $0x8000  }
0x37: {  	[sflag:s11] =	ssyncset.done $0x0  }
0x38: {  	[sflag:s11] =	ssyncadd.s32 $0xFFFF8000  }
0x39: {  	[spmem:s2] =	stream.indirect.scatter.add.f32 [tilespmem:s9], [sflag:$0x3], $0x20, s31, s7, $0xb8;
	[tilespmem:$0x1F000] =	vst v63  }
0x3a: {  	_ =	swait.ge [sflag:s4], $0x8000  }
0x3b: {  	[sflag:s4] =	ssyncset.done $0x0  }
0x3c: {  	[sflag:s4] =	ssyncadd.s32 $0xFFFF8000  }
0x3d: {  	_ =	swait.ge [sflag:s10], $0x8000  }
0x3e: {  	[sflag:s10] =	ssyncset.done $0x0  }
0x3f: {  	s12 =	rddreg [dreg:$0x8];
	[sflag:s10] =	ssyncadd.s32 $0xFFFF8000  }
0x40: {  	[spmem:s2] =	stream.indirect.scatter.add.f32 [tilespmem:s8], [sflag:$0x3], $0x20, s12, s7, $0xb8;
	[tilespmem:$0x1F000] =	vst v63  }
0x41: {  	_ =	swait.ge [sflag:s4], $0x8000  }
0x42: {  	[sflag:s4] =	ssyncset.done $0x0  }
0x43: {  	s0 =	rddreg [dreg:$0x9];
	[sflag:s4] =	ssyncadd.s32 $0xFFFF8000  }
0x44: {  	[tilespmem:s9], [sflag:$0x1] =	stream.indirect.gather [hbm4b:s3+s7], $0x20, s0, s7, $0xb8;
	[tilespmem:$0x1F000] =	vst v63  }
0x45: {  	s12 =	smov.u32 s1;
	s1 =	rddreg [dreg:$0xa]  }
0x46: {  	[tilespmem:s8], [sflag:$0x2] =	stream.indirect.gather [hbm4b:s3+s7], $0x20, s1, s7, $0xb8;
	[tilespmem:$0x1F000] =	vst v63  }
0x47: {  	_ =	swait.ge [sflag:s11], $0x8000  }
0x48: {  	[sflag:s11] =	ssyncset.done $0x0  }
0x49: {  	s1 =	rddreg [dreg:$0xb];
	[sflag:s11] =	ssyncadd.s32 $0xFFFF8000  }
0x4a: {  	[spmem:s2] =	stream.indirect.scatter.add.f32 [tilespmem:s9], [sflag:$0x3], $0x20, s1, s7, $0xb8;
	[tilespmem:$0x1F000] =	vst v63  }
0x4b: {  	_ =	swait.ge [sflag:s4], $0x8000  }
0x4c: {  	[sflag:s4] =	ssyncset.done $0x0  }
0x4d: {  	[sflag:s4] =	ssyncadd.s32 $0xFFFF8000  }
0x4e: {  	_ =	swait.ge [sflag:s10], $0x8000  }
0x4f: {  	[sflag:s10] =	ssyncset.done $0x0  }
0x50: {  	s1 =	rddreg [dreg:$0xc];
	[sflag:s10] =	ssyncadd.s32 $0xFFFF8000  }
0x51: {  	[spmem:s2] =	stream.indirect.scatter.add.f32 [tilespmem:s8], [sflag:$0x3], $0x20, s1, s7, $0xb8;
	[tilespmem:$0x1F000] =	vst v63  }
0x52: {  	_ =	swait.ge [sflag:s4], $0x8000  }
0x53: {  	[sflag:s4] =	ssyncset.done $0x0  }
0x54: {  	s0 =	rddreg [dreg:$0xd];
	[sflag:s4] =	ssyncadd.s32 $0xFFFF8000  }
0x55: {  	[tilespmem:s9], [sflag:$0x1] =	stream.indirect.gather [hbm4b:s3+s7], $0x20, s0, s7, $0xb8;
	[tilespmem:$0x1F000] =	vst v63  }
0x56: {  	s1 =	rddreg [dreg:$0xe]  }
0x57: {  	[tilespmem:s8], [sflag:$0x2] =	stream.indirect.gather [hbm4b:s3+s7], $0x20, s1, s7, $0xb8;
	[tilespmem:$0x1F000] =	vst v63  }
0x58: {  	_ =	swait.ge [sflag:s11], $0x8000  }
0x59: {  	[sflag:s11] =	ssyncset.done $0x0  }
0x5a: {  	s1 =	rddreg [dreg:$0xf];
	[sflag:s11] =	ssyncadd.s32 $0xFFFF8000  }
0x5b: {  	[spmem:s2] =	stream.indirect.scatter.add.f32 [tilespmem:s9], [sflag:$0x3], $0x20, s1, s7, $0xb8;
	[tilespmem:$0x1F000] =	vst v63  }
0x5c: {  	_ =	swait.ge [sflag:s4], $0x8000  }
0x5d: {  	[sflag:s4] =	ssyncset.done $0x0  }
0x5e: {  	[sflag:s4] =	ssyncadd.s32 $0xFFFF8000  }
0x5f: {  	_ =	swait.ge [sflag:s10], $0x8000  }
0x60: {  	[sflag:s10] =	ssyncset.done $0x0  }
0x61: {  	s1 =	rddreg [dreg:$0x10];
	[sflag:s10] =	ssyncadd.s32 $0xFFFF8000  }
0x62: {  	[spmem:s2] =	stream.indirect.scatter.add.f32 [tilespmem:s8], [sflag:$0x3], $0x20, s1, s7, $0xb8;
	[tilespmem:$0x1F000] =	vst v63  }
0x63: {  	_ =	swait.ge [sflag:s4], $0x8000  }
0x64: {  	[sflag:s4] =	ssyncset.done $0x0  }
0x65: {  	s0 =	rddreg [dreg:$0x11];
	[sflag:s4] =	ssyncadd.s32 $0xFFFF8000  }
0x66: {  	[tilespmem:s9], [sflag:$0x1] =	stream.indirect.gather [hbm4b:s3+s7], $0x20, s0, s7, $0xb8;
	[tilespmem:$0x1F000] =	vst v63  }
0x67: {  	s1 =	rddreg [dreg:$0x12]  }
0x68: {  	[tilespmem:s8], [sflag:$0x2] =	stream.indirect.gather [hbm4b:s3+s7], $0x20, s1, s7, $0xb8;
	[tilespmem:$0x1F000] =	vst v63  }
0x69: {  	_ =	swait.ge [sflag:s11], $0x8000  }
0x6a: {  	[sflag:s11] =	ssyncset.done $0x0  }
0x6b: {  	s1 =	rddreg [dreg:$0x13];
	[sflag:s11] =	ssyncadd.s32 $0xFFFF8000  }
0x6c: {  	[spmem:s2] =	stream.indirect.scatter.add.f32 [tilespmem:s9], [sflag:$0x3], $0x20, s1, s7, $0xb8;
	[tilespmem:$0x1F000] =	vst v63  }
0x6d: {  	_ =	swait.ge [sflag:s4], $0x8000  }
0x6e: {  	[sflag:s4] =	ssyncset.done $0x0  }
0x6f: {  	[sflag:s4] =	ssyncadd.s32 $0xFFFF8000  }
0x70: {  	_ =	swait.ge [sflag:s10], $0x8000  }
0x71: {  	[sflag:s10] =	ssyncset.done $0x0  }
0x72: {  	s1 =	rddreg [dreg:$0x14];
	[sflag:s10] =	ssyncadd.s32 $0xFFFF8000  }
0x73: {  	[spmem:s2] =	stream.indirect.scatter.add.f32 [tilespmem:s8], [sflag:$0x3], $0x20, s1, s7, $0xb8;
	[tilespmem:$0x1F000] =	vst v63  }
0x74: {  	_ =	swait.ge [sflag:s4], $0x8000  }
0x75: {  	[sflag:s4] =	ssyncset.done $0x0  }
0x76: {  	s0 =	rddreg [dreg:$0x15];
	[sflag:s4] =	ssyncadd.s32 $0xFFFF8000  }
0x77: {  	[tilespmem:s9], [sflag:$0x1] =	stream.indirect.gather [hbm4b:s3+s7], $0x20, s0, s7, $0xb8;
	[tilespmem:$0x1F000] =	vst v63  }
0x78: {  	s1 =	rddreg [dreg:$0x16]  }
0x79: {  	[tilespmem:s8], [sflag:$0x2] =	stream.indirect.gather [hbm4b:s3+s7], $0x20, s1, s7, $0xb8;
	[tilespmem:$0x1F000] =	vst v63  }
0x7a: {  	_ =	swait.ge [sflag:s11], $0x8000  }
0x7b: {  	[sflag:s11] =	ssyncset.done $0x0  }
0x7c: {  	s1 =	rddreg [dreg:$0x17];
	[sflag:s11] =	ssyncadd.s32 $0xFFFF8000  }
0x7d: {  	[spmem:s2] =	stream.indirect.scatter.add.f32 [tilespmem:s9], [sflag:$0x3], $0x20, s1, s7, $0xb8;
	[tilespmem:$0x1F000] =	vst v63  }
0x7e: {  	_ =	swait.ge [sflag:s4], $0x8000  }
0x7f: {  	[sflag:s4] =	ssyncset.done $0x0  }
0x80: {  	[sflag:s4] =	ssyncadd.s32 $0xFFFF8000  }
0x81: {  	_ =	swait.ge [sflag:s10], $0x8000  }
0x82: {  	[sflag:s10] =	ssyncset.done $0x0  }
0x83: {  	s1 =	rddreg [dreg:$0x18];
	[sflag:s10] =	ssyncadd.s32 $0xFFFF8000  }
0x84: {  	[spmem:s2] =	stream.indirect.scatter.add.f32 [tilespmem:s8], [sflag:$0x3], $0x20, s1, s7, $0xb8;
	[tilespmem:$0x1F000] =	vst v63  }
0x85: {  	_ =	swait.ge [sflag:s4], $0x8000  }
0x86: {  	[sflag:s4] =	ssyncset.done $0x0  }
0x87: {  	s0 =	rddreg [dreg:$0x19];
	[sflag:s4] =	ssyncadd.s32 $0xFFFF8000  }
0x88: {  	[tilespmem:s9], [sflag:$0x1] =	stream.indirect.gather [hbm4b:s3+s7], $0x20, s0, s7, $0xb8;
	[tilespmem:$0x1F000] =	vst v63  }
0x89: {  	s1 =	rddreg [dreg:$0x1a]  }
0x8a: {  	[tilespmem:s8], [sflag:$0x2] =	stream.indirect.gather [hbm4b:s3+s7], $0x20, s1, s7, $0xb8;
	[tilespmem:$0x1F000] =	vst v63  }
0x8b: {  	_ =	swait.ge [sflag:s11], $0x8000  }
0x8c: {  	[sflag:s11] =	ssyncset.done $0x0  }
0x8d: {  	s1 =	rddreg [dreg:$0x1b];
	[sflag:s11] =	ssyncadd.s32 $0xFFFF8000  }
0x8e: {  	[spmem:s2] =	stream.indirect.scatter.add.f32 [tilespmem:s9], [sflag:$0x3], $0x20, s1, s7, $0xb8;
	[tilespmem:$0x1F000] =	vst v63  }
0x8f: {  	_ =	swait.ge [sflag:s4], $0x8000  }
0x90: {  	[sflag:s4] =	ssyncset.done $0x0  }
0x91: {  	[sflag:s4] =	ssyncadd.s32 $0xFFFF8000  }
0x92: {  	_ =	swait.ge [sflag:s10], $0x8000  }
0x93: {  	[sflag:s10] =	ssyncset.done $0x0  }
0x94: {  	[sflag:s10] =	ssyncadd.s32 $0xFFFF8000  }
0x95: {  	[spmem:s2] =	stream.indirect.scatter.add.f32 [tilespmem:s8], [sflag:$0x3], $0x20, s18, s7, $0xb8;
	[tilespmem:$0x1F000] =	vst v63  }
0x96: {  	_ =	swait.ge [sflag:s4], $0x8000  }
0x97: {  	[sflag:s4] =	ssyncset.done $0x0  }
0x98: {  	[sflag:s4] =	ssyncadd.s32 $0xFFFF8000  }
0x99: {  	[tilespmem:s9], [sflag:$0x1] =	stream.indirect.gather [hbm4b:s3+s7], $0x20, s28, s7, $0xb8;
	[tilespmem:$0x1F000] =	vst v63  }
0x9a: {  	_ = 	snop  }
0x9b: {  	[tilespmem:s8], [sflag:$0x2] =	stream.indirect.gather [hbm4b:s3+s7], $0x20, s29, s7, $0xb8;
	[tilespmem:$0x1F000] =	vst v63  }
0x9c: {  	_ =	swait.ge [sflag:s11], $0x8000  }
0x9d: {  	[sflag:s11] =	ssyncset.done $0x0  }
0x9e: {  	[sflag:s11] =	ssyncadd.s32 $0xFFFF8000  }
0x9f: {  	[spmem:s2] =	stream.indirect.scatter.add.f32 [tilespmem:s9], [sflag:$0x3], $0x20, s26, s7, $0xb8;
	[tilespmem:$0x1F000] =	vst v63  }
0xa0: {  	_ =	swait.ge [sflag:s4], $0x8000  }
0xa1: {  	[sflag:s4] =	ssyncset.done $0x0  }
0xa2: {  	[sflag:s4] =	ssyncadd.s32 $0xFFFF8000  }
0xa3: {  	_ =	swait.ge [sflag:s10], $0x8000  }
0xa4: {  	[sflag:s10] =	ssyncset.done $0x0  }
0xa5: {  	[sflag:s10] =	ssyncadd.s32 $0xFFFF8000  }
0xa6: {  	[spmem:s2] =	stream.indirect.scatter.add.f32 [tilespmem:s8], [sflag:$0x3], $0x20, s25, s7, $0xb8;
	[tilespmem:$0x1F000] =	vst v63  }
0xa7: {  	_ =	swait.ge [sflag:s4], $0x8000  }
0xa8: {  	[sflag:s4] =	ssyncset.done $0x0  }
0xa9: {  	[sflag:s4] =	ssyncadd.s32 $0xFFFF8000  }
0xaa: {  	[tilespmem:s9], [sflag:$0x1] =	stream.indirect.gather [hbm4b:s3+s7], $0x20, s23, s7, $0xb8;
	[tilespmem:$0x1F000] =	vst v63  }
0xab: {  	_ = 	snop  }
0xac: {  	[tilespmem:s8], [sflag:$0x2] =	stream.indirect.gather [hbm4b:s3+s7], $0x20, s24, s7, $0xb8;
	[tilespmem:$0x1F000] =	vst v63  }
0xad: {  	_ =	swait.ge [sflag:s11], $0x8000  }
0xae: {  	[sflag:s11] =	ssyncset.done $0x0  }
0xaf: {  	[sflag:s11] =	ssyncadd.s32 $0xFFFF8000  }
0xb0: {  	[spmem:s2] =	stream.indirect.scatter.add.f32 [tilespmem:s9], [sflag:$0x3], $0x20, s22, s7, $0xb8;
	[tilespmem:$0x1F000] =	vst v63  }
0xb1: {  	_ =	swait.ge [sflag:s4], $0x8000  }
0xb2: {  	[sflag:s4] =	ssyncset.done $0x0  }
0xb3: {  	[sflag:s4] =	ssyncadd.s32 $0xFFFF8000  }
0xb4: {  	_ =	swait.ge [sflag:s10], $0x8000  }
0xb5: {  	[sflag:s10] =	ssyncset.done $0x0  }
0xb6: {  	[sflag:s10] =	ssyncadd.s32 $0xFFFF8000  }
0xb7: {  	[spmem:s2] =	stream.indirect.scatter.add.f32 [tilespmem:s8], [sflag:$0x3], $0x20, s21, s7, $0xb8;
	[tilespmem:$0x1F000] =	vst v63  }
0xb8: {  	_ =	swait.ge [sflag:s4], $0x8000  }
0xb9: {  	[sflag:s4] =	ssyncset.done $0x0  }
0xba: {  	s1 =	simm.s32 $0x4000;
	[sflag:s4] =	ssyncadd.s32 $0xFFFF8000  }
0xbb: {  	[tilespmem:s9], [sflag:$0x1] =	stream.indirect.gather [hbm4b:s3+s7], $0x20, s1, s7, $0xb8;
	[tilespmem:$0x1F000] =	vst v63  }
0xbc: {  	_ = 	snop  }
0xbd: {  	[tilespmem:s8], [sflag:$0x2] =	stream.indirect.gather [hbm4b:s3+s7], $0x20, s19, s7, $0xb8;
	[tilespmem:$0x1F000] =	vst v63  }
0xbe: {  	_ =	swait.ge [sflag:s11], $0x8000  }
0xbf: {  	[sflag:s11] =	ssyncset.done $0x0  }
0xc0: {  	[sflag:s11] =	ssyncadd.s32 $0xFFFF8000  }
0xc1: {  	[spmem:s2] =	stream.indirect.scatter.add.f32 [tilespmem:s9], [sflag:$0x3], $0x20, s20, s7, $0xb8;
	[tilespmem:$0x1F000] =	vst v63  }
0xc2: {  	_ =	swait.ge [sflag:s4], $0x8000  }
0xc3: {  	[sflag:s4] =	ssyncset.done $0x0  }
0xc4: {  	[sflag:s4] =	ssyncadd.s32 $0xFFFF8000  }
0xc5: {  	_ =	swait.ge [sflag:s10], $0x8000  }
0xc6: {  	[sflag:s10] =	ssyncset.done $0x0  }
0xc7: {  	[sflag:s10] =	ssyncadd.s32 $0xFFFF8000  }
0xc8: {  	[spmem:s2] =	stream.indirect.scatter.add.f32 [tilespmem:s8], [sflag:$0x3], $0x20, s17, s7, $0xb8;
	[tilespmem:$0x1F000] =	vst v63  }
0xc9: {  	_ =	swait.ge [sflag:s4], $0x8000  }
0xca: {  	[sflag:s4] =	ssyncset.done $0x0  }
0xcb: {  	[sflag:s4] =	ssyncadd.s32 $0xFFFF8000  }
0xcc: {  	[tilespmem:s9], [sflag:$0x1] =	stream.indirect.gather [hbm4b:s3+s7], $0x20, s15, s7, $0xb8;
	[tilespmem:$0x1F000] =	vst v63  }
0xcd: {  	_ = 	snop  }
0xce: {  	[tilespmem:s8], [sflag:$0x2] =	stream.indirect.gather [hbm4b:s3+s7], $0x20, s16, s7, $0xb8;
	[tilespmem:$0x1F000] =	vst v63  }
0xcf: {  	_ =	swait.ge [sflag:s11], $0x8000  }
0xd0: {  	[sflag:s11] =	ssyncset.done $0x0  }
0xd1: {  	[sflag:s11] =	ssyncadd.s32 $0xFFFF8000  }
0xd2: {  	[spmem:s2] =	stream.indirect.scatter.add.f32 [tilespmem:s9], [sflag:$0x3], $0x20, s14, s7, $0xb8;
	[tilespmem:$0x1F000] =	vst v63  }
0xd3: {  	_ =	swait.ge [sflag:s4], $0x8000  }
0xd4: {  	[sflag:s4] =	ssyncset.done $0x0  }
0xd5: {  	[sflag:s4] =	ssyncadd.s32 $0xFFFF8000  }
0xd6: {  	_ =	swait.ge [sflag:s10], $0x8000  }
0xd7: {  	[sflag:s10] =	ssyncset.done $0x0  }
0xd8: {  	[sflag:s10] =	ssyncadd.s32 $0xFFFF8000  }
0xd9: {  	[spmem:s2] =	stream.indirect.scatter.add.f32 [tilespmem:s8], [sflag:$0x3], $0x20, s13, s7, $0xb8;
	[tilespmem:$0x1F000] =	vst v63  }
0xda: {  	_ =	swait.ge [sflag:s4], $0x8000  }
0xdb: {  	[sflag:s4] =	ssyncset.done $0x0  }
0xdc: {  	p1 =	sne.s32 s12, $0x1;
	[sflag:s4] =	ssyncadd.s32 $0xFFFF8000  }
.Ltmp1:
0xdd: {  	[bflag:$0x0] =	sbarrier.arrive $0xFFFF;
	(pc) =	sbr.rel @!p1 .LBB2_3-.Ltmp1, $4  }
0xde: {  	s1 =	rddreg [dreg:$0x7]  }
0xdf: {  	[hbm:s1], [sflag:s5] =	dma.local [spmem:s6], $0xA00  }
0xe0: {  	p0 =	por $0x1, $0x1;
	_ =	swait.ge [sflag:s4], $0xA00  }
0xe1: {  	s1 =	sadd.s32 $0xFFFFFFFF, s12;
	s0 =	rddreg [dreg:$0x5];
	[sflag:s4] =	ssyncset.done $0x0  }
.LBB2_4:
0xe2: {  	[sflag:s4] =	ssyncadd.s32 $0xFFFFF600  }
0xe3: {  	[tilespmem:s30], [sflag:$0x3] =	stream.linear.gather [hbm4b:s0+s30], $0x5000, $0x38;
	[tilespmem:$0x1F000] =	vst v63  }
0xe4: {  	_ =	swait.ge [sflag:s4], $0x5000  }
0xe5: {  	[sflag:s4] =	ssyncset.done $0x0  }
0xe6: {  	s12 =	rddreg [dreg:$0x6];
	[sflag:s4] =	ssyncadd.s32 $0xFFFFB000  }
0xe7: {  	[tilespmem:s31], [sflag:$0x3] =	stream.linear.gather [hbm4b:s12+s30], $0x5000, $0x38;
	[tilespmem:$0x1F000] =	vst v63  }
0xe8: {  	_ =	swait.ge [sflag:s4], $0x5000  }
0xe9: {  	[sflag:s4] =	ssyncset.done $0x0  }
0xea: {  	s12 =	rddreg [dreg:$0x4];
	[sflag:s4] =	ssyncadd.s32 $0xFFFFB000  }
0xeb: {  	[spmem:s6], [sflag:s5] =	dma.local [hbm:s12], $0xA00  }
0xec: {  	_ =	swait.ge [sflag:s4], $0xA00  }
0xed: {  	[sflag:s4] =	ssyncset.done $0x0  }
0xee: {  	[sflag:s4] =	ssyncadd.s32 $0xFFFFF600  }
0xef: {  	[bflag:$0x0] =	sbarrier.arrive $0xFFFF  }
0xf0: {  	[tilespmem:s9], [sflag:$0x1] =	stream.indirect.gather [hbm4b:s3+s7], $0x20, s30, s7, $0xb8;
	[tilespmem:$0x1F000] =	vst v63  }
0xf1: {  	_ = 	snop  }
0xf2: {  	[tilespmem:s8], [sflag:$0x2] =	stream.indirect.gather [hbm4b:s3+s7], $0x20, s7, s7, $0xb8;
	[tilespmem:$0x1F000] =	vst v63  }
0xf3: {  	_ =	swait.ge [sflag:s11], $0x8000  }
0xf4: {  	[sflag:s11] =	ssyncset.done $0x0  }
0xf5: {  	[sflag:s11] =	ssyncadd.s32 $0xFFFF8000  }
0xf6: {  	[spmem:s2] =	stream.indirect.scatter.add.f32 [tilespmem:s9], [sflag:$0x3], $0x20, s31, s7, $0xb8;
	[tilespmem:$0x1F000] =	vst v63  }
0xf7: {  	_ =	swait.ge [sflag:s4], $0x8000  }
0xf8: {  	[sflag:s4] =	ssyncset.done $0x0  }
0xf9: {  	[sflag:s4] =	ssyncadd.s32 $0xFFFF8000  }
0xfa: {  	_ =	swait.ge [sflag:s10], $0x8000  }
0xfb: {  	[sflag:s10] =	ssyncset.done $0x0  }
0xfc: {  	s12 =	rddreg [dreg:$0x8];
	[sflag:s10] =	ssyncadd.s32 $0xFFFF8000  }
0xfd: {  	[spmem:s2] =	stream.indirect.scatter.add.f32 [tilespmem:s8], [sflag:$0x3], $0x20, s12, s7, $0xb8;
	[tilespmem:$0x1F000] =	vst v63  }
0xfe: {  	_ =	swait.ge [sflag:s4], $0x8000  }
0xff: {  	[sflag:s4] =	ssyncset.done $0x0  }
0x100: {  	s0 =	rddreg [dreg:$0x9];
	[sflag:s4] =	ssyncadd.s32 $0xFFFF8000  }
0x101: {  	[tilespmem:s9], [sflag:$0x1] =	stream.indirect.gather [hbm4b:s3+s7], $0x20, s0, s7, $0xb8;
	[tilespmem:$0x1F000] =	vst v63  }
0x102: {  	s12 =	rddreg [dreg:$0xa]  }
0x103: {  	[tilespmem:s8], [sflag:$0x2] =	stream.indirect.gather [hbm4b:s3+s7], $0x20, s12, s7, $0xb8;
	[tilespmem:$0x1F000] =	vst v63  }
0x104: {  	_ =	swait.ge [sflag:s11], $0x8000  }
0x105: {  	[sflag:s11] =	ssyncset.done $0x0  }
0x106: {  	s12 =	rddreg [dreg:$0xb];
	[sflag:s11] =	ssyncadd.s32 $0xFFFF8000  }
0x107: {  	[spmem:s2] =	stream.indirect.scatter.add.f32 [tilespmem:s9], [sflag:$0x3], $0x20, s12, s7, $0xb8;
	[tilespmem:$0x1F000] =	vst v63  }
0x108: {  	_ =	swait.ge [sflag:s4], $0x8000  }
0x109: {  	[sflag:s4] =	ssyncset.done $0x0  }
0x10a: {  	[sflag:s4] =	ssyncadd.s32 $0xFFFF8000  }
0x10b: {  	_ =	swait.ge [sflag:s10], $0x8000  }
0x10c: {  	[sflag:s10] =	ssyncset.done $0x0  }
0x10d: {  	s12 =	rddreg [dreg:$0xc];
	[sflag:s10] =	ssyncadd.s32 $0xFFFF8000  }
0x10e: {  	[spmem:s2] =	stream.indirect.scatter.add.f32 [tilespmem:s8], [sflag:$0x3], $0x20, s12, s7, $0xb8;
	[tilespmem:$0x1F000] =	vst v63  }
0x10f: {  	_ =	swait.ge [sflag:s4], $0x8000  }
0x110: {  	[sflag:s4] =	ssyncset.done $0x0  }
0x111: {  	s0 =	rddreg [dreg:$0xd];
	[sflag:s4] =	ssyncadd.s32 $0xFFFF8000  }
0x112: {  	[tilespmem:s9], [sflag:$0x1] =	stream.indirect.gather [hbm4b:s3+s7], $0x20, s0, s7, $0xb8;
	[tilespmem:$0x1F000] =	vst v63  }
0x113: {  	s12 =	rddreg [dreg:$0xe]  }
0x114: {  	[tilespmem:s8], [sflag:$0x2] =	stream.indirect.gather [hbm4b:s3+s7], $0x20, s12, s7, $0xb8;
	[tilespmem:$0x1F000] =	vst v63  }
0x115: {  	_ =	swait.ge [sflag:s11], $0x8000  }
0x116: {  	[sflag:s11] =	ssyncset.done $0x0  }
0x117: {  	s12 =	rddreg [dreg:$0xf];
	[sflag:s11] =	ssyncadd.s32 $0xFFFF8000  }
0x118: {  	[spmem:s2] =	stream.indirect.scatter.add.f32 [tilespmem:s9], [sflag:$0x3], $0x20, s12, s7, $0xb8;
	[tilespmem:$0x1F000] =	vst v63  }
0x119: {  	_ =	swait.ge [sflag:s4], $0x8000  }
0x11a: {  	[sflag:s4] =	ssyncset.done $0x0  }
0x11b: {  	[sflag:s4] =	ssyncadd.s32 $0xFFFF8000  }
0x11c: {  	_ =	swait.ge [sflag:s10], $0x8000  }
0x11d: {  	[sflag:s10] =	ssyncset.done $0x0  }
0x11e: {  	s12 =	rddreg [dreg:$0x10];
	[sflag:s10] =	ssyncadd.s32 $0xFFFF8000  }
0x11f: {  	[spmem:s2] =	stream.indirect.scatter.add.f32 [tilespmem:s8], [sflag:$0x3], $0x20, s12, s7, $0xb8;
	[tilespmem:$0x1F000] =	vst v63  }
0x120: {  	_ =	swait.ge [sflag:s4], $0x8000  }
0x121: {  	[sflag:s4] =	ssyncset.done $0x0  }
0x122: {  	s0 =	rddreg [dreg:$0x11];
	[sflag:s4] =	ssyncadd.s32 $0xFFFF8000  }
0x123: {  	[tilespmem:s9], [sflag:$0x1] =	stream.indirect.gather [hbm4b:s3+s7], $0x20, s0, s7, $0xb8;
	[tilespmem:$0x1F000] =	vst v63  }
0x124: {  	s12 =	rddreg [dreg:$0x12]  }
0x125: {  	[tilespmem:s8], [sflag:$0x2] =	stream.indirect.gather [hbm4b:s3+s7], $0x20, s12, s7, $0xb8;
	[tilespmem:$0x1F000] =	vst v63  }
0x126: {  	_ =	swait.ge [sflag:s11], $0x8000  }
0x127: {  	[sflag:s11] =	ssyncset.done $0x0  }
0x128: {  	s12 =	rddreg [dreg:$0x13];
	[sflag:s11] =	ssyncadd.s32 $0xFFFF8000  }
0x129: {  	[spmem:s2] =	stream.indirect.scatter.add.f32 [tilespmem:s9], [sflag:$0x3], $0x20, s12, s7, $0xb8;
	[tilespmem:$0x1F000] =	vst v63  }
0x12a: {  	_ =	swait.ge [sflag:s4], $0x8000  }
0x12b: {  	[sflag:s4] =	ssyncset.done $0x0  }
0x12c: {  	[sflag:s4] =	ssyncadd.s32 $0xFFFF8000  }
0x12d: {  	_ =	swait.ge [sflag:s10], $0x8000  }
0x12e: {  	[sflag:s10] =	ssyncset.done $0x0  }
0x12f: {  	s12 =	rddreg [dreg:$0x14];
	[sflag:s10] =	ssyncadd.s32 $0xFFFF8000  }
0x130: {  	[spmem:s2] =	stream.indirect.scatter.add.f32 [tilespmem:s8], [sflag:$0x3], $0x20, s12, s7, $0xb8;
	[tilespmem:$0x1F000] =	vst v63  }
0x131: {  	_ =	swait.ge [sflag:s4], $0x8000  }
0x132: {  	[sflag:s4] =	ssyncset.done $0x0  }
0x133: {  	s0 =	rddreg [dreg:$0x15];
	[sflag:s4] =	ssyncadd.s32 $0xFFFF8000  }
0x134: {  	[tilespmem:s9], [sflag:$0x1] =	stream.indirect.gather [hbm4b:s3+s7], $0x20, s0, s7, $0xb8;
	[tilespmem:$0x1F000] =	vst v63  }
0x135: {  	s12 =	rddreg [dreg:$0x16]  }
0x136: {  	[tilespmem:s8], [sflag:$0x2] =	stream.indirect.gather [hbm4b:s3+s7], $0x20, s12, s7, $0xb8;
	[tilespmem:$0x1F000] =	vst v63  }
0x137: {  	_ =	swait.ge [sflag:s11], $0x8000  }
0x138: {  	[sflag:s11] =	ssyncset.done $0x0  }
0x139: {  	s12 =	rddreg [dreg:$0x17];
	[sflag:s11] =	ssyncadd.s32 $0xFFFF8000  }
0x13a: {  	[spmem:s2] =	stream.indirect.scatter.add.f32 [tilespmem:s9], [sflag:$0x3], $0x20, s12, s7, $0xb8;
	[tilespmem:$0x1F000] =	vst v63  }
0x13b: {  	_ =	swait.ge [sflag:s4], $0x8000  }
0x13c: {  	[sflag:s4] =	ssyncset.done $0x0  }
0x13d: {  	[sflag:s4] =	ssyncadd.s32 $0xFFFF8000  }
0x13e: {  	_ =	swait.ge [sflag:s10], $0x8000  }
0x13f: {  	[sflag:s10] =	ssyncset.done $0x0  }
0x140: {  	s12 =	rddreg [dreg:$0x18];
	[sflag:s10] =	ssyncadd.s32 $0xFFFF8000  }
0x141: {  	[spmem:s2] =	stream.indirect.scatter.add.f32 [tilespmem:s8], [sflag:$0x3], $0x20, s12, s7, $0xb8;
	[tilespmem:$0x1F000] =	vst v63  }
0x142: {  	_ =	swait.ge [sflag:s4], $0x8000  }
0x143: {  	[sflag:s4] =	ssyncset.done $0x0  }
0x144: {  	s0 =	rddreg [dreg:$0x19];
	[sflag:s4] =	ssyncadd.s32 $0xFFFF8000  }
0x145: {  	[tilespmem:s9], [sflag:$0x1] =	stream.indirect.gather [hbm4b:s3+s7], $0x20, s0, s7, $0xb8;
	[tilespmem:$0x1F000] =	vst v63  }
0x146: {  	s12 =	rddreg [dreg:$0x1a]  }
0x147: {  	[tilespmem:s8], [sflag:$0x2] =	stream.indirect.gather [hbm4b:s3+s7], $0x20, s12, s7, $0xb8;
	[tilespmem:$0x1F000] =	vst v63  }
0x148: {  	_ =	swait.ge [sflag:s11], $0x8000  }
0x149: {  	[sflag:s11] =	ssyncset.done $0x0  }
0x14a: {  	s12 =	rddreg [dreg:$0x1b];
	[sflag:s11] =	ssyncadd.s32 $0xFFFF8000  }
0x14b: {  	[spmem:s2] =	stream.indirect.scatter.add.f32 [tilespmem:s9], [sflag:$0x3], $0x20, s12, s7, $0xb8;
	[tilespmem:$0x1F000] =	vst v63  }
0x14c: {  	_ =	swait.ge [sflag:s4], $0x8000  }
0x14d: {  	[sflag:s4] =	ssyncset.done $0x0  }
0x14e: {  	[sflag:s4] =	ssyncadd.s32 $0xFFFF8000  }
0x14f: {  	_ =	swait.ge [sflag:s10], $0x8000  }
0x150: {  	[sflag:s10] =	ssyncset.done $0x0  }
0x151: {  	[sflag:s10] =	ssyncadd.s32 $0xFFFF8000  }
0x152: {  	[spmem:s2] =	stream.indirect.scatter.add.f32 [tilespmem:s8], [sflag:$0x3], $0x20, s18, s7, $0xb8;
	[tilespmem:$0x1F000] =	vst v63  }
0x153: {  	_ =	swait.ge [sflag:s4], $0x8000  }
0x154: {  	[sflag:s4] =	ssyncset.done $0x0  }
0x155: {  	[sflag:s4] =	ssyncadd.s32 $0xFFFF8000  }
0x156: {  	[tilespmem:s9], [sflag:$0x1] =	stream.indirect.gather [hbm4b:s3+s7], $0x20, s28, s7, $0xb8;
	[tilespmem:$0x1F000] =	vst v63  }
0x157: {  	_ = 	snop  }
0x158: {  	[tilespmem:s8], [sflag:$0x2] =	stream.indirect.gather [hbm4b:s3+s7], $0x20, s29, s7, $0xb8;
	[tilespmem:$0x1F000] =	vst v63  }
0x159: {  	_ =	swait.ge [sflag:s11], $0x8000  }
0x15a: {  	[sflag:s11] =	ssyncset.done $0x0  }
0x15b: {  	[sflag:s11] =	ssyncadd.s32 $0xFFFF8000  }
0x15c: {  	[spmem:s2] =	stream.indirect.scatter.add.f32 [tilespmem:s9], [sflag:$0x3], $0x20, s26, s7, $0xb8;
	[tilespmem:$0x1F000] =	vst v63  }
0x15d: {  	_ =	swait.ge [sflag:s4], $0x8000  }
0x15e: {  	[sflag:s4] =	ssyncset.done $0x0  }
0x15f: {  	[sflag:s4] =	ssyncadd.s32 $0xFFFF8000  }
0x160: {  	_ =	swait.ge [sflag:s10], $0x8000  }
0x161: {  	[sflag:s10] =	ssyncset.done $0x0  }
0x162: {  	[sflag:s10] =	ssyncadd.s32 $0xFFFF8000  }
0x163: {  	[spmem:s2] =	stream.indirect.scatter.add.f32 [tilespmem:s8], [sflag:$0x3], $0x20, s25, s7, $0xb8;
	[tilespmem:$0x1F000] =	vst v63  }
0x164: {  	_ =	swait.ge [sflag:s4], $0x8000  }
0x165: {  	[sflag:s4] =	ssyncset.done $0x0  }
0x166: {  	[sflag:s4] =	ssyncadd.s32 $0xFFFF8000  }
0x167: {  	[tilespmem:s9], [sflag:$0x1] =	stream.indirect.gather [hbm4b:s3+s7], $0x20, s23, s7, $0xb8;
	[tilespmem:$0x1F000] =	vst v63  }
0x168: {  	_ = 	snop  }
0x169: {  	[tilespmem:s8], [sflag:$0x2] =	stream.indirect.gather [hbm4b:s3+s7], $0x20, s24, s7, $0xb8;
	[tilespmem:$0x1F000] =	vst v63  }
0x16a: {  	_ =	swait.ge [sflag:s11], $0x8000  }
0x16b: {  	[sflag:s11] =	ssyncset.done $0x0  }
0x16c: {  	[sflag:s11] =	ssyncadd.s32 $0xFFFF8000  }
0x16d: {  	[spmem:s2] =	stream.indirect.scatter.add.f32 [tilespmem:s9], [sflag:$0x3], $0x20, s22, s7, $0xb8;
	[tilespmem:$0x1F000] =	vst v63  }
0x16e: {  	_ =	swait.ge [sflag:s4], $0x8000  }
0x16f: {  	[sflag:s4] =	ssyncset.done $0x0  }
0x170: {  	[sflag:s4] =	ssyncadd.s32 $0xFFFF8000  }
0x171: {  	_ =	swait.ge [sflag:s10], $0x8000  }
0x172: {  	[sflag:s10] =	ssyncset.done $0x0  }
0x173: {  	[sflag:s10] =	ssyncadd.s32 $0xFFFF8000  }
0x174: {  	[spmem:s2] =	stream.indirect.scatter.add.f32 [tilespmem:s8], [sflag:$0x3], $0x20, s21, s7, $0xb8;
	[tilespmem:$0x1F000] =	vst v63  }
0x175: {  	_ =	swait.ge [sflag:s4], $0x8000  }
0x176: {  	[sflag:s4] =	ssyncset.done $0x0  }
0x177: {  	s12 =	simm.s32 $0x4000;
	[sflag:s4] =	ssyncadd.s32 $0xFFFF8000  }
0x178: {  	[tilespmem:s9], [sflag:$0x1] =	stream.indirect.gather [hbm4b:s3+s7], $0x20, s12, s7, $0xb8;
	[tilespmem:$0x1F000] =	vst v63  }
0x179: {  	_ = 	snop  }
0x17a: {  	[tilespmem:s8], [sflag:$0x2] =	stream.indirect.gather [hbm4b:s3+s7], $0x20, s19, s7, $0xb8;
	[tilespmem:$0x1F000] =	vst v63  }
0x17b: {  	_ =	swait.ge [sflag:s11], $0x8000  }
0x17c: {  	[sflag:s11] =	ssyncset.done $0x0  }
0x17d: {  	[sflag:s11] =	ssyncadd.s32 $0xFFFF8000  }
0x17e: {  	[spmem:s2] =	stream.indirect.scatter.add.f32 [tilespmem:s9], [sflag:$0x3], $0x20, s20, s7, $0xb8;
	[tilespmem:$0x1F000] =	vst v63  }
0x17f: {  	_ =	swait.ge [sflag:s4], $0x8000  }
0x180: {  	[sflag:s4] =	ssyncset.done $0x0  }
0x181: {  	[sflag:s4] =	ssyncadd.s32 $0xFFFF8000  }
0x182: {  	_ =	swait.ge [sflag:s10], $0x8000  }
0x183: {  	[sflag:s10] =	ssyncset.done $0x0  }
0x184: {  	[sflag:s10] =	ssyncadd.s32 $0xFFFF8000  }
0x185: {  	[spmem:s2] =	stream.indirect.scatter.add.f32 [tilespmem:s8], [sflag:$0x3], $0x20, s17, s7, $0xb8;
	[tilespmem:$0x1F000] =	vst v63  }
0x186: {  	_ =	swait.ge [sflag:s4], $0x8000  }
0x187: {  	[sflag:s4] =	ssyncset.done $0x0  }
0x188: {  	[sflag:s4] =	ssyncadd.s32 $0xFFFF8000  }
0x189: {  	[tilespmem:s9], [sflag:$0x1] =	stream.indirect.gather [hbm4b:s3+s7], $0x20, s15, s7, $0xb8;
	[tilespmem:$0x1F000] =	vst v63  }
0x18a: {  	_ = 	snop  }
0x18b: {  	[tilespmem:s8], [sflag:$0x2] =	stream.indirect.gather [hbm4b:s3+s7], $0x20, s16, s7, $0xb8;
	[tilespmem:$0x1F000] =	vst v63  }
0x18c: {  	_ =	swait.ge [sflag:s11], $0x8000  }
0x18d: {  	[sflag:s11] =	ssyncset.done $0x0  }
0x18e: {  	[sflag:s11] =	ssyncadd.s32 $0xFFFF8000  }
0x18f: {  	[spmem:s2] =	stream.indirect.scatter.add.f32 [tilespmem:s9], [sflag:$0x3], $0x20, s14, s7, $0xb8;
	[tilespmem:$0x1F000] =	vst v63  }
0x190: {  	_ =	swait.ge [sflag:s4], $0x8000  }
0x191: {  	[sflag:s4] =	ssyncset.done $0x0  }
0x192: {  	[sflag:s4] =	ssyncadd.s32 $0xFFFF8000  }
0x193: {  	_ =	swait.ge [sflag:s10], $0x8000  }
0x194: {  	[sflag:s10] =	ssyncset.done $0x0  }
0x195: {  	[sflag:s10] =	ssyncadd.s32 $0xFFFF8000  }
0x196: {  	[spmem:s2] =	stream.indirect.scatter.add.f32 [tilespmem:s8], [sflag:$0x3], $0x20, s13, s7, $0xb8;
	[tilespmem:$0x1F000] =	vst v63  }
0x197: {  	_ =	swait.ge [sflag:s4], $0x8000  }
0x198: {  	[sflag:s4] =	ssyncset.done $0x0  }
0x199: {  	p1 =	sne.s32 s1, $0x1;
	[sflag:s4] =	ssyncadd.s32 $0xFFFF8000  }
.Ltmp2:
0x19a: {  	[bflag:$0x0] =	sbarrier.arrive $0xFFFF;
	(pc) =	sbr.rel @p1 .LBB2_4-.Ltmp2, $4  }
0x19b: {  	s12 =	rddreg [dreg:$0x7]  }
0x19c: {  	[hbm:s12], [sflag:s5] =	dma.local [spmem:s6], $0xA00  }
0x19d: {  	_ =	swait.ge [sflag:s4], $0xA00  }
0x19e: {  	s1 =	sadd.s32 $0xFFFFFFFF, s1;
	s0 =	rddreg [dreg:$0x5];
	[sflag:s4] =	ssyncset.done $0x0  }
0x19f: {  	s13 =	simm.s32 $0x7C00;
	s29 =	simm.s32 $0x3400  }
0x1a0: {  	s28 =	simm.s32 $0x3000;
	s26 =	simm.s32 $0x8000;
	s25 =	simm.s32 $0x8400  }
0x1a1: {  	s24 =	simm.s32 $0x3C00;
	s23 =	simm.s32 $0x3800;
	s22 =	simm.s32 $0x8800  }
0x1a2: {  	s21 =	simm.s32 $0x8C00;
	s20 =	simm.s32 $0x9000;
	s19 =	simm.s32 $0x4400  }
0x1a3: {  	s18 =	simm.s32 $0x4000;
	s17 =	simm.s32 $0x9400;
	s16 =	simm.s32 $0x4C00  }
0x1a4: {  	s15 =	simm.s32 $0x4800;
	s14 =	simm.s32 $0x9800;
	s12 =	stileid.u32  }
.LBB2_6:
0x1a5: {  	[sflag:s4] =	ssyncadd.s32 @p0 $0xFFFFF600  }
0x1a6: {  	[tilespmem:s30], [sflag:$0x3] =	stream.linear.gather [hbm4b:s0+s30], $0x5000, $0x38;
	[tilespmem:$0x1F000] =	vst v63  }
0x1a7: {  	_ =	swait.ge [sflag:s4], $0x5000  }
0x1a8: {  	[sflag:s4] =	ssyncset.done $0x0  }
0x1a9: {  	s1 =	rddreg [dreg:$0x6];
	[sflag:s4] =	ssyncadd.s32 $0xFFFFB000  }
0x1aa: {  	[tilespmem:s31], [sflag:$0x3] =	stream.linear.gather [hbm4b:s1+s30], $0x5000, $0x38;
	[tilespmem:$0x1F000] =	vst v63  }
0x1ab: {  	_ =	swait.ge [sflag:s4], $0x5000  }
0x1ac: {  	[sflag:s4] =	ssyncset.done $0x0  }
0x1ad: {  	s1 =	rddreg [dreg:$0x4];
	[sflag:s4] =	ssyncadd.s32 $0xFFFFB000  }
0x1ae: {  	[spmem:s6], [sflag:s5] =	dma.local [hbm:s1], $0xA00  }
0x1af: {  	_ =	swait.ge [sflag:s4], $0xA00  }
0x1b0: {  	[sflag:s4] =	ssyncset.done $0x0  }
0x1b1: {  	[sflag:s4] =	ssyncadd.s32 $0xFFFFF600  }
0x1b2: {  	[bflag:$0x0] =	sbarrier.arrive $0xFFFF  }
0x1b3: {  	[tilespmem:s9], [sflag:$0x1] =	stream.indirect.gather [hbm4b:s3+s7], $0x20, s30, s7, $0xb8;
	[tilespmem:$0x1F000] =	vst v63  }
0x1b4: {  	_ = 	snop  }
0x1b5: {  	[tilespmem:s8], [sflag:$0x2] =	stream.indirect.gather [hbm4b:s3+s7], $0x20, s7, s7, $0xb8;
	[tilespmem:$0x1F000] =	vst v63  }
0x1b6: {  	_ =	swait.ge [sflag:s11], $0x8000  }
0x1b7: {  	[sflag:s11] =	ssyncset.done $0x0  }
0x1b8: {  	[sflag:s11] =	ssyncadd.s32 $0xFFFF8000  }
0x1b9: {  	[spmem:s2] =	stream.indirect.scatter.add.f32 [tilespmem:s9], [sflag:$0x3], $0x20, s31, s7, $0xb8;
	[tilespmem:$0x1F000] =	vst v63  }
0x1ba: {  	_ =	swait.ge [sflag:s4], $0x8000  }
0x1bb: {  	[sflag:s4] =	ssyncset.done $0x0  }
0x1bc: {  	[sflag:s4] =	ssyncadd.s32 $0xFFFF8000  }
0x1bd: {  	_ =	swait.ge [sflag:s10], $0x8000  }
0x1be: {  	[sflag:s10] =	ssyncset.done $0x0  }
0x1bf: {  	s30 =	rddreg [dreg:$0x8];
	[sflag:s10] =	ssyncadd.s32 $0xFFFF8000  }
0x1c0: {  	[spmem:s2] =	stream.indirect.scatter.add.f32 [tilespmem:s8], [sflag:$0x3], $0x20, s30, s7, $0xb8;
	[tilespmem:$0x1F000] =	vst v63  }
0x1c1: {  	_ =	swait.ge [sflag:s4], $0x8000  }
0x1c2: {  	[sflag:s4] =	ssyncset.done $0x0  }
0x1c3: {  	s31 =	rddreg [dreg:$0x9];
	[sflag:s4] =	ssyncadd.s32 $0xFFFF8000  }
0x1c4: {  	[tilespmem:s9], [sflag:$0x1] =	stream.indirect.gather [hbm4b:s3+s7], $0x20, s31, s7, $0xb8;
	[tilespmem:$0x1F000] =	vst v63  }
0x1c5: {  	s1 =	rddreg [dreg:$0xa]  }
0x1c6: {  	[tilespmem:s8], [sflag:$0x2] =	stream.indirect.gather [hbm4b:s3+s7], $0x20, s1, s7, $0xb8;
	[tilespmem:$0x1F000] =	vst v63  }
0x1c7: {  	_ =	swait.ge [sflag:s11], $0x8000  }
0x1c8: {  	[sflag:s11] =	ssyncset.done $0x0  }
0x1c9: {  	s30 =	rddreg [dreg:$0xb];
	[sflag:s11] =	ssyncadd.s32 $0xFFFF8000  }
0x1ca: {  	[spmem:s2] =	stream.indirect.scatter.add.f32 [tilespmem:s9], [sflag:$0x3], $0x20, s30, s7, $0xb8;
	[tilespmem:$0x1F000] =	vst v63  }
0x1cb: {  	_ =	swait.ge [sflag:s4], $0x8000  }
0x1cc: {  	[sflag:s4] =	ssyncset.done $0x0  }
0x1cd: {  	[sflag:s4] =	ssyncadd.s32 $0xFFFF8000  }
0x1ce: {  	_ =	swait.ge [sflag:s10], $0x8000  }
0x1cf: {  	[sflag:s10] =	ssyncset.done $0x0  }
0x1d0: {  	s31 =	rddreg [dreg:$0xc];
	[sflag:s10] =	ssyncadd.s32 $0xFFFF8000  }
0x1d1: {  	[spmem:s2] =	stream.indirect.scatter.add.f32 [tilespmem:s8], [sflag:$0x3], $0x20, s31, s7, $0xb8;
	[tilespmem:$0x1F000] =	vst v63  }
0x1d2: {  	_ =	swait.ge [sflag:s4], $0x8000  }
0x1d3: {  	[sflag:s4] =	ssyncset.done $0x0  }
0x1d4: {  	s1 =	rddreg [dreg:$0xd];
	[sflag:s4] =	ssyncadd.s32 $0xFFFF8000  }
0x1d5: {  	[tilespmem:s9], [sflag:$0x1] =	stream.indirect.gather [hbm4b:s3+s7], $0x20, s1, s7, $0xb8;
	[tilespmem:$0x1F000] =	vst v63  }
0x1d6: {  	s30 =	rddreg [dreg:$0xe]  }
0x1d7: {  	[tilespmem:s8], [sflag:$0x2] =	stream.indirect.gather [hbm4b:s3+s7], $0x20, s30, s7, $0xb8;
	[tilespmem:$0x1F000] =	vst v63  }
0x1d8: {  	_ =	swait.ge [sflag:s11], $0x8000  }
0x1d9: {  	[sflag:s11] =	ssyncset.done $0x0  }
0x1da: {  	s31 =	rddreg [dreg:$0xf];
	[sflag:s11] =	ssyncadd.s32 $0xFFFF8000  }
0x1db: {  	[spmem:s2] =	stream.indirect.scatter.add.f32 [tilespmem:s9], [sflag:$0x3], $0x20, s31, s7, $0xb8;
	[tilespmem:$0x1F000] =	vst v63  }
0x1dc: {  	_ =	swait.ge [sflag:s4], $0x8000  }
0x1dd: {  	[sflag:s4] =	ssyncset.done $0x0  }
0x1de: {  	[sflag:s4] =	ssyncadd.s32 $0xFFFF8000  }
0x1df: {  	_ =	swait.ge [sflag:s10], $0x8000  }
0x1e0: {  	[sflag:s10] =	ssyncset.done $0x0  }
0x1e1: {  	s1 =	rddreg [dreg:$0x10];
	[sflag:s10] =	ssyncadd.s32 $0xFFFF8000  }
0x1e2: {  	[spmem:s2] =	stream.indirect.scatter.add.f32 [tilespmem:s8], [sflag:$0x3], $0x20, s1, s7, $0xb8;
	[tilespmem:$0x1F000] =	vst v63  }
0x1e3: {  	_ =	swait.ge [sflag:s4], $0x8000  }
0x1e4: {  	[sflag:s4] =	ssyncset.done $0x0  }
0x1e5: {  	s30 =	rddreg [dreg:$0x11];
	[sflag:s4] =	ssyncadd.s32 $0xFFFF8000  }
0x1e6: {  	[tilespmem:s9], [sflag:$0x1] =	stream.indirect.gather [hbm4b:s3+s7], $0x20, s30, s7, $0xb8;
	[tilespmem:$0x1F000] =	vst v63  }
0x1e7: {  	s31 =	rddreg [dreg:$0x12]  }
0x1e8: {  	[tilespmem:s8], [sflag:$0x2] =	stream.indirect.gather [hbm4b:s3+s7], $0x20, s31, s7, $0xb8;
	[tilespmem:$0x1F000] =	vst v63  }
0x1e9: {  	_ =	swait.ge [sflag:s11], $0x8000  }
0x1ea: {  	[sflag:s11] =	ssyncset.done $0x0  }
0x1eb: {  	s30 =	rddreg [dreg:$0x13];
	[sflag:s11] =	ssyncadd.s32 $0xFFFF8000  }
0x1ec: {  	[spmem:s2] =	stream.indirect.scatter.add.f32 [tilespmem:s9], [sflag:$0x3], $0x20, s30, s7, $0xb8;
	[tilespmem:$0x1F000] =	vst v63  }
0x1ed: {  	_ =	swait.ge [sflag:s4], $0x8000  }
0x1ee: {  	[sflag:s4] =	ssyncset.done $0x0  }
0x1ef: {  	[sflag:s4] =	ssyncadd.s32 $0xFFFF8000  }
0x1f0: {  	_ =	swait.ge [sflag:s10], $0x8000  }
0x1f1: {  	[sflag:s10] =	ssyncset.done $0x0  }
0x1f2: {  	s31 =	rddreg [dreg:$0x14];
	[sflag:s10] =	ssyncadd.s32 $0xFFFF8000  }
0x1f3: {  	[spmem:s2] =	stream.indirect.scatter.add.f32 [tilespmem:s8], [sflag:$0x3], $0x20, s31, s7, $0xb8;
	[tilespmem:$0x1F000] =	vst v63  }
0x1f4: {  	_ =	swait.ge [sflag:s4], $0x8000  }
0x1f5: {  	[sflag:s4] =	ssyncset.done $0x0  }
0x1f6: {  	s1 =	rddreg [dreg:$0x15];
	[sflag:s4] =	ssyncadd.s32 $0xFFFF8000  }
0x1f7: {  	[tilespmem:s9], [sflag:$0x1] =	stream.indirect.gather [hbm4b:s3+s7], $0x20, s1, s7, $0xb8;
	[tilespmem:$0x1F000] =	vst v63  }
0x1f8: {  	s30 =	rddreg [dreg:$0x16]  }
0x1f9: {  	[tilespmem:s8], [sflag:$0x2] =	stream.indirect.gather [hbm4b:s3+s7], $0x20, s30, s7, $0xb8;
	[tilespmem:$0x1F000] =	vst v63  }
0x1fa: {  	_ =	swait.ge [sflag:s11], $0x8000  }
0x1fb: {  	[sflag:s11] =	ssyncset.done $0x0  }
0x1fc: {  	s31 =	rddreg [dreg:$0x17];
	[sflag:s11] =	ssyncadd.s32 $0xFFFF8000  }
0x1fd: {  	[spmem:s2] =	stream.indirect.scatter.add.f32 [tilespmem:s9], [sflag:$0x3], $0x20, s31, s7, $0xb8;
	[tilespmem:$0x1F000] =	vst v63  }
0x1fe: {  	_ =	swait.ge [sflag:s4], $0x8000  }
0x1ff: {  	[sflag:s4] =	ssyncset.done $0x0  }
0x200: {  	[sflag:s4] =	ssyncadd.s32 $0xFFFF8000  }
0x201: {  	_ =	swait.ge [sflag:s10], $0x8000  }
0x202: {  	[sflag:s10] =	ssyncset.done $0x0  }
0x203: {  	s1 =	rddreg [dreg:$0x18];
	[sflag:s10] =	ssyncadd.s32 $0xFFFF8000  }
0x204: {  	[spmem:s2] =	stream.indirect.scatter.add.f32 [tilespmem:s8], [sflag:$0x3], $0x20, s1, s7, $0xb8;
	[tilespmem:$0x1F000] =	vst v63  }
0x205: {  	_ =	swait.ge [sflag:s4], $0x8000  }
0x206: {  	[sflag:s4] =	ssyncset.done $0x0  }
0x207: {  	s30 =	rddreg [dreg:$0x19];
	[sflag:s4] =	ssyncadd.s32 $0xFFFF8000  }
0x208: {  	[tilespmem:s9], [sflag:$0x1] =	stream.indirect.gather [hbm4b:s3+s7], $0x20, s30, s7, $0xb8;
	[tilespmem:$0x1F000] =	vst v63  }
0x209: {  	s31 =	rddreg [dreg:$0x1a]  }
0x20a: {  	[tilespmem:s8], [sflag:$0x2] =	stream.indirect.gather [hbm4b:s3+s7], $0x20, s31, s7, $0xb8;
	[tilespmem:$0x1F000] =	vst v63  }
0x20b: {  	_ =	swait.ge [sflag:s11], $0x8000  }
0x20c: {  	[sflag:s11] =	ssyncset.done $0x0  }
0x20d: {  	s1 =	rddreg [dreg:$0x1b];
	[sflag:s11] =	ssyncadd.s32 $0xFFFF8000  }
0x20e: {  	[spmem:s2] =	stream.indirect.scatter.add.f32 [tilespmem:s9], [sflag:$0x3], $0x20, s1, s7, $0xb8;
	[tilespmem:$0x1F000] =	vst v63  }
0x20f: {  	_ =	swait.ge [sflag:s4], $0x8000  }
0x210: {  	[sflag:s4] =	ssyncset.done $0x0  }
0x211: {  	[sflag:s4] =	ssyncadd.s32 $0xFFFF8000  }
0x212: {  	_ =	swait.ge [sflag:s10], $0x8000  }
0x213: {  	[sflag:s10] =	ssyncset.done $0x0  }
0x214: {  	[sflag:s10] =	ssyncadd.s32 $0xFFFF8000  }
0x215: {  	[spmem:s2] =	stream.indirect.scatter.add.f32 [tilespmem:s8], [sflag:$0x3], $0x20, s13, s7, $0xb8;
	[tilespmem:$0x1F000] =	vst v63  }
0x216: {  	_ =	swait.ge [sflag:s4], $0x8000  }
0x217: {  	[sflag:s4] =	ssyncset.done $0x0  }
0x218: {  	[sflag:s4] =	ssyncadd.s32 $0xFFFF8000  }
0x219: {  	[tilespmem:s9], [sflag:$0x1] =	stream.indirect.gather [hbm4b:s3+s7], $0x20, s28, s7, $0xb8;
	[tilespmem:$0x1F000] =	vst v63  }
0x21a: {  	_ = 	snop  }
0x21b: {  	[tilespmem:s8], [sflag:$0x2] =	stream.indirect.gather [hbm4b:s3+s7], $0x20, s29, s7, $0xb8;
	[tilespmem:$0x1F000] =	vst v63  }
0x21c: {  	_ =	swait.ge [sflag:s11], $0x8000  }
0x21d: {  	[sflag:s11] =	ssyncset.done $0x0  }
0x21e: {  	[sflag:s11] =	ssyncadd.s32 $0xFFFF8000  }
0x21f: {  	[spmem:s2] =	stream.indirect.scatter.add.f32 [tilespmem:s9], [sflag:$0x3], $0x20, s26, s7, $0xb8;
	[tilespmem:$0x1F000] =	vst v63  }
0x220: {  	_ =	swait.ge [sflag:s4], $0x8000  }
0x221: {  	[sflag:s4] =	ssyncset.done $0x0  }
0x222: {  	[sflag:s4] =	ssyncadd.s32 $0xFFFF8000  }
0x223: {  	_ =	swait.ge [sflag:s10], $0x8000  }
0x224: {  	[sflag:s10] =	ssyncset.done $0x0  }
0x225: {  	[sflag:s10] =	ssyncadd.s32 $0xFFFF8000  }
0x226: {  	[spmem:s2] =	stream.indirect.scatter.add.f32 [tilespmem:s8], [sflag:$0x3], $0x20, s25, s7, $0xb8;
	[tilespmem:$0x1F000] =	vst v63  }
0x227: {  	_ =	swait.ge [sflag:s4], $0x8000  }
0x228: {  	[sflag:s4] =	ssyncset.done $0x0  }
0x229: {  	[sflag:s4] =	ssyncadd.s32 $0xFFFF8000  }
0x22a: {  	[tilespmem:s9], [sflag:$0x1] =	stream.indirect.gather [hbm4b:s3+s7], $0x20, s23, s7, $0xb8;
	[tilespmem:$0x1F000] =	vst v63  }
0x22b: {  	_ = 	snop  }
0x22c: {  	[tilespmem:s8], [sflag:$0x2] =	stream.indirect.gather [hbm4b:s3+s7], $0x20, s24, s7, $0xb8;
	[tilespmem:$0x1F000] =	vst v63  }
0x22d: {  	_ =	swait.ge [sflag:s11], $0x8000  }
0x22e: {  	[sflag:s11] =	ssyncset.done $0x0  }
0x22f: {  	[sflag:s11] =	ssyncadd.s32 $0xFFFF8000  }
0x230: {  	[spmem:s2] =	stream.indirect.scatter.add.f32 [tilespmem:s9], [sflag:$0x3], $0x20, s22, s7, $0xb8;
	[tilespmem:$0x1F000] =	vst v63  }
0x231: {  	_ =	swait.ge [sflag:s4], $0x8000  }
0x232: {  	[sflag:s4] =	ssyncset.done $0x0  }
0x233: {  	[sflag:s4] =	ssyncadd.s32 $0xFFFF8000  }
0x234: {  	_ =	swait.ge [sflag:s10], $0x8000  }
0x235: {  	[sflag:s10] =	ssyncset.done $0x0  }
0x236: {  	[sflag:s10] =	ssyncadd.s32 $0xFFFF8000  }
0x237: {  	[spmem:s2] =	stream.indirect.scatter.add.f32 [tilespmem:s8], [sflag:$0x3], $0x20, s21, s7, $0xb8;
	[tilespmem:$0x1F000] =	vst v63  }
0x238: {  	_ =	swait.ge [sflag:s4], $0x8000  }
0x239: {  	[sflag:s4] =	ssyncset.done $0x0  }
0x23a: {  	[sflag:s4] =	ssyncadd.s32 $0xFFFF8000  }
0x23b: {  	[tilespmem:s9], [sflag:$0x1] =	stream.indirect.gather [hbm4b:s3+s7], $0x20, s18, s7, $0xb8;
	[tilespmem:$0x1F000] =	vst v63  }
0x23c: {  	_ = 	snop  }
0x23d: {  	[tilespmem:s8], [sflag:$0x2] =	stream.indirect.gather [hbm4b:s3+s7], $0x20, s19, s7, $0xb8;
	[tilespmem:$0x1F000] =	vst v63  }
0x23e: {  	_ =	swait.ge [sflag:s11], $0x8000  }
0x23f: {  	[sflag:s11] =	ssyncset.done $0x0  }
0x240: {  	[sflag:s11] =	ssyncadd.s32 $0xFFFF8000  }
0x241: {  	[spmem:s2] =	stream.indirect.scatter.add.f32 [tilespmem:s9], [sflag:$0x3], $0x20, s20, s7, $0xb8;
	[tilespmem:$0x1F000] =	vst v63  }
0x242: {  	_ =	swait.ge [sflag:s4], $0x8000  }
0x243: {  	[sflag:s4] =	ssyncset.done $0x0  }
0x244: {  	[sflag:s4] =	ssyncadd.s32 $0xFFFF8000  }
0x245: {  	_ =	swait.ge [sflag:s10], $0x8000  }
0x246: {  	[sflag:s10] =	ssyncset.done $0x0  }
0x247: {  	[sflag:s10] =	ssyncadd.s32 $0xFFFF8000  }
0x248: {  	[spmem:s2] =	stream.indirect.scatter.add.f32 [tilespmem:s8], [sflag:$0x3], $0x20, s17, s7, $0xb8;
	[tilespmem:$0x1F000] =	vst v63  }
0x249: {  	_ =	swait.ge [sflag:s4], $0x8000  }
0x24a: {  	[sflag:s4] =	ssyncset.done $0x0  }
0x24b: {  	[sflag:s4] =	ssyncadd.s32 $0xFFFF8000  }
0x24c: {  	[tilespmem:s9], [sflag:$0x1] =	stream.indirect.gather [hbm4b:s3+s7], $0x20, s15, s7, $0xb8;
	[tilespmem:$0x1F000] =	vst v63  }
0x24d: {  	_ = 	snop  }
0x24e: {  	[tilespmem:s8], [sflag:$0x2] =	stream.indirect.gather [hbm4b:s3+s7], $0x20, s16, s7, $0xb8;
	[tilespmem:$0x1F000] =	vst v63  }
0x24f: {  	_ =	swait.ge [sflag:s11], $0x8000  }
0x250: {  	[sflag:s11] =	ssyncset.done $0x0  }
0x251: {  	[sflag:s11] =	ssyncadd.s32 $0xFFFF8000  }
0x252: {  	[spmem:s2] =	stream.indirect.scatter.add.f32 [tilespmem:s9], [sflag:$0x3], $0x20, s14, s7, $0xb8;
	[tilespmem:$0x1F000] =	vst v63  }
0x253: {  	_ =	swait.ge [sflag:s4], $0x8000  }
0x254: {  	[sflag:s4] =	ssyncset.done $0x0  }
0x255: {  	[sflag:s4] =	ssyncadd.s32 $0xFFFF8000  }
0x256: {  	_ =	swait.ge [sflag:s10], $0x8000  }
0x257: {  	[sflag:s10] =	ssyncset.done $0x0  }
0x258: {  	s30 =	simm.s32 $0x9C00;
	[sflag:s10] =	ssyncadd.s32 $0xFFFF8000  }
0x259: {  	[spmem:s2] =	stream.indirect.scatter.add.f32 [tilespmem:s8], [sflag:$0x3], $0x20, s30, s7, $0xb8;
	[tilespmem:$0x1F000] =	vst v63  }
0x25a: {  	_ =	swait.ge [sflag:s4], $0x8000  }
0x25b: {  	[sflag:s4] =	ssyncset.done $0x0  }
0x25c: {  	[sflag:s4] =	ssyncadd.s32 $0xFFFF8000  }
0x25d: {  	[bflag:$0x0] =	sbarrier.arrive $0xFFFF  }
0x25e: {  	s31 =	rddreg [dreg:$0x7]  }
0x25f: {  	[hbm:s31], [sflag:s5] =	dma.local [spmem:s6], $0xA00  }
0x260: {  	_ =	swait.ge [sflag:s4], $0xA00  }
0x261: {  	[sflag:s4] =	ssyncset.done $0x0  }
0x262: {  	[sflag:s4] =	ssyncadd.s32 $0xFFFFF600  }
0x263: {  	_ =	sfence.sel $0x180000  }
0x264: {  	[bflag:$0x0] =	sbarrier.arrive $0xFFFF  }
0x265: {  	_ =	strace $0x90000047  }
0x266: {  	[bflag:$0x2] =	sbarrier.arrive $0xFFFF  }
0x267: {  	p0 =	sne.s32 s12, $0x0;
	s0 =	rddreg [dreg:$0x3]  }
0x268: {  	s0 =	sadd.s32 @!p0 $0x100000, s0  }
0x269: {  	[sflag:s0] =	ssyncadd.tile.s32 @!p0 $0x1;
	_ =	shalt  }
.LBB2_1:
0x26a: {  	s13 =	simm.s32 $0x7C00;
	s29 =	simm.s32 $0x3400  }
.Ltmp3:
0x26b: {  	s28 =	simm.s32 $0x3000;
	s26 =	simm.s32 $0x8000;
	(pc) =	sbr.rel .LBB2_6-.Ltmp3, $4  }
0x26c: {  	s25 =	simm.s32 $0x8400;
	s24 =	simm.s32 $0x3C00;
	s23 =	simm.s32 $0x3800  }
0x26d: {  	s22 =	simm.s32 $0x8800;
	s21 =	simm.s32 $0x8C00;
	s20 =	simm.s32 $0x9000  }
0x26e: {  	s19 =	simm.s32 $0x4400;
	s18 =	simm.s32 $0x4000;
	s17 =	simm.s32 $0x9400  }
0x26f: {  	s16 =	simm.s32 $0x4C00;
	s15 =	simm.s32 $0x4800;
	s14 =	simm.s32 $0x9800  }
.LBB2_3:
0x270: {  	s13 =	simm.s32 $0x7C00;
	s29 =	simm.s32 $0x3400;
	s28 =	simm.s32 $0x3000  }
.Ltmp4:
0x271: {  	s26 =	simm.s32 $0x8000;
	s25 =	simm.s32 $0x8400;
	(pc) =	sbr.rel .LBB2_6-.Ltmp4, $4  }
0x272: {  	s24 =	simm.s32 $0x3C00;
	s23 =	simm.s32 $0x3800;
	s22 =	simm.s32 $0x8800  }
0x273: {  	s21 =	simm.s32 $0x8C00;
	s20 =	simm.s32 $0x9000;
	s19 =	simm.s32 $0x4400  }
0x274: {  	s18 =	simm.s32 $0x4000;
	s17 =	simm.s32 $0x9400;
	s16 =	simm.s32 $0x4C00  }
0x275: {  	s15 =	simm.s32 $0x4800;
	s14 =	simm.s32 $0x9800;
	s12 =	stileid.u32  }
.Lfunc_end2:
_tile_overlayer_lowered:
.L_overlay_start_2:
0x276: {  	(tag) =	ssettag $0x2  }
0x277: {  	s0 =	rddreg [dreg:$0x0];
	s2 =	stileid.u32  }
0x278: {  	s1 =	rddreg [dreg:$0x1];
	p0 =	sne.s32 s2, $0x0  }
0x279: {  	s3 =	rddreg [dreg:$0x2];
	[bflag:$0x3] =	sbarrier.arrive $0xFFFF;
	s2 =	simm.s32 @!p0 $0x1C03  }
0x27a: {  	[timem:s3], [sflag:s2] =	dma.local @!p0 [hbm:s0], s1  }
0x27b: {  	s0 =	simm.s32 @!p0 $0x3  }
0x27c: {  	_ =	swait.ge @!p0 [sflag:s0], s1  }
0x27d: {  	s1 =	ssub.s32 @!p0 $0x0, s1;
	[sflag:s0] =	ssyncset.done @!p0 $0x0  }
0x27e: {  	[sflag:s0] =	ssyncadd.s32 @!p0 s1  }
0x27f: {  	[bflag:$0x3] =	sbarrier.arrive $0xFFFF  }
0x280: {  	_ =	shalt  }

// kernel: kernel.14.cloned.1.call-start
scs
__scs_entry_jumppad:
0x0: {  	(pc) =	sbr.rel $0x88, $3  }
0x1: {  	(tag) =	ssettag $0x0;
	lr =	simm.s32 $0x1  }
0x2: {  	[smem:$0x3F93] =	sst lr;
	_ =	strace $0xD0000000  }
0x3: {  	_ = 	snop  }
0x4: {  	_ = 	snop  }
0x5: {  	_ = 	snop  }
0x6: {  	_ = 	snop  }
0x7: {  	_ = 	snop  }
__scs_overlays_trampoline_lowered:
0x8: {  	[smem:$0x3FA2] =	sst s0  }
0x9: {  	[smem:$0x3FA3] =	sst s1  }
0xa: {  	[smem:$0x3FA4] =	sst s2  }
0xb: {  	[smem:$0x3FA5] =	sst s3  }
0xc: {  	[smem:$0x3FA6] =	sst s4  }
0xd: {  	[smem:$0x3FA7] =	sst s5  }
0xe: {  	[smem:$0x3FA8] =	sst s6  }
0xf: {  	[smem:$0x3FA9] =	sst s7  }
0x10: {  	[smem:$0x3FAA] =	sst s8  }
0x11: {  	[smem:$0x3FAB] =	sst s9;
	s0 =	simm.s32 @!p0 $0x0  }
0x12: {  	s1 =	sld [smem:$0x3F91];
	s0 =	simm.s32 @p0 $0x1  }
0x13: {  	[smem:$0x3FAC] =	sst s0;
	s0 =	simm.s32 @!p1 $0x0  }
0x14: {  	s2 =	sld [smem:$0x3F90];
	s0 =	simm.s32 @p1 $0x1  }
0x15: {  	[smem:$0x3FAD] =	sst s0;
	s0 =	simm.s32 @!p2 $0x0  }
0x16: {  	s3 =	sld [smem:$0x3FDB];
	s0 =	simm.s32 @p2 $0x1  }
0x17: {  	s4 =	simm.s32 $0x1BF5;
	[smem:$0x3FAF] =	sst s0  }
0x18: {  	s0 =	sld [smem:$0x3F92];
	_ =	swait.ge [sflag:s4], $0x0  }
0x19: {  	s7 =	sld [smem:$0x3F93]  }
0x1a: {  	s8 =	sadd.s32 $0xFFFFE003, lr  }
0x1b: {  	s9 =	sadd.s32 $0xFFFFFEF7, lr;
	s5 =	simm.s32 $0xFFFFFFFF;
	p2 =	slt.u32 s8, $0xFFFFF086  }
0x1c: {  	p1 =	slt.u32 s9, $0xF7A;
	s5 =	simm.s32 @!p2 $0x0  }
0x1d: {  	s5 =	simm.s32 @p1 $0x1;
	p0 =	seq.s32 s7, s2  }
0x1e: {  	s7 =	smul.u32 @!p0 $0xF7A, s2;
	p2 =	seq.s32 @!p0 s5, $0x0  }
0x1f: {  	s9 =	smul.u32 $0xF7A, s1;
	s8 =	simm.s32 @!p0 $0x1BF5;
	p2 =	por !p2, p0  }
0x20: {  	[sflag:s8] =	ssyncset.s32 @!p0 $0xFFFFF086;
	s6 =	sadd.s32 @!p0 s3, s7;
	s7 =	simm.s32 @!p0 $0x108  }
0x21: {  	s3 =	sadd.s32 s3, s9;
	s6 =	sadd.s32 @!p0 $0x88, s6;
	s7 =	simm.s32 @p2 $0x1082  }
0x22: {  	[simem:s7], [sflag:s8] =	dma.local @!p0 [hbm:s6], $0xF7A  }
0x23: {  	s9 =	sor.u32 $0xD0000000, s2;
	s6 =	simm.s32 $0x108;
	_ =	swait.ge @!p0 [sflag:s8], $0x0  }
0x24: {  	s3 =	sadd.s32 $0x88, s3;
	s6 =	simm.s32 @!p1 $0x1082;
	[sflag:s4] =	ssyncset.s32 $0xFFFFF086  }
0x25: {  	[simem:s6], [sflag:s4] =	dma.local [hbm:s3], $0xF7A  }
0x26: {  	[smem:$0x3F93] =	sst s1;
	(tag) =	ssettag s2;
	_ =	strace s9  }
0x27: {  	s1 =	sld [smem:$0x3FA3]  }
0x28: {  	s2 =	sld [smem:$0x3FA4]  }
0x29: {  	s4 =	sld [smem:$0x3FA6]  }
0x2a: {  	p0 =	seq.s32 s5, $0x0;
	s5 =	sld [smem:$0x3FA7]  }
0x2b: {  	s6 =	sld [smem:$0x3FA8]  }
0x2c: {  	s7 =	sld [smem:$0x3FA9]  }
0x2d: {  	s3 =	simm.s32 $0x108;
	s8 =	sld [smem:$0x3FAA]  }
0x2e: {  	s3 =	simm.s32 @!p0 $0x1082;
	s9 =	sld [smem:$0x3FAB]  }
0x2f: {  	lr =	sadd.s32 s0, s3;
	s0 =	sld [smem:$0x3FA2]  }
0x30: {  	s3 =	sld [smem:$0x3FA5]  }
0x31: {  	[smem:$0x3FAE] =	sst s10  }
0x32: {  	s10 =	sld [smem:$0x3FAC];
	_ =	sdelay $0x3  }
0x33: {  	p0 =	seq.s32 s10, $0x1;
	s10 =	sld [smem:$0x3FAE];
	_ =	sdelay $0x3  }
0x34: {  	[smem:$0x3FAE] =	sst s10  }
0x35: {  	s10 =	sld [smem:$0x3FAD];
	_ =	sdelay $0x3  }
0x36: {  	p1 =	seq.s32 s10, $0x1;
	s10 =	sld [smem:$0x3FAE];
	_ =	sdelay $0x3  }
0x37: {  	[smem:$0x3FAE] =	sst s10  }
0x38: {  	s10 =	sld [smem:$0x3FAF]  }
0x39: {  	_ = 	snop;
	(pc) =	sbr.ind lr, $3  }
0x3a: {  	_ = 	snop  }
0x3b: {  	_ = 	snop  }
0x3c: {  	p2 =	seq.s32 s10, $0x1;
	s10 =	sld [smem:$0x3FAE]  }
0x3d: {  	_ =	shalt  }
0x3e: {  	_ =	shalt  }
0x3f: {  	_ =	shalt  }
0x40: {  	_ =	shalt  }
0x41: {  	_ =	shalt  }
0x42: {  	_ =	shalt  }
0x43: {  	_ =	shalt  }
0x44: {  	_ =	shalt  }
0x45: {  	_ =	shalt  }
0x46: {  	_ =	shalt  }
0x47: {  	_ =	shalt  }
0x48: {  	_ =	shalt  }
0x49: {  	_ =	shalt  }
0x4a: {  	_ =	shalt  }
0x4b: {  	_ =	shalt  }
0x4c: {  	_ =	shalt  }
0x4d: {  	_ =	shalt  }
0x4e: {  	_ =	shalt  }
0x4f: {  	_ =	shalt  }
0x50: {  	_ =	shalt  }
0x51: {  	_ =	shalt  }
0x52: {  	_ =	shalt  }
0x53: {  	_ =	shalt  }
0x54: {  	_ =	shalt  }
0x55: {  	_ =	shalt  }
0x56: {  	_ =	shalt  }
0x57: {  	_ =	shalt  }
0x58: {  	_ =	shalt  }
0x59: {  	_ =	shalt  }
0x5a: {  	_ =	shalt  }
0x5b: {  	_ =	shalt  }
0x5c: {  	_ =	shalt  }
0x5d: {  	_ =	shalt  }
0x5e: {  	_ =	shalt  }
0x5f: {  	_ =	shalt  }
0x60: {  	_ =	shalt  }
0x61: {  	_ =	shalt  }
0x62: {  	_ =	shalt  }
0x63: {  	_ =	shalt  }
0x64: {  	_ =	shalt  }
0x65: {  	_ =	shalt  }
0x66: {  	_ =	shalt  }
0x67: {  	_ =	shalt  }
0x68: {  	_ =	shalt  }
0x69: {  	_ =	shalt  }
0x6a: {  	_ =	shalt  }
0x6b: {  	_ =	shalt  }
0x6c: {  	_ =	shalt  }
0x6d: {  	_ =	shalt  }
0x6e: {  	_ =	shalt  }
0x6f: {  	_ =	shalt  }
0x70: {  	_ =	shalt  }
0x71: {  	_ =	shalt  }
0x72: {  	_ =	shalt  }
0x73: {  	_ =	shalt  }
0x74: {  	_ =	shalt  }
0x75: {  	_ =	shalt  }
0x76: {  	_ =	shalt  }
0x77: {  	_ =	shalt  }
0x78: {  	_ =	shalt  }
0x79: {  	_ =	shalt  }
0x7a: {  	_ =	shalt  }
0x7b: {  	_ =	shalt  }
0x7c: {  	_ =	shalt  }
0x7d: {  	_ =	shalt  }
0x7e: {  	_ =	shalt  }
0x7f: {  	_ =	shalt  }
0x80: {  	_ =	shalt  }
0x81: {  	_ =	shalt  }
0x82: {  	_ =	shalt  }
0x83: {  	_ =	shalt  }
0x84: {  	_ =	shalt  }
0x85: {  	_ =	shalt  }
0x86: {  	_ =	shalt  }
0x87: {  	_ =	shalt  }
.Lfunc_end0:
.L_simem_size_0:
called_computation.1_lowered:
.L_overlay_start_0:
0x88: {  	s2 =	sld [smem:$0x3FD9]  }
0x89: {  	s3 =	sld [smem:$0x3FFE];
	_ =	sdelay $0x1  }
0x8a: {  	s1 =	srdreg.scid  }
0x8b: {  	s0 =	sand.u32 $0x1, s1  }
0x8c: {  	s17 =	sshll.u32 s0, $0xA;
	s2 =	sadd.s32 s3, s2  }
0x8d: {  	s2 =	sadd.s32 s2, s17  }
0x8e: {  	[smem:$0x3FBA] =	sst s2  }
0x8f: {  	_ = 	snop  }
0x90: {  	s2 =	sld [smem:$0x3FD0];
	(tm) =	ssettm $0x1  }
0x91: {  	s18 =	sld [smem:$0x3FFB];
	_ =	sdelay $0x3  }
0x92: {  	_ =	strace s18  }
0x93: {  	s3 =	sld [smem:$0x3FFC];
	_ =	sdelay $0x3  }
0x94: {  	_ =	strace s3  }
0x95: {  	s3 =	sld [smem:$0x3FFD];
	_ =	sdelay $0x3  }
0x96: {  	_ =	strace s3  }
0x97: {  	_ =	strace $0x8FFFFFFF  }
0x98: {  	s19 =	sld [smem:$0x3FDB];
	_ =	sdelay $0x1  }
0x99: {  	s4 =	simm.s32 $_scs_section_size  }
0x9a: {  	s5 =	simm.s32 $_size__tile_overlayer_lowered;
	s6 =	simm.s32 $_tile_overlayer_lowered  }
0x9b: {  	s22 =	simm.s32 $0x1BFF;
	s21 =	sshll.u32 s6, $0x1;
	s3 =	sadd.s32 s4, s19  }
0x9c: {  	s7 =	simm.s32 $0x0;
	s20 =	sshll.u32 s5, $0x1;
	s5 =	sadd.s32 s21, s3  }
0x9d: {  	[timem:s7], [sflag:s22] =	dma.local [hbm:s5], s20  }
0x9e: {  	_ =	swait.ge [sflag:s22], s20  }
0x9f: {  	s4 =	ssub.s32 $0x0, s20;
	[sflag:s22] =	ssyncset.done $0x0  }
0xa0: {  	[sflag:s22] =	ssyncadd.s32 s4;
	_ =	sdelay $0x1  }
0xa1: {  	s23 =	simm.s32 $0x1B8B  }
0xa2: {  	_ =	swait.ge [sflag:s23], $0x1  }
0xa3: {  	[sflag:s23] =	ssyncset.done $0x0  }
0xa4: {  	s25 =	simm.s32 $0x1B8E;
	s24 =	sld [smem:$0x3FFE];
	[sflag:s23] =	ssyncadd.s32 $0xFFFFFFFF  }
0xa5: {  	s26 =	simm.s32 $execute0_lowered;
	[smem:$0x3FD2] =	sst s25  }
0xa6: {  	s5 =	sshll.u32 s26, $0x1;
	_ =	strace $0x80000049;
	[dreg:$0x1] =	wrdreg $0xFFFFFFFF  }
0xa7: {  	s28 =	simm.s32 $_size_execute0_lowered;
	s3 =	sadd.s32 s3, s5;
	[dreg:$0x0] =	wrdreg $0x0  }
0xa8: {  	s5 =	sshll.u32 s28, $0x1;
	[dreg:$0x2] =	wrdreg s3  }
0xa9: {  	[dreg:$0x3] =	wrdreg s5  }
0xaa: {  	[dreg:$0x4] =	wrdreg $0xC0  }
0xab: {  	_ =	task [dreg:s7], $0x5FFFF  }
0xac: {  	[dreg:$0x1] =	wrdreg $0xFFFFFFFF  }
0xad: {  	[dreg:$0x0] =	wrdreg $0x60  }
0xae: {  	[dreg:$0x2] =	wrdreg s2  }
0xaf: {  	[dreg:$0x3] =	wrdreg s24  }
0xb0: {  	[dreg:$0x4] =	wrdreg $0x1A0000  }
0xb1: {  	[dreg:$0x5] =	wrdreg $0x9  }
0xb2: {  	_ =	task.clear_ibuf [dreg:s7], $0x6FFFF;
	_ =	strace $0x90000049  }
0xb3: {  	s29 =	simm.s32 $0x9;
	_ =	strace $0x8000004B  }
0xb4: {  	_ =	swait.ge [sflag:s29], $0x1  }
0xb5: {  	[sflag:s29] =	ssyncadd.s32 $0xFFFFFFFF  }
0xb6: {  	_ =	strace $0x9000004B  }
0xb7: {  	_ =	sfence  }
0xb8: {  	s30 =	sld [smem:$0x0];
	_ =	sdelay $0x2  }
0xb9: {  	s31 =	sshll.u32 s1, $0xD;
	s1 =	sshrl.u32 s1, $0x2  }
0xba: {  	s3 =	sand.u32 $0x4000, s31;
	s1 =	sadd.s32 s1, s30  }
0xbb: {  	s0 =	sor.u32 s3, s0;
	s1 =	sshll.u32 s1, $0x11  }
0xbc: {  	s0 =	sor.u32 s1, s0  }
0xbd: {  	s0 =	sadd.s32 $0x8F2B, s0  }
0xbe: {  	[sflag:s0] =	ssyncadd.remote.s32 $0x1  }
0xbf: {  	_ =	sfence.sel $0xFFFF  }
0xc0: {  	[dreg:$0x0] =	wrdreg $0xFFFFFFFF;
	(pc) =	sbr.abs _section_cstart, $3  }
0xc1: {  	[dreg:$0x1] =	wrdreg $0xFFFFFFFF  }
0xc2: {  	_ =	task.clear_ibuf [dreg:s7], $0x2FFFF;
	_ =	strace $0x9FFFFFFF  }
0xc3: {  	(tm) =	ssettm $0x7FFFFFFF  }
tec
execute0_lowered:
.L_overlay_start_1:
0x0: {  	(tag) =	ssettag $0x1  }
0x1: {  	s3 =	rddreg [dreg:$0x0]  }
0x2: {  	s1 =	rddreg [dreg:$0x1]  }
0x3: {  	s2 =	rddreg [dreg:$0x2];
	s30 =	simm.s32 $0x0  }
0x4: {  	[smem:$0x7FF] =	sst s30;
	s7 =	sadd.s32 $0x7B200, s1  }
0x5: {  	s24 =	simm.s32 $0x5400;
	_ =	strace $0x8000004A;
	[dreg:$0x4] =	wrdreg s7  }
0x6: {  	s25 =	simm.s32 $0x800;
	[dreg:$0x8] =	wrdreg s24  }
0x7: {  	s0 =	srdreg.scid;
	s26 =	simm.s32 $0xC00;
	[dreg:$0x9] =	wrdreg s25  }
0x8: {  	s12 =	stileid.u32;
	s8 =	simm.s32 $0x1400;
	[dreg:$0xa] =	wrdreg s26  }
0x9: {  	s10 =	simm.s32 $0x6000;
	s11 =	simm.s32 $0x6400;
	[dreg:$0xe] =	wrdreg s8  }
0xa: {  	s14 =	simm.s32 $0x1800;
	s16 =	simm.s32 $0x1C00;
	[dreg:$0xf] =	wrdreg s10  }
0xb: {  	s17 =	simm.s32 $0x6800;
	s18 =	simm.s32 $0x6C00;
	[dreg:$0x10] =	wrdreg s11  }
0xc: {  	s31 =	simm.s32 $0x5000;
	s19 =	simm.s32 $0x2000;
	[dreg:$0x11] =	wrdreg s14  }
0xd: {  	s21 =	simm.s32 $0x2400;
	s22 =	simm.s32 $0x7000;
	[dreg:$0x12] =	wrdreg s16  }
0xe: {  	s28 =	simm.s32 $0x3000;
	s29 =	simm.s32 $0x3400;
	[dreg:$0x13] =	wrdreg s17  }
0xf: {  	p0 =	por $0x0, $0x0;
	s5 =	smul.u32 $0xA00, s12;
	[dreg:$0x14] =	wrdreg s18  }
0x10: {  	s0 =	sand.u32 $0x1, s0;
	s9 =	smul.u32 $0x14000, s12;
	[dreg:$0x15] =	wrdreg s19  }
0x11: {  	s20 =	sshll.u32 s12, $0x6;
	s4 =	sshll.u32 s0, $0x4;
	[dreg:$0x16] =	wrdreg s21  }
0x12: {  	s6 =	sxor.u32 $0x1, s0;
	s0 =	ssub.s32 $0x2, s0;
	[dreg:$0x17] =	wrdreg s22  }
0x13: {  	s24 =	simm.s32 $0x2800;
	s25 =	simm.s32 $0x2C00;
	s8 =	simm.s32 $0x12000  }
0x14: {  	s26 =	simm.s32 $0x7800;
	s11 =	simm.s32 $0x1;
	s10 =	simm.s32 $0x2  }
0x15: {  	s18 =	simm.s32 $0x7C00;
	s22 =	simm.s32 $0x8800;
	s21 =	simm.s32 $0x8C00  }
0x16: {  	s19 =	simm.s32 $0x4400;
	s17 =	simm.s32 $0x9400;
	s16 =	simm.s32 $0x4C00  }
0x17: {  	s14 =	simm.s32 $0x9800;
	s4 =	sor.u32 s12, s4;
	[dreg:$0x19] =	wrdreg s24  }
0x18: {  	s6 =	smul.u32 $0xA000, s6;
	s7 =	sshrl.u32 s0, $0x1;
	[dreg:$0x1a] =	wrdreg s25  }
0x19: {  	s13 =	sshrl.u32 s9, $0x2;
	s9 =	simm.s32 $0xA000;
	[dreg:$0x1b] =	wrdreg s26  }
0x1a: {  	s26 =	simm.s32 $0x8000;
	s25 =	simm.s32 $0x8400;
	s24 =	simm.s32 $0x3C00  }
0x1b: {  	s4 =	smul.u32 $0xA00, s4;
	s0 =	ssub.s32 s0, s7;
	s15 =	sadd.s32 s13, s2  }
0x1c: {  	s7 =	simm.s32 $0x400;
	s13 =	simm.s32 $0x9C00;
	s5 =	sadd.s32 s5, s6  }
0x1d: {  	s6 =	simm.s32 $0x1000;
	s0 =	smax.u32 s0, $0x1;
	s4 =	sadd.s32 s4, s1  }
0x1e: {  	s1 =	sadd.s32 s5, s1;
	s5 =	simm.s32 $0x5C00;
	[dreg:$0xd] =	wrdreg s6  }
0x1f: {  	s6 =	sshrl.u32 s15, $0x3;
	s23 =	sadd.s32 $0x17200, s4;
	[dreg:$0xc] =	wrdreg s5  }
0x20: {  	p1 =	sne.s32 s0, $0x1;
	s4 =	sadd.s32 $0x3200, s4;
	[dreg:$0x5] =	wrdreg s23  }
.Ltmp0:
0x21: {  	s1 =	sadd.s32 $0x7BC00, s1;
	[dreg:$0x6] =	wrdreg s4;
	(pc) =	sbr.rel @!p1 .LBB2_1-.Ltmp0, $4  }
0x22: {  	s15 =	simm.s32 $0x4800;
	[dreg:$0x7] =	wrdreg s1;
	s4 =	simm.s32 $0x5800  }
0x23: {  	s5 =	sor.u32 $0x1C03, s20;
	s23 =	simm.s32 $0x7400;
	[dreg:$0xb] =	wrdreg s4  }
0x24: {  	s20 =	simm.s32 $0x9000;
	s1 =	sadd.s32 $0xFFFFFFFF, s0;
	[dreg:$0x18] =	wrdreg s23  }
0x25: {  	s4 =	simm.s32 $0x3;
	s23 =	simm.s32 $0x3800;
	s0 =	rddreg [dreg:$0x5]  }
0x26: {  	[tilespmem:s30], [sflag:$0x3] =	stream.linear.gather [hbm4b:s0+s30], $0x5000, $0x38;
	[tilespmem:$0x1F000] =	vst v63  }
0x27: {  	_ =	swait.ge [sflag:s4], $0x5000  }
0x28: {  	[sflag:s4] =	ssyncset.done $0x0  }
0x29: {  	s12 =	rddreg [dreg:$0x6];
	[sflag:s4] =	ssyncadd.s32 $0xFFFFB000  }
0x2a: {  	[tilespmem:s31], [sflag:$0x3] =	stream.linear.gather [hbm4b:s12+s30], $0x5000, $0x38;
	[tilespmem:$0x1F000] =	vst v63  }
0x2b: {  	_ =	swait.ge [sflag:s4], $0x5000  }
0x2c: {  	[sflag:s4] =	ssyncset.done $0x0  }
0x2d: {  	s12 =	rddreg [dreg:$0x4];
	[sflag:s4] =	ssyncadd.s32 $0xFFFFB000  }
0x2e: {  	[spmem:s6], [sflag:s5] =	dma.local [hbm:s12], $0xA00  }
0x2f: {  	_ =	swait.ge [sflag:s4], $0xA00  }
0x30: {  	[sflag:s4] =	ssyncset.done $0x0  }
0x31: {  	[sflag:s4] =	ssyncadd.s32 $0xFFFFF600  }
0x32: {  	[bflag:$0x0] =	sbarrier.arrive $0xFFFF  }
0x33: {  	[tilespmem:s9], [sflag:$0x1] =	stream.indirect.gather [hbm4b:s3+s7], $0x20, s30, s7, $0xb8;
	[tilespmem:$0x1F000] =	vst v63  }
0x34: {  	_ = 	snop  }
0x35: {  	[tilespmem:s8], [sflag:$0x2] =	stream.indirect.gather [hbm4b:s3+s7], $0x20, s7, s7, $0xb8;
	[tilespmem:$0x1F000] =	vst v63  }
0x36: {  	_ =	swait.ge [sflag:s11], $0x8000  }
0x37: {  	[sflag:s11] =	ssyncset.done $0x0  }
0x38: {  	[sflag:s11] =	ssyncadd.s32 $0xFFFF8000  }
0x39: {  	[spmem:s2] =	stream.indirect.scatter.add.f32 [tilespmem:s9], [sflag:$0x3], $0x20, s31, s7, $0xb8;
	[tilespmem:$0x1F000] =	vst v63  }
0x3a: {  	_ =	swait.ge [sflag:s4], $0x8000  }
0x3b: {  	[sflag:s4] =	ssyncset.done $0x0  }
0x3c: {  	[sflag:s4] =	ssyncadd.s32 $0xFFFF8000  }
0x3d: {  	_ =	swait.ge [sflag:s10], $0x8000  }
0x3e: {  	[sflag:s10] =	ssyncset.done $0x0  }
0x3f: {  	s12 =	rddreg [dreg:$0x8];
	[sflag:s10] =	ssyncadd.s32 $0xFFFF8000  }
0x40: {  	[spmem:s2] =	stream.indirect.scatter.add.f32 [tilespmem:s8], [sflag:$0x3], $0x20, s12, s7, $0xb8;
	[tilespmem:$0x1F000] =	vst v63  }
0x41: {  	_ =	swait.ge [sflag:s4], $0x8000  }
0x42: {  	[sflag:s4] =	ssyncset.done $0x0  }
0x43: {  	s0 =	rddreg [dreg:$0x9];
	[sflag:s4] =	ssyncadd.s32 $0xFFFF8000  }
0x44: {  	[tilespmem:s9], [sflag:$0x1] =	stream.indirect.gather [hbm4b:s3+s7], $0x20, s0, s7, $0xb8;
	[tilespmem:$0x1F000] =	vst v63  }
0x45: {  	s12 =	smov.u32 s1;
	s1 =	rddreg [dreg:$0xa]  }
0x46: {  	[tilespmem:s8], [sflag:$0x2] =	stream.indirect.gather [hbm4b:s3+s7], $0x20, s1, s7, $0xb8;
	[tilespmem:$0x1F000] =	vst v63  }
0x47: {  	_ =	swait.ge [sflag:s11], $0x8000  }
0x48: {  	[sflag:s11] =	ssyncset.done $0x0  }
0x49: {  	s1 =	rddreg [dreg:$0xb];
	[sflag:s11] =	ssyncadd.s32 $0xFFFF8000  }
0x4a: {  	[spmem:s2] =	stream.indirect.scatter.add.f32 [tilespmem:s9], [sflag:$0x3], $0x20, s1, s7, $0xb8;
	[tilespmem:$0x1F000] =	vst v63  }
0x4b: {  	_ =	swait.ge [sflag:s4], $0x8000  }
0x4c: {  	[sflag:s4] =	ssyncset.done $0x0  }
0x4d: {  	[sflag:s4] =	ssyncadd.s32 $0xFFFF8000  }
0x4e: {  	_ =	swait.ge [sflag:s10], $0x8000  }
0x4f: {  	[sflag:s10] =	ssyncset.done $0x0  }
0x50: {  	s1 =	rddreg [dreg:$0xc];
	[sflag:s10] =	ssyncadd.s32 $0xFFFF8000  }
0x51: {  	[spmem:s2] =	stream.indirect.scatter.add.f32 [tilespmem:s8], [sflag:$0x3], $0x20, s1, s7, $0xb8;
	[tilespmem:$0x1F000] =	vst v63  }
0x52: {  	_ =	swait.ge [sflag:s4], $0x8000  }
0x53: {  	[sflag:s4] =	ssyncset.done $0x0  }
0x54: {  	s0 =	rddreg [dreg:$0xd];
	[sflag:s4] =	ssyncadd.s32 $0xFFFF8000  }
0x55: {  	[tilespmem:s9], [sflag:$0x1] =	stream.indirect.gather [hbm4b:s3+s7], $0x20, s0, s7, $0xb8;
	[tilespmem:$0x1F000] =	vst v63  }
0x56: {  	s1 =	rddreg [dreg:$0xe]  }
0x57: {  	[tilespmem:s8], [sflag:$0x2] =	stream.indirect.gather [hbm4b:s3+s7], $0x20, s1, s7, $0xb8;
	[tilespmem:$0x1F000] =	vst v63  }
0x58: {  	_ =	swait.ge [sflag:s11], $0x8000  }
0x59: {  	[sflag:s11] =	ssyncset.done $0x0  }
0x5a: {  	s1 =	rddreg [dreg:$0xf];
	[sflag:s11] =	ssyncadd.s32 $0xFFFF8000  }
0x5b: {  	[spmem:s2] =	stream.indirect.scatter.add.f32 [tilespmem:s9], [sflag:$0x3], $0x20, s1, s7, $0xb8;
	[tilespmem:$0x1F000] =	vst v63  }
0x5c: {  	_ =	swait.ge [sflag:s4], $0x8000  }
0x5d: {  	[sflag:s4] =	ssyncset.done $0x0  }
0x5e: {  	[sflag:s4] =	ssyncadd.s32 $0xFFFF8000  }
0x5f: {  	_ =	swait.ge [sflag:s10], $0x8000  }
0x60: {  	[sflag:s10] =	ssyncset.done $0x0  }
0x61: {  	s1 =	rddreg [dreg:$0x10];
	[sflag:s10] =	ssyncadd.s32 $0xFFFF8000  }
0x62: {  	[spmem:s2] =	stream.indirect.scatter.add.f32 [tilespmem:s8], [sflag:$0x3], $0x20, s1, s7, $0xb8;
	[tilespmem:$0x1F000] =	vst v63  }
0x63: {  	_ =	swait.ge [sflag:s4], $0x8000  }
0x64: {  	[sflag:s4] =	ssyncset.done $0x0  }
0x65: {  	s0 =	rddreg [dreg:$0x11];
	[sflag:s4] =	ssyncadd.s32 $0xFFFF8000  }
0x66: {  	[tilespmem:s9], [sflag:$0x1] =	stream.indirect.gather [hbm4b:s3+s7], $0x20, s0, s7, $0xb8;
	[tilespmem:$0x1F000] =	vst v63  }
0x67: {  	s1 =	rddreg [dreg:$0x12]  }
0x68: {  	[tilespmem:s8], [sflag:$0x2] =	stream.indirect.gather [hbm4b:s3+s7], $0x20, s1, s7, $0xb8;
	[tilespmem:$0x1F000] =	vst v63  }
0x69: {  	_ =	swait.ge [sflag:s11], $0x8000  }
0x6a: {  	[sflag:s11] =	ssyncset.done $0x0  }
0x6b: {  	s1 =	rddreg [dreg:$0x13];
	[sflag:s11] =	ssyncadd.s32 $0xFFFF8000  }
0x6c: {  	[spmem:s2] =	stream.indirect.scatter.add.f32 [tilespmem:s9], [sflag:$0x3], $0x20, s1, s7, $0xb8;
	[tilespmem:$0x1F000] =	vst v63  }
0x6d: {  	_ =	swait.ge [sflag:s4], $0x8000  }
0x6e: {  	[sflag:s4] =	ssyncset.done $0x0  }
0x6f: {  	[sflag:s4] =	ssyncadd.s32 $0xFFFF8000  }
0x70: {  	_ =	swait.ge [sflag:s10], $0x8000  }
0x71: {  	[sflag:s10] =	ssyncset.done $0x0  }
0x72: {  	s1 =	rddreg [dreg:$0x14];
	[sflag:s10] =	ssyncadd.s32 $0xFFFF8000  }
0x73: {  	[spmem:s2] =	stream.indirect.scatter.add.f32 [tilespmem:s8], [sflag:$0x3], $0x20, s1, s7, $0xb8;
	[tilespmem:$0x1F000] =	vst v63  }
0x74: {  	_ =	swait.ge [sflag:s4], $0x8000  }
0x75: {  	[sflag:s4] =	ssyncset.done $0x0  }
0x76: {  	s0 =	rddreg [dreg:$0x15];
	[sflag:s4] =	ssyncadd.s32 $0xFFFF8000  }
0x77: {  	[tilespmem:s9], [sflag:$0x1] =	stream.indirect.gather [hbm4b:s3+s7], $0x20, s0, s7, $0xb8;
	[tilespmem:$0x1F000] =	vst v63  }
0x78: {  	s1 =	rddreg [dreg:$0x16]  }
0x79: {  	[tilespmem:s8], [sflag:$0x2] =	stream.indirect.gather [hbm4b:s3+s7], $0x20, s1, s7, $0xb8;
	[tilespmem:$0x1F000] =	vst v63  }
0x7a: {  	_ =	swait.ge [sflag:s11], $0x8000  }
0x7b: {  	[sflag:s11] =	ssyncset.done $0x0  }
0x7c: {  	s1 =	rddreg [dreg:$0x17];
	[sflag:s11] =	ssyncadd.s32 $0xFFFF8000  }
0x7d: {  	[spmem:s2] =	stream.indirect.scatter.add.f32 [tilespmem:s9], [sflag:$0x3], $0x20, s1, s7, $0xb8;
	[tilespmem:$0x1F000] =	vst v63  }
0x7e: {  	_ =	swait.ge [sflag:s4], $0x8000  }
0x7f: {  	[sflag:s4] =	ssyncset.done $0x0  }
0x80: {  	[sflag:s4] =	ssyncadd.s32 $0xFFFF8000  }
0x81: {  	_ =	swait.ge [sflag:s10], $0x8000  }
0x82: {  	[sflag:s10] =	ssyncset.done $0x0  }
0x83: {  	s1 =	rddreg [dreg:$0x18];
	[sflag:s10] =	ssyncadd.s32 $0xFFFF8000  }
0x84: {  	[spmem:s2] =	stream.indirect.scatter.add.f32 [tilespmem:s8], [sflag:$0x3], $0x20, s1, s7, $0xb8;
	[tilespmem:$0x1F000] =	vst v63  }
0x85: {  	_ =	swait.ge [sflag:s4], $0x8000  }
0x86: {  	[sflag:s4] =	ssyncset.done $0x0  }
0x87: {  	s0 =	rddreg [dreg:$0x19];
	[sflag:s4] =	ssyncadd.s32 $0xFFFF8000  }
0x88: {  	[tilespmem:s9], [sflag:$0x1] =	stream.indirect.gather [hbm4b:s3+s7], $0x20, s0, s7, $0xb8;
	[tilespmem:$0x1F000] =	vst v63  }
0x89: {  	s1 =	rddreg [dreg:$0x1a]  }
0x8a: {  	[tilespmem:s8], [sflag:$0x2] =	stream.indirect.gather [hbm4b:s3+s7], $0x20, s1, s7, $0xb8;
	[tilespmem:$0x1F000] =	vst v63  }
0x8b: {  	_ =	swait.ge [sflag:s11], $0x8000  }
0x8c: {  	[sflag:s11] =	ssyncset.done $0x0  }
0x8d: {  	s1 =	rddreg [dreg:$0x1b];
	[sflag:s11] =	ssyncadd.s32 $0xFFFF8000  }
0x8e: {  	[spmem:s2] =	stream.indirect.scatter.add.f32 [tilespmem:s9], [sflag:$0x3], $0x20, s1, s7, $0xb8;
	[tilespmem:$0x1F000] =	vst v63  }
0x8f: {  	_ =	swait.ge [sflag:s4], $0x8000  }
0x90: {  	[sflag:s4] =	ssyncset.done $0x0  }
0x91: {  	[sflag:s4] =	ssyncadd.s32 $0xFFFF8000  }
0x92: {  	_ =	swait.ge [sflag:s10], $0x8000  }
0x93: {  	[sflag:s10] =	ssyncset.done $0x0  }
0x94: {  	[sflag:s10] =	ssyncadd.s32 $0xFFFF8000  }
0x95: {  	[spmem:s2] =	stream.indirect.scatter.add.f32 [tilespmem:s8], [sflag:$0x3], $0x20, s18, s7, $0xb8;
	[tilespmem:$0x1F000] =	vst v63  }
0x96: {  	_ =	swait.ge [sflag:s4], $0x8000  }
0x97: {  	[sflag:s4] =	ssyncset.done $0x0  }
0x98: {  	[sflag:s4] =	ssyncadd.s32 $0xFFFF8000  }
0x99: {  	[tilespmem:s9], [sflag:$0x1] =	stream.indirect.gather [hbm4b:s3+s7], $0x20, s28, s7, $0xb8;
	[tilespmem:$0x1F000] =	vst v63  }
0x9a: {  	_ = 	snop  }
0x9b: {  	[tilespmem:s8], [sflag:$0x2] =	stream.indirect.gather [hbm4b:s3+s7], $0x20, s29, s7, $0xb8;
	[tilespmem:$0x1F000] =	vst v63  }
0x9c: {  	_ =	swait.ge [sflag:s11], $0x8000  }
0x9d: {  	[sflag:s11] =	ssyncset.done $0x0  }
0x9e: {  	[sflag:s11] =	ssyncadd.s32 $0xFFFF8000  }
0x9f: {  	[spmem:s2] =	stream.indirect.scatter.add.f32 [tilespmem:s9], [sflag:$0x3], $0x20, s26, s7, $0xb8;
	[tilespmem:$0x1F000] =	vst v63  }
0xa0: {  	_ =	swait.ge [sflag:s4], $0x8000  }
0xa1: {  	[sflag:s4] =	ssyncset.done $0x0  }
0xa2: {  	[sflag:s4] =	ssyncadd.s32 $0xFFFF8000  }
0xa3: {  	_ =	swait.ge [sflag:s10], $0x8000  }
0xa4: {  	[sflag:s10] =	ssyncset.done $0x0  }
0xa5: {  	[sflag:s10] =	ssyncadd.s32 $0xFFFF8000  }
0xa6: {  	[spmem:s2] =	stream.indirect.scatter.add.f32 [tilespmem:s8], [sflag:$0x3], $0x20, s25, s7, $0xb8;
	[tilespmem:$0x1F000] =	vst v63  }
0xa7: {  	_ =	swait.ge [sflag:s4], $0x8000  }
0xa8: {  	[sflag:s4] =	ssyncset.done $0x0  }
0xa9: {  	[sflag:s4] =	ssyncadd.s32 $0xFFFF8000  }
0xaa: {  	[tilespmem:s9], [sflag:$0x1] =	stream.indirect.gather [hbm4b:s3+s7], $0x20, s23, s7, $0xb8;
	[tilespmem:$0x1F000] =	vst v63  }
0xab: {  	_ = 	snop  }
0xac: {  	[tilespmem:s8], [sflag:$0x2] =	stream.indirect.gather [hbm4b:s3+s7], $0x20, s24, s7, $0xb8;
	[tilespmem:$0x1F000] =	vst v63  }
0xad: {  	_ =	swait.ge [sflag:s11], $0x8000  }
0xae: {  	[sflag:s11] =	ssyncset.done $0x0  }
0xaf: {  	[sflag:s11] =	ssyncadd.s32 $0xFFFF8000  }
0xb0: {  	[spmem:s2] =	stream.indirect.scatter.add.f32 [tilespmem:s9], [sflag:$0x3], $0x20, s22, s7, $0xb8;
	[tilespmem:$0x1F000] =	vst v63  }
0xb1: {  	_ =	swait.ge [sflag:s4], $0x8000  }
0xb2: {  	[sflag:s4] =	ssyncset.done $0x0  }
0xb3: {  	[sflag:s4] =	ssyncadd.s32 $0xFFFF8000  }
0xb4: {  	_ =	swait.ge [sflag:s10], $0x8000  }
0xb5: {  	[sflag:s10] =	ssyncset.done $0x0  }
0xb6: {  	[sflag:s10] =	ssyncadd.s32 $0xFFFF8000  }
0xb7: {  	[spmem:s2] =	stream.indirect.scatter.add.f32 [tilespmem:s8], [sflag:$0x3], $0x20, s21, s7, $0xb8;
	[tilespmem:$0x1F000] =	vst v63  }
0xb8: {  	_ =	swait.ge [sflag:s4], $0x8000  }
0xb9: {  	[sflag:s4] =	ssyncset.done $0x0  }
0xba: {  	s1 =	simm.s32 $0x4000;
	[sflag:s4] =	ssyncadd.s32 $0xFFFF8000  }
0xbb: {  	[tilespmem:s9], [sflag:$0x1] =	stream.indirect.gather [hbm4b:s3+s7], $0x20, s1, s7, $0xb8;
	[tilespmem:$0x1F000] =	vst v63  }
0xbc: {  	_ = 	snop  }
0xbd: {  	[tilespmem:s8], [sflag:$0x2] =	stream.indirect.gather [hbm4b:s3+s7], $0x20, s19, s7, $0xb8;
	[tilespmem:$0x1F000] =	vst v63  }
0xbe: {  	_ =	swait.ge [sflag:s11], $0x8000  }
0xbf: {  	[sflag:s11] =	ssyncset.done $0x0  }
0xc0: {  	[sflag:s11] =	ssyncadd.s32 $0xFFFF8000  }
0xc1: {  	[spmem:s2] =	stream.indirect.scatter.add.f32 [tilespmem:s9], [sflag:$0x3], $0x20, s20, s7, $0xb8;
	[tilespmem:$0x1F000] =	vst v63  }
0xc2: {  	_ =	swait.ge [sflag:s4], $0x8000  }
0xc3: {  	[sflag:s4] =	ssyncset.done $0x0  }
0xc4: {  	[sflag:s4] =	ssyncadd.s32 $0xFFFF8000  }
0xc5: {  	_ =	swait.ge [sflag:s10], $0x8000  }
0xc6: {  	[sflag:s10] =	ssyncset.done $0x0  }
0xc7: {  	[sflag:s10] =	ssyncadd.s32 $0xFFFF8000  }
0xc8: {  	[spmem:s2] =	stream.indirect.scatter.add.f32 [tilespmem:s8], [sflag:$0x3], $0x20, s17, s7, $0xb8;
	[tilespmem:$0x1F000] =	vst v63  }
0xc9: {  	_ =	swait.ge [sflag:s4], $0x8000  }
0xca: {  	[sflag:s4] =	ssyncset.done $0x0  }
0xcb: {  	[sflag:s4] =	ssyncadd.s32 $0xFFFF8000  }
0xcc: {  	[tilespmem:s9], [sflag:$0x1] =	stream.indirect.gather [hbm4b:s3+s7], $0x20, s15, s7, $0xb8;
	[tilespmem:$0x1F000] =	vst v63  }
0xcd: {  	_ = 	snop  }
0xce: {  	[tilespmem:s8], [sflag:$0x2] =	stream.indirect.gather [hbm4b:s3+s7], $0x20, s16, s7, $0xb8;
	[tilespmem:$0x1F000] =	vst v63  }
0xcf: {  	_ =	swait.ge [sflag:s11], $0x8000  }
0xd0: {  	[sflag:s11] =	ssyncset.done $0x0  }
0xd1: {  	[sflag:s11] =	ssyncadd.s32 $0xFFFF8000  }
0xd2: {  	[spmem:s2] =	stream.indirect.scatter.add.f32 [tilespmem:s9], [sflag:$0x3], $0x20, s14, s7, $0xb8;
	[tilespmem:$0x1F000] =	vst v63  }
0xd3: {  	_ =	swait.ge [sflag:s4], $0x8000  }
0xd4: {  	[sflag:s4] =	ssyncset.done $0x0  }
0xd5: {  	[sflag:s4] =	ssyncadd.s32 $0xFFFF8000  }
0xd6: {  	_ =	swait.ge [sflag:s10], $0x8000  }
0xd7: {  	[sflag:s10] =	ssyncset.done $0x0  }
0xd8: {  	[sflag:s10] =	ssyncadd.s32 $0xFFFF8000  }
0xd9: {  	[spmem:s2] =	stream.indirect.scatter.add.f32 [tilespmem:s8], [sflag:$0x3], $0x20, s13, s7, $0xb8;
	[tilespmem:$0x1F000] =	vst v63  }
0xda: {  	_ =	swait.ge [sflag:s4], $0x8000  }
0xdb: {  	[sflag:s4] =	ssyncset.done $0x0  }
0xdc: {  	p1 =	sne.s32 s12, $0x1;
	[sflag:s4] =	ssyncadd.s32 $0xFFFF8000  }
.Ltmp1:
0xdd: {  	[bflag:$0x0] =	sbarrier.arrive $0xFFFF;
	(pc) =	sbr.rel @!p1 .LBB2_3-.Ltmp1, $4  }
0xde: {  	s1 =	rddreg [dreg:$0x7]  }
0xdf: {  	[hbm:s1], [sflag:s5] =	dma.local [spmem:s6], $0xA00  }
0xe0: {  	p0 =	por $0x1, $0x1;
	_ =	swait.ge [sflag:s4], $0xA00  }
0xe1: {  	s1 =	sadd.s32 $0xFFFFFFFF, s12;
	s0 =	rddreg [dreg:$0x5];
	[sflag:s4] =	ssyncset.done $0x0  }
.LBB2_4:
0xe2: {  	[sflag:s4] =	ssyncadd.s32 $0xFFFFF600  }
0xe3: {  	[tilespmem:s30], [sflag:$0x3] =	stream.linear.gather [hbm4b:s0+s30], $0x5000, $0x38;
	[tilespmem:$0x1F000] =	vst v63  }
0xe4: {  	_ =	swait.ge [sflag:s4], $0x5000  }
0xe5: {  	[sflag:s4] =	ssyncset.done $0x0  }
0xe6: {  	s12 =	rddreg [dreg:$0x6];
	[sflag:s4] =	ssyncadd.s32 $0xFFFFB000  }
0xe7: {  	[tilespmem:s31], [sflag:$0x3] =	stream.linear.gather [hbm4b:s12+s30], $0x5000, $0x38;
	[tilespmem:$0x1F000] =	vst v63  }
0xe8: {  	_ =	swait.ge [sflag:s4], $0x5000  }
0xe9: {  	[sflag:s4] =	ssyncset.done $0x0  }
0xea: {  	s12 =	rddreg [dreg:$0x4];
	[sflag:s4] =	ssyncadd.s32 $0xFFFFB000  }
0xeb: {  	[spmem:s6], [sflag:s5] =	dma.local [hbm:s12], $0xA00  }
0xec: {  	_ =	swait.ge [sflag:s4], $0xA00  }
0xed: {  	[sflag:s4] =	ssyncset.done $0x0  }
0xee: {  	[sflag:s4] =	ssyncadd.s32 $0xFFFFF600  }
0xef: {  	[bflag:$0x0] =	sbarrier.arrive $0xFFFF  }
0xf0: {  	[tilespmem:s9], [sflag:$0x1] =	stream.indirect.gather [hbm4b:s3+s7], $0x20, s30, s7, $0xb8;
	[tilespmem:$0x1F000] =	vst v63  }
0xf1: {  	_ = 	snop  }
0xf2: {  	[tilespmem:s8], [sflag:$0x2] =	stream.indirect.gather [hbm4b:s3+s7], $0x20, s7, s7, $0xb8;
	[tilespmem:$0x1F000] =	vst v63  }
0xf3: {  	_ =	swait.ge [sflag:s11], $0x8000  }
0xf4: {  	[sflag:s11] =	ssyncset.done $0x0  }
0xf5: {  	[sflag:s11] =	ssyncadd.s32 $0xFFFF8000  }
0xf6: {  	[spmem:s2] =	stream.indirect.scatter.add.f32 [tilespmem:s9], [sflag:$0x3], $0x20, s31, s7, $0xb8;
	[tilespmem:$0x1F000] =	vst v63  }
0xf7: {  	_ =	swait.ge [sflag:s4], $0x8000  }
0xf8: {  	[sflag:s4] =	ssyncset.done $0x0  }
0xf9: {  	[sflag:s4] =	ssyncadd.s32 $0xFFFF8000  }
0xfa: {  	_ =	swait.ge [sflag:s10], $0x8000  }
0xfb: {  	[sflag:s10] =	ssyncset.done $0x0  }
0xfc: {  	s12 =	rddreg [dreg:$0x8];
	[sflag:s10] =	ssyncadd.s32 $0xFFFF8000  }
0xfd: {  	[spmem:s2] =	stream.indirect.scatter.add.f32 [tilespmem:s8], [sflag:$0x3], $0x20, s12, s7, $0xb8;
	[tilespmem:$0x1F000] =	vst v63  }
0xfe: {  	_ =	swait.ge [sflag:s4], $0x8000  }
0xff: {  	[sflag:s4] =	ssyncset.done $0x0  }
0x100: {  	s0 =	rddreg [dreg:$0x9];
	[sflag:s4] =	ssyncadd.s32 $0xFFFF8000  }
0x101: {  	[tilespmem:s9], [sflag:$0x1] =	stream.indirect.gather [hbm4b:s3+s7], $0x20, s0, s7, $0xb8;
	[tilespmem:$0x1F000] =	vst v63  }
0x102: {  	s12 =	rddreg [dreg:$0xa]  }
0x103: {  	[tilespmem:s8], [sflag:$0x2] =	stream.indirect.gather [hbm4b:s3+s7], $0x20, s12, s7, $0xb8;
	[tilespmem:$0x1F000] =	vst v63  }
0x104: {  	_ =	swait.ge [sflag:s11], $0x8000  }
0x105: {  	[sflag:s11] =	ssyncset.done $0x0  }
0x106: {  	s12 =	rddreg [dreg:$0xb];
	[sflag:s11] =	ssyncadd.s32 $0xFFFF8000  }
0x107: {  	[spmem:s2] =	stream.indirect.scatter.add.f32 [tilespmem:s9], [sflag:$0x3], $0x20, s12, s7, $0xb8;
	[tilespmem:$0x1F000] =	vst v63  }
0x108: {  	_ =	swait.ge [sflag:s4], $0x8000  }
0x109: {  	[sflag:s4] =	ssyncset.done $0x0  }
0x10a: {  	[sflag:s4] =	ssyncadd.s32 $0xFFFF8000  }
0x10b: {  	_ =	swait.ge [sflag:s10], $0x8000  }
0x10c: {  	[sflag:s10] =	ssyncset.done $0x0  }
0x10d: {  	s12 =	rddreg [dreg:$0xc];
	[sflag:s10] =	ssyncadd.s32 $0xFFFF8000  }
0x10e: {  	[spmem:s2] =	stream.indirect.scatter.add.f32 [tilespmem:s8], [sflag:$0x3], $0x20, s12, s7, $0xb8;
	[tilespmem:$0x1F000] =	vst v63  }
0x10f: {  	_ =	swait.ge [sflag:s4], $0x8000  }
0x110: {  	[sflag:s4] =	ssyncset.done $0x0  }
0x111: {  	s0 =	rddreg [dreg:$0xd];
	[sflag:s4] =	ssyncadd.s32 $0xFFFF8000  }
0x112: {  	[tilespmem:s9], [sflag:$0x1] =	stream.indirect.gather [hbm4b:s3+s7], $0x20, s0, s7, $0xb8;
	[tilespmem:$0x1F000] =	vst v63  }
0x113: {  	s12 =	rddreg [dreg:$0xe]  }
0x114: {  	[tilespmem:s8], [sflag:$0x2] =	stream.indirect.gather [hbm4b:s3+s7], $0x20, s12, s7, $0xb8;
	[tilespmem:$0x1F000] =	vst v63  }
0x115: {  	_ =	swait.ge [sflag:s11], $0x8000  }
0x116: {  	[sflag:s11] =	ssyncset.done $0x0  }
0x117: {  	s12 =	rddreg [dreg:$0xf];
	[sflag:s11] =	ssyncadd.s32 $0xFFFF8000  }
0x118: {  	[spmem:s2] =	stream.indirect.scatter.add.f32 [tilespmem:s9], [sflag:$0x3], $0x20, s12, s7, $0xb8;
	[tilespmem:$0x1F000] =	vst v63  }
0x119: {  	_ =	swait.ge [sflag:s4], $0x8000  }
0x11a: {  	[sflag:s4] =	ssyncset.done $0x0  }
0x11b: {  	[sflag:s4] =	ssyncadd.s32 $0xFFFF8000  }
0x11c: {  	_ =	swait.ge [sflag:s10], $0x8000  }
0x11d: {  	[sflag:s10] =	ssyncset.done $0x0  }
0x11e: {  	s12 =	rddreg [dreg:$0x10];
	[sflag:s10] =	ssyncadd.s32 $0xFFFF8000  }
0x11f: {  	[spmem:s2] =	stream.indirect.scatter.add.f32 [tilespmem:s8], [sflag:$0x3], $0x20, s12, s7, $0xb8;
	[tilespmem:$0x1F000] =	vst v63  }
0x120: {  	_ =	swait.ge [sflag:s4], $0x8000  }
0x121: {  	[sflag:s4] =	ssyncset.done $0x0  }
0x122: {  	s0 =	rddreg [dreg:$0x11];
	[sflag:s4] =	ssyncadd.s32 $0xFFFF8000  }
0x123: {  	[tilespmem:s9], [sflag:$0x1] =	stream.indirect.gather [hbm4b:s3+s7], $0x20, s0, s7, $0xb8;
	[tilespmem:$0x1F000] =	vst v63  }
0x124: {  	s12 =	rddreg [dreg:$0x12]  }
0x125: {  	[tilespmem:s8], [sflag:$0x2] =	stream.indirect.gather [hbm4b:s3+s7], $0x20, s12, s7, $0xb8;
	[tilespmem:$0x1F000] =	vst v63  }
0x126: {  	_ =	swait.ge [sflag:s11], $0x8000  }
0x127: {  	[sflag:s11] =	ssyncset.done $0x0  }
0x128: {  	s12 =	rddreg [dreg:$0x13];
	[sflag:s11] =	ssyncadd.s32 $0xFFFF8000  }
0x129: {  	[spmem:s2] =	stream.indirect.scatter.add.f32 [tilespmem:s9], [sflag:$0x3], $0x20, s12, s7, $0xb8;
	[tilespmem:$0x1F000] =	vst v63  }
0x12a: {  	_ =	swait.ge [sflag:s4], $0x8000  }
0x12b: {  	[sflag:s4] =	ssyncset.done $0x0  }
0x12c: {  	[sflag:s4] =	ssyncadd.s32 $0xFFFF8000  }
0x12d: {  	_ =	swait.ge [sflag:s10], $0x8000  }
0x12e: {  	[sflag:s10] =	ssyncset.done $0x0  }
0x12f: {  	s12 =	rddreg [dreg:$0x14];
	[sflag:s10] =	ssyncadd.s32 $0xFFFF8000  }
0x130: {  	[spmem:s2] =	stream.indirect.scatter.add.f32 [tilespmem:s8], [sflag:$0x3], $0x20, s12, s7, $0xb8;
	[tilespmem:$0x1F000] =	vst v63  }
0x131: {  	_ =	swait.ge [sflag:s4], $0x8000  }
0x132: {  	[sflag:s4] =	ssyncset.done $0x0  }
0x133: {  	s0 =	rddreg [dreg:$0x15];
	[sflag:s4] =	ssyncadd.s32 $0xFFFF8000  }
0x134: {  	[tilespmem:s9], [sflag:$0x1] =	stream.indirect.gather [hbm4b:s3+s7], $0x20, s0, s7, $0xb8;
	[tilespmem:$0x1F000] =	vst v63  }
0x135: {  	s12 =	rddreg [dreg:$0x16]  }
0x136: {  	[tilespmem:s8], [sflag:$0x2] =	stream.indirect.gather [hbm4b:s3+s7], $0x20, s12, s7, $0xb8;
	[tilespmem:$0x1F000] =	vst v63  }
0x137: {  	_ =	swait.ge [sflag:s11], $0x8000  }
0x138: {  	[sflag:s11] =	ssyncset.done $0x0  }
0x139: {  	s12 =	rddreg [dreg:$0x17];
	[sflag:s11] =	ssyncadd.s32 $0xFFFF8000  }
0x13a: {  	[spmem:s2] =	stream.indirect.scatter.add.f32 [tilespmem:s9], [sflag:$0x3], $0x20, s12, s7, $0xb8;
	[tilespmem:$0x1F000] =	vst v63  }
0x13b: {  	_ =	swait.ge [sflag:s4], $0x8000  }
0x13c: {  	[sflag:s4] =	ssyncset.done $0x0  }
0x13d: {  	[sflag:s4] =	ssyncadd.s32 $0xFFFF8000  }
0x13e: {  	_ =	swait.ge [sflag:s10], $0x8000  }
0x13f: {  	[sflag:s10] =	ssyncset.done $0x0  }
0x140: {  	s12 =	rddreg [dreg:$0x18];
	[sflag:s10] =	ssyncadd.s32 $0xFFFF8000  }
0x141: {  	[spmem:s2] =	stream.indirect.scatter.add.f32 [tilespmem:s8], [sflag:$0x3], $0x20, s12, s7, $0xb8;
	[tilespmem:$0x1F000] =	vst v63  }
0x142: {  	_ =	swait.ge [sflag:s4], $0x8000  }
0x143: {  	[sflag:s4] =	ssyncset.done $0x0  }
0x144: {  	s0 =	rddreg [dreg:$0x19];
	[sflag:s4] =	ssyncadd.s32 $0xFFFF8000  }
0x145: {  	[tilespmem:s9], [sflag:$0x1] =	stream.indirect.gather [hbm4b:s3+s7], $0x20, s0, s7, $0xb8;
	[tilespmem:$0x1F000] =	vst v63  }
0x146: {  	s12 =	rddreg [dreg:$0x1a]  }
0x147: {  	[tilespmem:s8], [sflag:$0x2] =	stream.indirect.gather [hbm4b:s3+s7], $0x20, s12, s7, $0xb8;
	[tilespmem:$0x1F000] =	vst v63  }
0x148: {  	_ =	swait.ge [sflag:s11], $0x8000  }
0x149: {  	[sflag:s11] =	ssyncset.done $0x0  }
0x14a: {  	s12 =	rddreg [dreg:$0x1b];
	[sflag:s11] =	ssyncadd.s32 $0xFFFF8000  }
0x14b: {  	[spmem:s2] =	stream.indirect.scatter.add.f32 [tilespmem:s9], [sflag:$0x3], $0x20, s12, s7, $0xb8;
	[tilespmem:$0x1F000] =	vst v63  }
0x14c: {  	_ =	swait.ge [sflag:s4], $0x8000  }
0x14d: {  	[sflag:s4] =	ssyncset.done $0x0  }
0x14e: {  	[sflag:s4] =	ssyncadd.s32 $0xFFFF8000  }
0x14f: {  	_ =	swait.ge [sflag:s10], $0x8000  }
0x150: {  	[sflag:s10] =	ssyncset.done $0x0  }
0x151: {  	[sflag:s10] =	ssyncadd.s32 $0xFFFF8000  }
0x152: {  	[spmem:s2] =	stream.indirect.scatter.add.f32 [tilespmem:s8], [sflag:$0x3], $0x20, s18, s7, $0xb8;
	[tilespmem:$0x1F000] =	vst v63  }
0x153: {  	_ =	swait.ge [sflag:s4], $0x8000  }
0x154: {  	[sflag:s4] =	ssyncset.done $0x0  }
0x155: {  	[sflag:s4] =	ssyncadd.s32 $0xFFFF8000  }
0x156: {  	[tilespmem:s9], [sflag:$0x1] =	stream.indirect.gather [hbm4b:s3+s7], $0x20, s28, s7, $0xb8;
	[tilespmem:$0x1F000] =	vst v63  }
0x157: {  	_ = 	snop  }
0x158: {  	[tilespmem:s8], [sflag:$0x2] =	stream.indirect.gather [hbm4b:s3+s7], $0x20, s29, s7, $0xb8;
	[tilespmem:$0x1F000] =	vst v63  }
0x159: {  	_ =	swait.ge [sflag:s11], $0x8000  }
0x15a: {  	[sflag:s11] =	ssyncset.done $0x0  }
0x15b: {  	[sflag:s11] =	ssyncadd.s32 $0xFFFF8000  }
0x15c: {  	[spmem:s2] =	stream.indirect.scatter.add.f32 [tilespmem:s9], [sflag:$0x3], $0x20, s26, s7, $0xb8;
	[tilespmem:$0x1F000] =	vst v63  }
0x15d: {  	_ =	swait.ge [sflag:s4], $0x8000  }
0x15e: {  	[sflag:s4] =	ssyncset.done $0x0  }
0x15f: {  	[sflag:s4] =	ssyncadd.s32 $0xFFFF8000  }
0x160: {  	_ =	swait.ge [sflag:s10], $0x8000  }
0x161: {  	[sflag:s10] =	ssyncset.done $0x0  }
0x162: {  	[sflag:s10] =	ssyncadd.s32 $0xFFFF8000  }
0x163: {  	[spmem:s2] =	stream.indirect.scatter.add.f32 [tilespmem:s8], [sflag:$0x3], $0x20, s25, s7, $0xb8;
	[tilespmem:$0x1F000] =	vst v63  }
0x164: {  	_ =	swait.ge [sflag:s4], $0x8000  }
0x165: {  	[sflag:s4] =	ssyncset.done $0x0  }
0x166: {  	[sflag:s4] =	ssyncadd.s32 $0xFFFF8000  }
0x167: {  	[tilespmem:s9], [sflag:$0x1] =	stream.indirect.gather [hbm4b:s3+s7], $0x20, s23, s7, $0xb8;
	[tilespmem:$0x1F000] =	vst v63  }
0x168: {  	_ = 	snop  }
0x169: {  	[tilespmem:s8], [sflag:$0x2] =	stream.indirect.gather [hbm4b:s3+s7], $0x20, s24, s7, $0xb8;
	[tilespmem:$0x1F000] =	vst v63  }
0x16a: {  	_ =	swait.ge [sflag:s11], $0x8000  }
0x16b: {  	[sflag:s11] =	ssyncset.done $0x0  }
0x16c: {  	[sflag:s11] =	ssyncadd.s32 $0xFFFF8000  }
0x16d: {  	[spmem:s2] =	stream.indirect.scatter.add.f32 [tilespmem:s9], [sflag:$0x3], $0x20, s22, s7, $0xb8;
	[tilespmem:$0x1F000] =	vst v63  }
0x16e: {  	_ =	swait.ge [sflag:s4], $0x8000  }
0x16f: {  	[sflag:s4] =	ssyncset.done $0x0  }
0x170: {  	[sflag:s4] =	ssyncadd.s32 $0xFFFF8000  }
0x171: {  	_ =	swait.ge [sflag:s10], $0x8000  }
0x172: {  	[sflag:s10] =	ssyncset.done $0x0  }
0x173: {  	[sflag:s10] =	ssyncadd.s32 $0xFFFF8000  }
0x174: {  	[spmem:s2] =	stream.indirect.scatter.add.f32 [tilespmem:s8], [sflag:$0x3], $0x20, s21, s7, $0xb8;
	[tilespmem:$0x1F000] =	vst v63  }
0x175: {  	_ =	swait.ge [sflag:s4], $0x8000  }
0x176: {  	[sflag:s4] =	ssyncset.done $0x0  }
0x177: {  	s12 =	simm.s32 $0x4000;
	[sflag:s4] =	ssyncadd.s32 $0xFFFF8000  }
0x178: {  	[tilespmem:s9], [sflag:$0x1] =	stream.indirect.gather [hbm4b:s3+s7], $0x20, s12, s7, $0xb8;
	[tilespmem:$0x1F000] =	vst v63  }
0x179: {  	_ = 	snop  }
0x17a: {  	[tilespmem:s8], [sflag:$0x2] =	stream.indirect.gather [hbm4b:s3+s7], $0x20, s19, s7, $0xb8;
	[tilespmem:$0x1F000] =	vst v63  }
0x17b: {  	_ =	swait.ge [sflag:s11], $0x8000  }
0x17c: {  	[sflag:s11] =	ssyncset.done $0x0  }
0x17d: {  	[sflag:s11] =	ssyncadd.s32 $0xFFFF8000  }
0x17e: {  	[spmem:s2] =	stream.indirect.scatter.add.f32 [tilespmem:s9], [sflag:$0x3], $0x20, s20, s7, $0xb8;
	[tilespmem:$0x1F000] =	vst v63  }
0x17f: {  	_ =	swait.ge [sflag:s4], $0x8000  }
0x180: {  	[sflag:s4] =	ssyncset.done $0x0  }
0x181: {  	[sflag:s4] =	ssyncadd.s32 $0xFFFF8000  }
0x182: {  	_ =	swait.ge [sflag:s10], $0x8000  }
0x183: {  	[sflag:s10] =	ssyncset.done $0x0  }
0x184: {  	[sflag:s10] =	ssyncadd.s32 $0xFFFF8000  }
0x185: {  	[spmem:s2] =	stream.indirect.scatter.add.f32 [tilespmem:s8], [sflag:$0x3], $0x20, s17, s7, $0xb8;
	[tilespmem:$0x1F000] =	vst v63  }
0x186: {  	_ =	swait.ge [sflag:s4], $0x8000  }
0x187: {  	[sflag:s4] =	ssyncset.done $0x0  }
0x188: {  	[sflag:s4] =	ssyncadd.s32 $0xFFFF8000  }
0x189: {  	[tilespmem:s9], [sflag:$0x1] =	stream.indirect.gather [hbm4b:s3+s7], $0x20, s15, s7, $0xb8;
	[tilespmem:$0x1F000] =	vst v63  }
0x18a: {  	_ = 	snop  }
0x18b: {  	[tilespmem:s8], [sflag:$0x2] =	stream.indirect.gather [hbm4b:s3+s7], $0x20, s16, s7, $0xb8;
	[tilespmem:$0x1F000] =	vst v63  }
0x18c: {  	_ =	swait.ge [sflag:s11], $0x8000  }
0x18d: {  	[sflag:s11] =	ssyncset.done $0x0  }
0x18e: {  	[sflag:s11] =	ssyncadd.s32 $0xFFFF8000  }
0x18f: {  	[spmem:s2] =	stream.indirect.scatter.add.f32 [tilespmem:s9], [sflag:$0x3], $0x20, s14, s7, $0xb8;
	[tilespmem:$0x1F000] =	vst v63  }
0x190: {  	_ =	swait.ge [sflag:s4], $0x8000  }
0x191: {  	[sflag:s4] =	ssyncset.done $0x0  }
0x192: {  	[sflag:s4] =	ssyncadd.s32 $0xFFFF8000  }
0x193: {  	_ =	swait.ge [sflag:s10], $0x8000  }
0x194: {  	[sflag:s10] =	ssyncset.done $0x0  }
0x195: {  	[sflag:s10] =	ssyncadd.s32 $0xFFFF8000  }
0x196: {  	[spmem:s2] =	stream.indirect.scatter.add.f32 [tilespmem:s8], [sflag:$0x3], $0x20, s13, s7, $0xb8;
	[tilespmem:$0x1F000] =	vst v63  }
0x197: {  	_ =	swait.ge [sflag:s4], $0x8000  }
0x198: {  	[sflag:s4] =	ssyncset.done $0x0  }
0x199: {  	p1 =	sne.s32 s1, $0x1;
	[sflag:s4] =	ssyncadd.s32 $0xFFFF8000  }
.Ltmp2:
0x19a: {  	[bflag:$0x0] =	sbarrier.arrive $0xFFFF;
	(pc) =	sbr.rel @p1 .LBB2_4-.Ltmp2, $4  }
0x19b: {  	s12 =	rddreg [dreg:$0x7]  }
0x19c: {  	[hbm:s12], [sflag:s5] =	dma.local [spmem:s6], $0xA00  }
0x19d: {  	_ =	swait.ge [sflag:s4], $0xA00  }
0x19e: {  	s1 =	sadd.s32 $0xFFFFFFFF, s1;
	s0 =	rddreg [dreg:$0x5];
	[sflag:s4] =	ssyncset.done $0x0  }
0x19f: {  	s13 =	simm.s32 $0x7C00;
	s29 =	simm.s32 $0x3400  }
0x1a0: {  	s28 =	simm.s32 $0x3000;
	s26 =	simm.s32 $0x8000;
	s25 =	simm.s32 $0x8400  }
0x1a1: {  	s24 =	simm.s32 $0x3C00;
	s23 =	simm.s32 $0x3800;
	s22 =	simm.s32 $0x8800  }
0x1a2: {  	s21 =	simm.s32 $0x8C00;
	s20 =	simm.s32 $0x9000;
	s19 =	simm.s32 $0x4400  }
0x1a3: {  	s18 =	simm.s32 $0x4000;
	s17 =	simm.s32 $0x9400;
	s16 =	simm.s32 $0x4C00  }
0x1a4: {  	s15 =	simm.s32 $0x4800;
	s14 =	simm.s32 $0x9800;
	s12 =	stileid.u32  }
.LBB2_6:
0x1a5: {  	[sflag:s4] =	ssyncadd.s32 @p0 $0xFFFFF600  }
0x1a6: {  	[tilespmem:s30], [sflag:$0x3] =	stream.linear.gather [hbm4b:s0+s30], $0x5000, $0x38;
	[tilespmem:$0x1F000] =	vst v63  }
0x1a7: {  	_ =	swait.ge [sflag:s4], $0x5000  }
0x1a8: {  	[sflag:s4] =	ssyncset.done $0x0  }
0x1a9: {  	s1 =	rddreg [dreg:$0x6];
	[sflag:s4] =	ssyncadd.s32 $0xFFFFB000  }
0x1aa: {  	[tilespmem:s31], [sflag:$0x3] =	stream.linear.gather [hbm4b:s1+s30], $0x5000, $0x38;
	[tilespmem:$0x1F000] =	vst v63  }
0x1ab: {  	_ =	swait.ge [sflag:s4], $0x5000  }
0x1ac: {  	[sflag:s4] =	ssyncset.done $0x0  }
0x1ad: {  	s1 =	rddreg [dreg:$0x4];
	[sflag:s4] =	ssyncadd.s32 $0xFFFFB000  }
0x1ae: {  	[spmem:s6], [sflag:s5] =	dma.local [hbm:s1], $0xA00  }
0x1af: {  	_ =	swait.ge [sflag:s4], $0xA00  }
0x1b0: {  	[sflag:s4] =	ssyncset.done $0x0  }
0x1b1: {  	[sflag:s4] =	ssyncadd.s32 $0xFFFFF600  }
0x1b2: {  	[bflag:$0x0] =	sbarrier.arrive $0xFFFF  }
0x1b3: {  	[tilespmem:s9], [sflag:$0x1] =	stream.indirect.gather [hbm4b:s3+s7], $0x20, s30, s7, $0xb8;
	[tilespmem:$0x1F000] =	vst v63  }
0x1b4: {  	_ = 	snop  }
0x1b5: {  	[tilespmem:s8], [sflag:$0x2] =	stream.indirect.gather [hbm4b:s3+s7], $0x20, s7, s7, $0xb8;
	[tilespmem:$0x1F000] =	vst v63  }
0x1b6: {  	_ =	swait.ge [sflag:s11], $0x8000  }
0x1b7: {  	[sflag:s11] =	ssyncset.done $0x0  }
0x1b8: {  	[sflag:s11] =	ssyncadd.s32 $0xFFFF8000  }
0x1b9: {  	[spmem:s2] =	stream.indirect.scatter.add.f32 [tilespmem:s9], [sflag:$0x3], $0x20, s31, s7, $0xb8;
	[tilespmem:$0x1F000] =	vst v63  }
0x1ba: {  	_ =	swait.ge [sflag:s4], $0x8000  }
0x1bb: {  	[sflag:s4] =	ssyncset.done $0x0  }
0x1bc: {  	[sflag:s4] =	ssyncadd.s32 $0xFFFF8000  }
0x1bd: {  	_ =	swait.ge [sflag:s10], $0x8000  }
0x1be: {  	[sflag:s10] =	ssyncset.done $0x0  }
0x1bf: {  	s30 =	rddreg [dreg:$0x8];
	[sflag:s10] =	ssyncadd.s32 $0xFFFF8000  }
0x1c0: {  	[spmem:s2] =	stream.indirect.scatter.add.f32 [tilespmem:s8], [sflag:$0x3], $0x20, s30, s7, $0xb8;
	[tilespmem:$0x1F000] =	vst v63  }
0x1c1: {  	_ =	swait.ge [sflag:s4], $0x8000  }
0x1c2: {  	[sflag:s4] =	ssyncset.done $0x0  }
0x1c3: {  	s31 =	rddreg [dreg:$0x9];
	[sflag:s4] =	ssyncadd.s32 $0xFFFF8000  }
0x1c4: {  	[tilespmem:s9], [sflag:$0x1] =	stream.indirect.gather [hbm4b:s3+s7], $0x20, s31, s7, $0xb8;
	[tilespmem:$0x1F000] =	vst v63  }
0x1c5: {  	s1 =	rddreg [dreg:$0xa]  }
0x1c6: {  	[tilespmem:s8], [sflag:$0x2] =	stream.indirect.gather [hbm4b:s3+s7], $0x20, s1, s7, $0xb8;
	[tilespmem:$0x1F000] =	vst v63  }
0x1c7: {  	_ =	swait.ge [sflag:s11], $0x8000  }
0x1c8: {  	[sflag:s11] =	ssyncset.done $0x0  }
0x1c9: {  	s30 =	rddreg [dreg:$0xb];
	[sflag:s11] =	ssyncadd.s32 $0xFFFF8000  }
0x1ca: {  	[spmem:s2] =	stream.indirect.scatter.add.f32 [tilespmem:s9], [sflag:$0x3], $0x20, s30, s7, $0xb8;
	[tilespmem:$0x1F000] =	vst v63  }
0x1cb: {  	_ =	swait.ge [sflag:s4], $0x8000  }
0x1cc: {  	[sflag:s4] =	ssyncset.done $0x0  }
0x1cd: {  	[sflag:s4] =	ssyncadd.s32 $0xFFFF8000  }
0x1ce: {  	_ =	swait.ge [sflag:s10], $0x8000  }
0x1cf: {  	[sflag:s10] =	ssyncset.done $0x0  }
0x1d0: {  	s31 =	rddreg [dreg:$0xc];
	[sflag:s10] =	ssyncadd.s32 $0xFFFF8000  }
0x1d1: {  	[spmem:s2] =	stream.indirect.scatter.add.f32 [tilespmem:s8], [sflag:$0x3], $0x20, s31, s7, $0xb8;
	[tilespmem:$0x1F000] =	vst v63  }
0x1d2: {  	_ =	swait.ge [sflag:s4], $0x8000  }
0x1d3: {  	[sflag:s4] =	ssyncset.done $0x0  }
0x1d4: {  	s1 =	rddreg [dreg:$0xd];
	[sflag:s4] =	ssyncadd.s32 $0xFFFF8000  }
0x1d5: {  	[tilespmem:s9], [sflag:$0x1] =	stream.indirect.gather [hbm4b:s3+s7], $0x20, s1, s7, $0xb8;
	[tilespmem:$0x1F000] =	vst v63  }
0x1d6: {  	s30 =	rddreg [dreg:$0xe]  }
0x1d7: {  	[tilespmem:s8], [sflag:$0x2] =	stream.indirect.gather [hbm4b:s3+s7], $0x20, s30, s7, $0xb8;
	[tilespmem:$0x1F000] =	vst v63  }
0x1d8: {  	_ =	swait.ge [sflag:s11], $0x8000  }
0x1d9: {  	[sflag:s11] =	ssyncset.done $0x0  }
0x1da: {  	s31 =	rddreg [dreg:$0xf];
	[sflag:s11] =	ssyncadd.s32 $0xFFFF8000  }
0x1db: {  	[spmem:s2] =	stream.indirect.scatter.add.f32 [tilespmem:s9], [sflag:$0x3], $0x20, s31, s7, $0xb8;
	[tilespmem:$0x1F000] =	vst v63  }
0x1dc: {  	_ =	swait.ge [sflag:s4], $0x8000  }
0x1dd: {  	[sflag:s4] =	ssyncset.done $0x0  }
0x1de: {  	[sflag:s4] =	ssyncadd.s32 $0xFFFF8000  }
0x1df: {  	_ =	swait.ge [sflag:s10], $0x8000  }
0x1e0: {  	[sflag:s10] =	ssyncset.done $0x0  }
0x1e1: {  	s1 =	rddreg [dreg:$0x10];
	[sflag:s10] =	ssyncadd.s32 $0xFFFF8000  }
0x1e2: {  	[spmem:s2] =	stream.indirect.scatter.add.f32 [tilespmem:s8], [sflag:$0x3], $0x20, s1, s7, $0xb8;
	[tilespmem:$0x1F000] =	vst v63  }
0x1e3: {  	_ =	swait.ge [sflag:s4], $0x8000  }
0x1e4: {  	[sflag:s4] =	ssyncset.done $0x0  }
0x1e5: {  	s30 =	rddreg [dreg:$0x11];
	[sflag:s4] =	ssyncadd.s32 $0xFFFF8000  }
0x1e6: {  	[tilespmem:s9], [sflag:$0x1] =	stream.indirect.gather [hbm4b:s3+s7], $0x20, s30, s7, $0xb8;
	[tilespmem:$0x1F000] =	vst v63  }
0x1e7: {  	s31 =	rddreg [dreg:$0x12]  }
0x1e8: {  	[tilespmem:s8], [sflag:$0x2] =	stream.indirect.gather [hbm4b:s3+s7], $0x20, s31, s7, $0xb8;
	[tilespmem:$0x1F000] =	vst v63  }
0x1e9: {  	_ =	swait.ge [sflag:s11], $0x8000  }
0x1ea: {  	[sflag:s11] =	ssyncset.done $0x0  }
0x1eb: {  	s30 =	rddreg [dreg:$0x13];
	[sflag:s11] =	ssyncadd.s32 $0xFFFF8000  }
0x1ec: {  	[spmem:s2] =	stream.indirect.scatter.add.f32 [tilespmem:s9], [sflag:$0x3], $0x20, s30, s7, $0xb8;
	[tilespmem:$0x1F000] =	vst v63  }
0x1ed: {  	_ =	swait.ge [sflag:s4], $0x8000  }
0x1ee: {  	[sflag:s4] =	ssyncset.done $0x0  }
0x1ef: {  	[sflag:s4] =	ssyncadd.s32 $0xFFFF8000  }
0x1f0: {  	_ =	swait.ge [sflag:s10], $0x8000  }
0x1f1: {  	[sflag:s10] =	ssyncset.done $0x0  }
0x1f2: {  	s31 =	rddreg [dreg:$0x14];
	[sflag:s10] =	ssyncadd.s32 $0xFFFF8000  }
0x1f3: {  	[spmem:s2] =	stream.indirect.scatter.add.f32 [tilespmem:s8], [sflag:$0x3], $0x20, s31, s7, $0xb8;
	[tilespmem:$0x1F000] =	vst v63  }
0x1f4: {  	_ =	swait.ge [sflag:s4], $0x8000  }
0x1f5: {  	[sflag:s4] =	ssyncset.done $0x0  }
0x1f6: {  	s1 =	rddreg [dreg:$0x15];
	[sflag:s4] =	ssyncadd.s32 $0xFFFF8000  }
0x1f7: {  	[tilespmem:s9], [sflag:$0x1] =	stream.indirect.gather [hbm4b:s3+s7], $0x20, s1, s7, $0xb8;
	[tilespmem:$0x1F000] =	vst v63  }
0x1f8: {  	s30 =	rddreg [dreg:$0x16]  }
0x1f9: {  	[tilespmem:s8], [sflag:$0x2] =	stream.indirect.gather [hbm4b:s3+s7], $0x20, s30, s7, $0xb8;
	[tilespmem:$0x1F000] =	vst v63  }
0x1fa: {  	_ =	swait.ge [sflag:s11], $0x8000  }
0x1fb: {  	[sflag:s11] =	ssyncset.done $0x0  }
0x1fc: {  	s31 =	rddreg [dreg:$0x17];
	[sflag:s11] =	ssyncadd.s32 $0xFFFF8000  }
0x1fd: {  	[spmem:s2] =	stream.indirect.scatter.add.f32 [tilespmem:s9], [sflag:$0x3], $0x20, s31, s7, $0xb8;
	[tilespmem:$0x1F000] =	vst v63  }
0x1fe: {  	_ =	swait.ge [sflag:s4], $0x8000  }
0x1ff: {  	[sflag:s4] =	ssyncset.done $0x0  }
0x200: {  	[sflag:s4] =	ssyncadd.s32 $0xFFFF8000  }
0x201: {  	_ =	swait.ge [sflag:s10], $0x8000  }
0x202: {  	[sflag:s10] =	ssyncset.done $0x0  }
0x203: {  	s1 =	rddreg [dreg:$0x18];
	[sflag:s10] =	ssyncadd.s32 $0xFFFF8000  }
0x204: {  	[spmem:s2] =	stream.indirect.scatter.add.f32 [tilespmem:s8], [sflag:$0x3], $0x20, s1, s7, $0xb8;
	[tilespmem:$0x1F000] =	vst v63  }
0x205: {  	_ =	swait.ge [sflag:s4], $0x8000  }
0x206: {  	[sflag:s4] =	ssyncset.done $0x0  }
0x207: {  	s30 =	rddreg [dreg:$0x19];
	[sflag:s4] =	ssyncadd.s32 $0xFFFF8000  }
0x208: {  	[tilespmem:s9], [sflag:$0x1] =	stream.indirect.gather [hbm4b:s3+s7], $0x20, s30, s7, $0xb8;
	[tilespmem:$0x1F000] =	vst v63  }
0x209: {  	s31 =	rddreg [dreg:$0x1a]  }
0x20a: {  	[tilespmem:s8], [sflag:$0x2] =	stream.indirect.gather [hbm4b:s3+s7], $0x20, s31, s7, $0xb8;
	[tilespmem:$0x1F000] =	vst v63  }
0x20b: {  	_ =	swait.ge [sflag:s11], $0x8000  }
0x20c: {  	[sflag:s11] =	ssyncset.done $0x0  }
0x20d: {  	s1 =	rddreg [dreg:$0x1b];
	[sflag:s11] =	ssyncadd.s32 $0xFFFF8000  }
0x20e: {  	[spmem:s2] =	stream.indirect.scatter.add.f32 [tilespmem:s9], [sflag:$0x3], $0x20, s1, s7, $0xb8;
	[tilespmem:$0x1F000] =	vst v63  }
0x20f: {  	_ =	swait.ge [sflag:s4], $0x8000  }
0x210: {  	[sflag:s4] =	ssyncset.done $0x0  }
0x211: {  	[sflag:s4] =	ssyncadd.s32 $0xFFFF8000  }
0x212: {  	_ =	swait.ge [sflag:s10], $0x8000  }
0x213: {  	[sflag:s10] =	ssyncset.done $0x0  }
0x214: {  	[sflag:s10] =	ssyncadd.s32 $0xFFFF8000  }
0x215: {  	[spmem:s2] =	stream.indirect.scatter.add.f32 [tilespmem:s8], [sflag:$0x3], $0x20, s13, s7, $0xb8;
	[tilespmem:$0x1F000] =	vst v63  }
0x216: {  	_ =	swait.ge [sflag:s4], $0x8000  }
0x217: {  	[sflag:s4] =	ssyncset.done $0x0  }
0x218: {  	[sflag:s4] =	ssyncadd.s32 $0xFFFF8000  }
0x219: {  	[tilespmem:s9], [sflag:$0x1] =	stream.indirect.gather [hbm4b:s3+s7], $0x20, s28, s7, $0xb8;
	[tilespmem:$0x1F000] =	vst v63  }
0x21a: {  	_ = 	snop  }
0x21b: {  	[tilespmem:s8], [sflag:$0x2] =	stream.indirect.gather [hbm4b:s3+s7], $0x20, s29, s7, $0xb8;
	[tilespmem:$0x1F000] =	vst v63  }
0x21c: {  	_ =	swait.ge [sflag:s11], $0x8000  }
0x21d: {  	[sflag:s11] =	ssyncset.done $0x0  }
0x21e: {  	[sflag:s11] =	ssyncadd.s32 $0xFFFF8000  }
0x21f: {  	[spmem:s2] =	stream.indirect.scatter.add.f32 [tilespmem:s9], [sflag:$0x3], $0x20, s26, s7, $0xb8;
	[tilespmem:$0x1F000] =	vst v63  }
0x220: {  	_ =	swait.ge [sflag:s4], $0x8000  }
0x221: {  	[sflag:s4] =	ssyncset.done $0x0  }
0x222: {  	[sflag:s4] =	ssyncadd.s32 $0xFFFF8000  }
0x223: {  	_ =	swait.ge [sflag:s10], $0x8000  }
0x224: {  	[sflag:s10] =	ssyncset.done $0x0  }
0x225: {  	[sflag:s10] =	ssyncadd.s32 $0xFFFF8000  }
0x226: {  	[spmem:s2] =	stream.indirect.scatter.add.f32 [tilespmem:s8], [sflag:$0x3], $0x20, s25, s7, $0xb8;
	[tilespmem:$0x1F000] =	vst v63  }
0x227: {  	_ =	swait.ge [sflag:s4], $0x8000  }
0x228: {  	[sflag:s4] =	ssyncset.done $0x0  }
0x229: {  	[sflag:s4] =	ssyncadd.s32 $0xFFFF8000  }
0x22a: {  	[tilespmem:s9], [sflag:$0x1] =	stream.indirect.gather [hbm4b:s3+s7], $0x20, s23, s7, $0xb8;
	[tilespmem:$0x1F000] =	vst v63  }
0x22b: {  	_ = 	snop  }
0x22c: {  	[tilespmem:s8], [sflag:$0x2] =	stream.indirect.gather [hbm4b:s3+s7], $0x20, s24, s7, $0xb8;
	[tilespmem:$0x1F000] =	vst v63  }
0x22d: {  	_ =	swait.ge [sflag:s11], $0x8000  }
0x22e: {  	[sflag:s11] =	ssyncset.done $0x0  }
0x22f: {  	[sflag:s11] =	ssyncadd.s32 $0xFFFF8000  }
0x230: {  	[spmem:s2] =	stream.indirect.scatter.add.f32 [tilespmem:s9], [sflag:$0x3], $0x20, s22, s7, $0xb8;
	[tilespmem:$0x1F000] =	vst v63  }
0x231: {  	_ =	swait.ge [sflag:s4], $0x8000  }
0x232: {  	[sflag:s4] =	ssyncset.done $0x0  }
0x233: {  	[sflag:s4] =	ssyncadd.s32 $0xFFFF8000  }
0x234: {  	_ =	swait.ge [sflag:s10], $0x8000  }
0x235: {  	[sflag:s10] =	ssyncset.done $0x0  }
0x236: {  	[sflag:s10] =	ssyncadd.s32 $0xFFFF8000  }
0x237: {  	[spmem:s2] =	stream.indirect.scatter.add.f32 [tilespmem:s8], [sflag:$0x3], $0x20, s21, s7, $0xb8;
	[tilespmem:$0x1F000] =	vst v63  }
0x238: {  	_ =	swait.ge [sflag:s4], $0x8000  }
0x239: {  	[sflag:s4] =	ssyncset.done $0x0  }
0x23a: {  	[sflag:s4] =	ssyncadd.s32 $0xFFFF8000  }
0x23b: {  	[tilespmem:s9], [sflag:$0x1] =	stream.indirect.gather [hbm4b:s3+s7], $0x20, s18, s7, $0xb8;
	[tilespmem:$0x1F000] =	vst v63  }
0x23c: {  	_ = 	snop  }
0x23d: {  	[tilespmem:s8], [sflag:$0x2] =	stream.indirect.gather [hbm4b:s3+s7], $0x20, s19, s7, $0xb8;
	[tilespmem:$0x1F000] =	vst v63  }
0x23e: {  	_ =	swait.ge [sflag:s11], $0x8000  }
0x23f: {  	[sflag:s11] =	ssyncset.done $0x0  }
0x240: {  	[sflag:s11] =	ssyncadd.s32 $0xFFFF8000  }
0x241: {  	[spmem:s2] =	stream.indirect.scatter.add.f32 [tilespmem:s9], [sflag:$0x3], $0x20, s20, s7, $0xb8;
	[tilespmem:$0x1F000] =	vst v63  }
0x242: {  	_ =	swait.ge [sflag:s4], $0x8000  }
0x243: {  	[sflag:s4] =	ssyncset.done $0x0  }
0x244: {  	[sflag:s4] =	ssyncadd.s32 $0xFFFF8000  }
0x245: {  	_ =	swait.ge [sflag:s10], $0x8000  }
0x246: {  	[sflag:s10] =	ssyncset.done $0x0  }
0x247: {  	[sflag:s10] =	ssyncadd.s32 $0xFFFF8000  }
0x248: {  	[spmem:s2] =	stream.indirect.scatter.add.f32 [tilespmem:s8], [sflag:$0x3], $0x20, s17, s7, $0xb8;
	[tilespmem:$0x1F000] =	vst v63  }
0x249: {  	_ =	swait.ge [sflag:s4], $0x8000  }
0x24a: {  	[sflag:s4] =	ssyncset.done $0x0  }
0x24b: {  	[sflag:s4] =	ssyncadd.s32 $0xFFFF8000  }
0x24c: {  	[tilespmem:s9], [sflag:$0x1] =	stream.indirect.gather [hbm4b:s3+s7], $0x20, s15, s7, $0xb8;
	[tilespmem:$0x1F000] =	vst v63  }
0x24d: {  	_ = 	snop  }
0x24e: {  	[tilespmem:s8], [sflag:$0x2] =	stream.indirect.gather [hbm4b:s3+s7], $0x20, s16, s7, $0xb8;
	[tilespmem:$0x1F000] =	vst v63  }
0x24f: {  	_ =	swait.ge [sflag:s11], $0x8000  }
0x250: {  	[sflag:s11] =	ssyncset.done $0x0  }
0x251: {  	[sflag:s11] =	ssyncadd.s32 $0xFFFF8000  }
0x252: {  	[spmem:s2] =	stream.indirect.scatter.add.f32 [tilespmem:s9], [sflag:$0x3], $0x20, s14, s7, $0xb8;
	[tilespmem:$0x1F000] =	vst v63  }
0x253: {  	_ =	swait.ge [sflag:s4], $0x8000  }
0x254: {  	[sflag:s4] =	ssyncset.done $0x0  }
0x255: {  	[sflag:s4] =	ssyncadd.s32 $0xFFFF8000  }
0x256: {  	_ =	swait.ge [sflag:s10], $0x8000  }
0x257: {  	[sflag:s10] =	ssyncset.done $0x0  }
0x258: {  	s30 =	simm.s32 $0x9C00;
	[sflag:s10] =	ssyncadd.s32 $0xFFFF8000  }
0x259: {  	[spmem:s2] =	stream.indirect.scatter.add.f32 [tilespmem:s8], [sflag:$0x3], $0x20, s30, s7, $0xb8;
	[tilespmem:$0x1F000] =	vst v63  }
0x25a: {  	_ =	swait.ge [sflag:s4], $0x8000  }
0x25b: {  	[sflag:s4] =	ssyncset.done $0x0  }
0x25c: {  	[sflag:s4] =	ssyncadd.s32 $0xFFFF8000  }
0x25d: {  	[bflag:$0x0] =	sbarrier.arrive $0xFFFF  }
0x25e: {  	s31 =	rddreg [dreg:$0x7]  }
0x25f: {  	[hbm:s31], [sflag:s5] =	dma.local [spmem:s6], $0xA00  }
0x260: {  	_ =	swait.ge [sflag:s4], $0xA00  }
0x261: {  	[sflag:s4] =	ssyncset.done $0x0  }
0x262: {  	[sflag:s4] =	ssyncadd.s32 $0xFFFFF600  }
0x263: {  	_ =	sfence.sel $0x180000  }
0x264: {  	[bflag:$0x0] =	sbarrier.arrive $0xFFFF  }
0x265: {  	_ =	strace $0x9000004A  }
0x266: {  	[bflag:$0x2] =	sbarrier.arrive $0xFFFF  }
0x267: {  	p0 =	sne.s32 s12, $0x0;
	s0 =	rddreg [dreg:$0x3]  }
0x268: {  	s0 =	sadd.s32 @!p0 $0x100000, s0  }
0x269: {  	[sflag:s0] =	ssyncadd.tile.s32 @!p0 $0x1;
	_ =	shalt  }
.LBB2_1:
0x26a: {  	s13 =	simm.s32 $0x7C00;
	s29 =	simm.s32 $0x3400  }
.Ltmp3:
0x26b: {  	s28 =	simm.s32 $0x3000;
	s26 =	simm.s32 $0x8000;
	(pc) =	sbr.rel .LBB2_6-.Ltmp3, $4  }
0x26c: {  	s25 =	simm.s32 $0x8400;
	s24 =	simm.s32 $0x3C00;
	s23 =	simm.s32 $0x3800  }
0x26d: {  	s22 =	simm.s32 $0x8800;
	s21 =	simm.s32 $0x8C00;
	s20 =	simm.s32 $0x9000  }
0x26e: {  	s19 =	simm.s32 $0x4400;
	s18 =	simm.s32 $0x4000;
	s17 =	simm.s32 $0x9400  }
0x26f: {  	s16 =	simm.s32 $0x4C00;
	s15 =	simm.s32 $0x4800;
	s14 =	simm.s32 $0x9800  }
.LBB2_3:
0x270: {  	s13 =	simm.s32 $0x7C00;
	s29 =	simm.s32 $0x3400;
	s28 =	simm.s32 $0x3000  }
.Ltmp4:
0x271: {  	s26 =	simm.s32 $0x8000;
	s25 =	simm.s32 $0x8400;
	(pc) =	sbr.rel .LBB2_6-.Ltmp4, $4  }
0x272: {  	s24 =	simm.s32 $0x3C00;
	s23 =	simm.s32 $0x3800;
	s22 =	simm.s32 $0x8800  }
0x273: {  	s21 =	simm.s32 $0x8C00;
	s20 =	simm.s32 $0x9000;
	s19 =	simm.s32 $0x4400  }
0x274: {  	s18 =	simm.s32 $0x4000;
	s17 =	simm.s32 $0x9400;
	s16 =	simm.s32 $0x4C00  }
0x275: {  	s15 =	simm.s32 $0x4800;
	s14 =	simm.s32 $0x9800;
	s12 =	stileid.u32  }
.Lfunc_end2:
_tile_overlayer_lowered:
.L_overlay_start_2:
0x276: {  	(tag) =	ssettag $0x2  }
0x277: {  	s0 =	rddreg [dreg:$0x0];
	s2 =	stileid.u32  }
0x278: {  	s1 =	rddreg [dreg:$0x1];
	p0 =	sne.s32 s2, $0x0  }
0x279: {  	s3 =	rddreg [dreg:$0x2];
	[bflag:$0x3] =	sbarrier.arrive $0xFFFF;
	s2 =	simm.s32 @!p0 $0x1C03  }
0x27a: {  	[timem:s3], [sflag:s2] =	dma.local @!p0 [hbm:s0], s1  }
0x27b: {  	s0 =	simm.s32 @!p0 $0x3  }
0x27c: {  	_ =	swait.ge @!p0 [sflag:s0], s1  }
0x27d: {  	s1 =	ssub.s32 @!p0 $0x0, s1;
	[sflag:s0] =	ssyncset.done @!p0 $0x0  }
0x27e: {  	[sflag:s0] =	ssyncadd.s32 @!p0 s1  }
0x27f: {  	[bflag:$0x3] =	sbarrier.arrive $0xFFFF  }
0x280: {  	_ =	shalt  }

// kernel: kernel.17.cloned.1.call-start
scs
__scs_entry_jumppad:
0x0: {  	(pc) =	sbr.rel $0x88, $3  }
0x1: {  	(tag) =	ssettag $0x0;
	lr =	simm.s32 $0x1  }
0x2: {  	[smem:$0x3F93] =	sst lr;
	_ =	strace $0xD0000000  }
0x3: {  	_ = 	snop  }
0x4: {  	_ = 	snop  }
0x5: {  	_ = 	snop  }
0x6: {  	_ = 	snop  }
0x7: {  	_ = 	snop  }
__scs_overlays_trampoline_lowered:
0x8: {  	[smem:$0x3FA2] =	sst s0  }
0x9: {  	[smem:$0x3FA3] =	sst s1  }
0xa: {  	[smem:$0x3FA4] =	sst s2  }
0xb: {  	[smem:$0x3FA5] =	sst s3  }
0xc: {  	[smem:$0x3FA6] =	sst s4  }
0xd: {  	[smem:$0x3FA7] =	sst s5  }
0xe: {  	[smem:$0x3FA8] =	sst s6  }
0xf: {  	[smem:$0x3FA9] =	sst s7  }
0x10: {  	[smem:$0x3FAA] =	sst s8  }
0x11: {  	[smem:$0x3FAB] =	sst s9;
	s0 =	simm.s32 @!p0 $0x0  }
0x12: {  	s1 =	sld [smem:$0x3F91];
	s0 =	simm.s32 @p0 $0x1  }
0x13: {  	[smem:$0x3FAC] =	sst s0;
	s0 =	simm.s32 @!p1 $0x0  }
0x14: {  	s2 =	sld [smem:$0x3F90];
	s0 =	simm.s32 @p1 $0x1  }
0x15: {  	[smem:$0x3FAD] =	sst s0;
	s0 =	simm.s32 @!p2 $0x0  }
0x16: {  	s3 =	sld [smem:$0x3FDB];
	s0 =	simm.s32 @p2 $0x1  }
0x17: {  	s4 =	simm.s32 $0x1BF5;
	[smem:$0x3FAF] =	sst s0  }
0x18: {  	s0 =	sld [smem:$0x3F92];
	_ =	swait.ge [sflag:s4], $0x0  }
0x19: {  	s7 =	sld [smem:$0x3F93]  }
0x1a: {  	s8 =	sadd.s32 $0xFFFFE003, lr  }
0x1b: {  	s9 =	sadd.s32 $0xFFFFFEF7, lr;
	s5 =	simm.s32 $0xFFFFFFFF;
	p2 =	slt.u32 s8, $0xFFFFF086  }
0x1c: {  	p1 =	slt.u32 s9, $0xF7A;
	s5 =	simm.s32 @!p2 $0x0  }
0x1d: {  	s5 =	simm.s32 @p1 $0x1;
	p0 =	seq.s32 s7, s2  }
0x1e: {  	s7 =	smul.u32 @!p0 $0xF7A, s2;
	p2 =	seq.s32 @!p0 s5, $0x0  }
0x1f: {  	s9 =	smul.u32 $0xF7A, s1;
	s8 =	simm.s32 @!p0 $0x1BF5;
	p2 =	por !p2, p0  }
0x20: {  	[sflag:s8] =	ssyncset.s32 @!p0 $0xFFFFF086;
	s6 =	sadd.s32 @!p0 s3, s7;
	s7 =	simm.s32 @!p0 $0x108  }
0x21: {  	s3 =	sadd.s32 s3, s9;
	s6 =	sadd.s32 @!p0 $0x88, s6;
	s7 =	simm.s32 @p2 $0x1082  }
0x22: {  	[simem:s7], [sflag:s8] =	dma.local @!p0 [hbm:s6], $0xF7A  }
0x23: {  	s9 =	sor.u32 $0xD0000000, s2;
	s6 =	simm.s32 $0x108;
	_ =	swait.ge @!p0 [sflag:s8], $0x0  }
0x24: {  	s3 =	sadd.s32 $0x88, s3;
	s6 =	simm.s32 @!p1 $0x1082;
	[sflag:s4] =	ssyncset.s32 $0xFFFFF086  }
0x25: {  	[simem:s6], [sflag:s4] =	dma.local [hbm:s3], $0xF7A  }
0x26: {  	[smem:$0x3F93] =	sst s1;
	(tag) =	ssettag s2;
	_ =	strace s9  }
0x27: {  	s1 =	sld [smem:$0x3FA3]  }
0x28: {  	s2 =	sld [smem:$0x3FA4]  }
0x29: {  	s4 =	sld [smem:$0x3FA6]  }
0x2a: {  	p0 =	seq.s32 s5, $0x0;
	s5 =	sld [smem:$0x3FA7]  }
0x2b: {  	s6 =	sld [smem:$0x3FA8]  }
0x2c: {  	s7 =	sld [smem:$0x3FA9]  }
0x2d: {  	s3 =	simm.s32 $0x108;
	s8 =	sld [smem:$0x3FAA]  }
0x2e: {  	s3 =	simm.s32 @!p0 $0x1082;
	s9 =	sld [smem:$0x3FAB]  }
0x2f: {  	lr =	sadd.s32 s0, s3;
	s0 =	sld [smem:$0x3FA2]  }
0x30: {  	s3 =	sld [smem:$0x3FA5]  }
0x31: {  	[smem:$0x3FAE] =	sst s10  }
0x32: {  	s10 =	sld [smem:$0x3FAC];
	_ =	sdelay $0x3  }
0x33: {  	p0 =	seq.s32 s10, $0x1;
	s10 =	sld [smem:$0x3FAE];
	_ =	sdelay $0x3  }
0x34: {  	[smem:$0x3FAE] =	sst s10  }
0x35: {  	s10 =	sld [smem:$0x3FAD];
	_ =	sdelay $0x3  }
0x36: {  	p1 =	seq.s32 s10, $0x1;
	s10 =	sld [smem:$0x3FAE];
	_ =	sdelay $0x3  }
0x37: {  	[smem:$0x3FAE] =	sst s10  }
0x38: {  	s10 =	sld [smem:$0x3FAF]  }
0x39: {  	_ = 	snop;
	(pc) =	sbr.ind lr, $3  }
0x3a: {  	_ = 	snop  }
0x3b: {  	_ = 	snop  }
0x3c: {  	p2 =	seq.s32 s10, $0x1;
	s10 =	sld [smem:$0x3FAE]  }
0x3d: {  	_ =	shalt  }
0x3e: {  	_ =	shalt  }
0x3f: {  	_ =	shalt  }
0x40: {  	_ =	shalt  }
0x41: {  	_ =	shalt  }
0x42: {  	_ =	shalt  }
0x43: {  	_ =	shalt  }
0x44: {  	_ =	shalt  }
0x45: {  	_ =	shalt  }
0x46: {  	_ =	shalt  }
0x47: {  	_ =	shalt  }
0x48: {  	_ =	shalt  }
0x49: {  	_ =	shalt  }
0x4a: {  	_ =	shalt  }
0x4b: {  	_ =	shalt  }
0x4c: {  	_ =	shalt  }
0x4d: {  	_ =	shalt  }
0x4e: {  	_ =	shalt  }
0x4f: {  	_ =	shalt  }
0x50: {  	_ =	shalt  }
0x51: {  	_ =	shalt  }
0x52: {  	_ =	shalt  }
0x53: {  	_ =	shalt  }
0x54: {  	_ =	shalt  }
0x55: {  	_ =	shalt  }
0x56: {  	_ =	shalt  }
0x57: {  	_ =	shalt  }
0x58: {  	_ =	shalt  }
0x59: {  	_ =	shalt  }
0x5a: {  	_ =	shalt  }
0x5b: {  	_ =	shalt  }
0x5c: {  	_ =	shalt  }
0x5d: {  	_ =	shalt  }
0x5e: {  	_ =	shalt  }
0x5f: {  	_ =	shalt  }
0x60: {  	_ =	shalt  }
0x61: {  	_ =	shalt  }
0x62: {  	_ =	shalt  }
0x63: {  	_ =	shalt  }
0x64: {  	_ =	shalt  }
0x65: {  	_ =	shalt  }
0x66: {  	_ =	shalt  }
0x67: {  	_ =	shalt  }
0x68: {  	_ =	shalt  }
0x69: {  	_ =	shalt  }
0x6a: {  	_ =	shalt  }
0x6b: {  	_ =	shalt  }
0x6c: {  	_ =	shalt  }
0x6d: {  	_ =	shalt  }
0x6e: {  	_ =	shalt  }
0x6f: {  	_ =	shalt  }
0x70: {  	_ =	shalt  }
0x71: {  	_ =	shalt  }
0x72: {  	_ =	shalt  }
0x73: {  	_ =	shalt  }
0x74: {  	_ =	shalt  }
0x75: {  	_ =	shalt  }
0x76: {  	_ =	shalt  }
0x77: {  	_ =	shalt  }
0x78: {  	_ =	shalt  }
0x79: {  	_ =	shalt  }
0x7a: {  	_ =	shalt  }
0x7b: {  	_ =	shalt  }
0x7c: {  	_ =	shalt  }
0x7d: {  	_ =	shalt  }
0x7e: {  	_ =	shalt  }
0x7f: {  	_ =	shalt  }
0x80: {  	_ =	shalt  }
0x81: {  	_ =	shalt  }
0x82: {  	_ =	shalt  }
0x83: {  	_ =	shalt  }
0x84: {  	_ =	shalt  }
0x85: {  	_ =	shalt  }
0x86: {  	_ =	shalt  }
0x87: {  	_ =	shalt  }
.Lfunc_end0:
.L_simem_size_0:
called_computation.2_lowered:
.L_overlay_start_0:
0x88: {  	s2 =	sld [smem:$0x3FD9]  }
0x89: {  	s3 =	sld [smem:$0x3FFE];
	_ =	sdelay $0x1  }
0x8a: {  	s1 =	srdreg.scid  }
0x8b: {  	s0 =	sand.u32 $0x1, s1  }
0x8c: {  	s17 =	sshll.u32 s0, $0xA;
	s2 =	sadd.s32 s3, s2  }
0x8d: {  	s2 =	sadd.s32 s2, s17  }
0x8e: {  	[smem:$0x3FBA] =	sst s2  }
0x8f: {  	_ = 	snop  }
0x90: {  	s2 =	sld [smem:$0x3FD0];
	(tm) =	ssettm $0x1  }
0x91: {  	s18 =	sld [smem:$0x3FFB];
	_ =	sdelay $0x3  }
0x92: {  	_ =	strace s18  }
0x93: {  	s3 =	sld [smem:$0x3FFC];
	_ =	sdelay $0x3  }
0x94: {  	_ =	strace s3  }
0x95: {  	s3 =	sld [smem:$0x3FFD];
	_ =	sdelay $0x3  }
0x96: {  	_ =	strace s3  }
0x97: {  	_ =	strace $0x8FFFFFFF  }
0x98: {  	s19 =	sld [smem:$0x3FDB];
	_ =	sdelay $0x1  }
0x99: {  	s4 =	simm.s32 $_scs_section_size  }
0x9a: {  	s5 =	simm.s32 $_size__tile_overlayer_lowered;
	s6 =	simm.s32 $_tile_overlayer_lowered  }
0x9b: {  	s22 =	simm.s32 $0x1BFF;
	s21 =	sshll.u32 s6, $0x1;
	s3 =	sadd.s32 s4, s19  }
0x9c: {  	s7 =	simm.s32 $0x0;
	s20 =	sshll.u32 s5, $0x1;
	s5 =	sadd.s32 s21, s3  }
0x9d: {  	[timem:s7], [sflag:s22] =	dma.local [hbm:s5], s20  }
0x9e: {  	_ =	swait.ge [sflag:s22], s20  }
0x9f: {  	s4 =	ssub.s32 $0x0, s20;
	[sflag:s22] =	ssyncset.done $0x0  }
0xa0: {  	[sflag:s22] =	ssyncadd.s32 s4;
	_ =	sdelay $0x1  }
0xa1: {  	s23 =	simm.s32 $0x1B8B  }
0xa2: {  	_ =	swait.ge [sflag:s23], $0x1  }
0xa3: {  	[sflag:s23] =	ssyncset.done $0x0  }
0xa4: {  	s25 =	simm.s32 $0x1B8E;
	s24 =	sld [smem:$0x3FFE];
	[sflag:s23] =	ssyncadd.s32 $0xFFFFFFFF  }
0xa5: {  	s26 =	simm.s32 $execute0_lowered;
	[smem:$0x3FD2] =	sst s25  }
0xa6: {  	s5 =	sshll.u32 s26, $0x1;
	_ =	strace $0x8000004C;
	[dreg:$0x1] =	wrdreg $0xFFFFFFFF  }
0xa7: {  	s28 =	simm.s32 $_size_execute0_lowered;
	s3 =	sadd.s32 s3, s5;
	[dreg:$0x0] =	wrdreg $0x0  }
0xa8: {  	s5 =	sshll.u32 s28, $0x1;
	[dreg:$0x2] =	wrdreg s3  }
0xa9: {  	[dreg:$0x3] =	wrdreg s5  }
0xaa: {  	[dreg:$0x4] =	wrdreg $0xC0  }
0xab: {  	_ =	task [dreg:s7], $0x5FFFF  }
0xac: {  	[dreg:$0x1] =	wrdreg $0xFFFFFFFF  }
0xad: {  	[dreg:$0x0] =	wrdreg $0x60  }
0xae: {  	[dreg:$0x2] =	wrdreg s2  }
0xaf: {  	[dreg:$0x3] =	wrdreg s24  }
0xb0: {  	[dreg:$0x4] =	wrdreg $0x1A0000  }
0xb1: {  	[dreg:$0x5] =	wrdreg $0x9  }
0xb2: {  	_ =	task.clear_ibuf [dreg:s7], $0x6FFFF;
	_ =	strace $0x9000004C  }
0xb3: {  	s29 =	simm.s32 $0x9;
	_ =	strace $0x8000004E  }
0xb4: {  	_ =	swait.ge [sflag:s29], $0x1  }
0xb5: {  	[sflag:s29] =	ssyncadd.s32 $0xFFFFFFFF  }
0xb6: {  	_ =	strace $0x9000004E  }
0xb7: {  	_ =	sfence  }
0xb8: {  	s30 =	sld [smem:$0x0];
	_ =	sdelay $0x2  }
0xb9: {  	s31 =	sshll.u32 s1, $0xD;
	s1 =	sshrl.u32 s1, $0x2  }
0xba: {  	s3 =	sand.u32 $0x4000, s31;
	s1 =	sadd.s32 s1, s30  }
0xbb: {  	s0 =	sor.u32 s3, s0;
	s1 =	sshll.u32 s1, $0x11  }
0xbc: {  	s0 =	sor.u32 s1, s0  }
0xbd: {  	s0 =	sadd.s32 $0x8F2B, s0  }
0xbe: {  	[sflag:s0] =	ssyncadd.remote.s32 $0x1  }
0xbf: {  	_ =	sfence.sel $0xFFFF  }
0xc0: {  	[dreg:$0x0] =	wrdreg $0xFFFFFFFF;
	(pc) =	sbr.abs _section_cstart, $3  }
0xc1: {  	[dreg:$0x1] =	wrdreg $0xFFFFFFFF  }
0xc2: {  	_ =	task.clear_ibuf [dreg:s7], $0x2FFFF;
	_ =	strace $0x9FFFFFFF  }
0xc3: {  	(tm) =	ssettm $0x7FFFFFFF  }
tec
execute0_lowered:
.L_overlay_start_1:
0x0: {  	(tag) =	ssettag $0x1  }
0x1: {  	s3 =	rddreg [dreg:$0x0]  }
0x2: {  	s1 =	rddreg [dreg:$0x1]  }
0x3: {  	s2 =	rddreg [dreg:$0x2];
	s30 =	simm.s32 $0x0  }
0x4: {  	[smem:$0x7FF] =	sst s30;
	s7 =	sadd.s32 $0x7B200, s1  }
0x5: {  	s24 =	simm.s32 $0x5400;
	_ =	strace $0x8000004D;
	[dreg:$0x4] =	wrdreg s7  }
0x6: {  	s25 =	simm.s32 $0x800;
	[dreg:$0x8] =	wrdreg s24  }
0x7: {  	s0 =	srdreg.scid;
	s26 =	simm.s32 $0xC00;
	[dreg:$0x9] =	wrdreg s25  }
0x8: {  	s12 =	stileid.u32;
	s8 =	simm.s32 $0x1400;
	[dreg:$0xa] =	wrdreg s26  }
0x9: {  	s10 =	simm.s32 $0x6000;
	s11 =	simm.s32 $0x6400;
	[dreg:$0xe] =	wrdreg s8  }
0xa: {  	s14 =	simm.s32 $0x1800;
	s16 =	simm.s32 $0x1C00;
	[dreg:$0xf] =	wrdreg s10  }
0xb: {  	s17 =	simm.s32 $0x6800;
	s18 =	simm.s32 $0x6C00;
	[dreg:$0x10] =	wrdreg s11  }
0xc: {  	s31 =	simm.s32 $0x5000;
	s19 =	simm.s32 $0x2000;
	[dreg:$0x11] =	wrdreg s14  }
0xd: {  	s21 =	simm.s32 $0x2400;
	s22 =	simm.s32 $0x7000;
	[dreg:$0x12] =	wrdreg s16  }
0xe: {  	s28 =	simm.s32 $0x3000;
	s29 =	simm.s32 $0x3400;
	[dreg:$0x13] =	wrdreg s17  }
0xf: {  	p0 =	por $0x0, $0x0;
	s5 =	smul.u32 $0xA00, s12;
	[dreg:$0x14] =	wrdreg s18  }
0x10: {  	s0 =	sand.u32 $0x1, s0;
	s9 =	smul.u32 $0x14000, s12;
	[dreg:$0x15] =	wrdreg s19  }
0x11: {  	s20 =	sshll.u32 s12, $0x6;
	s4 =	sshll.u32 s0, $0x4;
	[dreg:$0x16] =	wrdreg s21  }
0x12: {  	s6 =	sxor.u32 $0x1, s0;
	s0 =	ssub.s32 $0x2, s0;
	[dreg:$0x17] =	wrdreg s22  }
0x13: {  	s24 =	simm.s32 $0x2800;
	s25 =	simm.s32 $0x2C00;
	s8 =	simm.s32 $0x12000  }
0x14: {  	s26 =	simm.s32 $0x7800;
	s11 =	simm.s32 $0x1;
	s10 =	simm.s32 $0x2  }
0x15: {  	s18 =	simm.s32 $0x7C00;
	s22 =	simm.s32 $0x8800;
	s21 =	simm.s32 $0x8C00  }
0x16: {  	s19 =	simm.s32 $0x4400;
	s17 =	simm.s32 $0x9400;
	s16 =	simm.s32 $0x4C00  }
0x17: {  	s14 =	simm.s32 $0x9800;
	s4 =	sor.u32 s12, s4;
	[dreg:$0x19] =	wrdreg s24  }
0x18: {  	s6 =	smul.u32 $0xA000, s6;
	s7 =	sshrl.u32 s0, $0x1;
	[dreg:$0x1a] =	wrdreg s25  }
0x19: {  	s13 =	sshrl.u32 s9, $0x2;
	s9 =	simm.s32 $0xA000;
	[dreg:$0x1b] =	wrdreg s26  }
0x1a: {  	s26 =	simm.s32 $0x8000;
	s25 =	simm.s32 $0x8400;
	s24 =	simm.s32 $0x3C00  }
0x1b: {  	s4 =	smul.u32 $0xA00, s4;
	s0 =	ssub.s32 s0, s7;
	s15 =	sadd.s32 s13, s2  }
0x1c: {  	s7 =	simm.s32 $0x400;
	s13 =	simm.s32 $0x9C00;
	s5 =	sadd.s32 s5, s6  }
0x1d: {  	s6 =	simm.s32 $0x1000;
	s0 =	smax.u32 s0, $0x1;
	s4 =	sadd.s32 s4, s1  }
0x1e: {  	s1 =	sadd.s32 s5, s1;
	s5 =	simm.s32 $0x5C00;
	[dreg:$0xd] =	wrdreg s6  }
0x1f: {  	s6 =	sshrl.u32 s15, $0x3;
	s23 =	sadd.s32 $0x17200, s4;
	[dreg:$0xc] =	wrdreg s5  }
0x20: {  	p1 =	sne.s32 s0, $0x1;
	s4 =	sadd.s32 $0x3200, s4;
	[dreg:$0x5] =	wrdreg s23  }
.Ltmp0:
0x21: {  	s1 =	sadd.s32 $0x7BC00, s1;
	[dreg:$0x6] =	wrdreg s4;
	(pc) =	sbr.rel @!p1 .LBB2_1-.Ltmp0, $4  }
0x22: {  	s15 =	simm.s32 $0x4800;
	[dreg:$0x7] =	wrdreg s1;
	s4 =	simm.s32 $0x5800  }
0x23: {  	s5 =	sor.u32 $0x1C03, s20;
	s23 =	simm.s32 $0x7400;
	[dreg:$0xb] =	wrdreg s4  }
0x24: {  	s20 =	simm.s32 $0x9000;
	s1 =	sadd.s32 $0xFFFFFFFF, s0;
	[dreg:$0x18] =	wrdreg s23  }
0x25: {  	s4 =	simm.s32 $0x3;
	s23 =	simm.s32 $0x3800;
	s0 =	rddreg [dreg:$0x5]  }
0x26: {  	[tilespmem:s30], [sflag:$0x3] =	stream.linear.gather [hbm4b:s0+s30], $0x5000, $0x38;
	[tilespmem:$0x1F000] =	vst v63  }
0x27: {  	_ =	swait.ge [sflag:s4], $0x5000  }
0x28: {  	[sflag:s4] =	ssyncset.done $0x0  }
0x29: {  	s12 =	rddreg [dreg:$0x6];
	[sflag:s4] =	ssyncadd.s32 $0xFFFFB000  }
0x2a: {  	[tilespmem:s31], [sflag:$0x3] =	stream.linear.gather [hbm4b:s12+s30], $0x5000, $0x38;
	[tilespmem:$0x1F000] =	vst v63  }
0x2b: {  	_ =	swait.ge [sflag:s4], $0x5000  }
0x2c: {  	[sflag:s4] =	ssyncset.done $0x0  }
0x2d: {  	s12 =	rddreg [dreg:$0x4];
	[sflag:s4] =	ssyncadd.s32 $0xFFFFB000  }
0x2e: {  	[spmem:s6], [sflag:s5] =	dma.local [hbm:s12], $0xA00  }
0x2f: {  	_ =	swait.ge [sflag:s4], $0xA00  }
0x30: {  	[sflag:s4] =	ssyncset.done $0x0  }
0x31: {  	[sflag:s4] =	ssyncadd.s32 $0xFFFFF600  }
0x32: {  	[bflag:$0x0] =	sbarrier.arrive $0xFFFF  }
0x33: {  	[tilespmem:s9], [sflag:$0x1] =	stream.indirect.gather [hbm4b:s3+s7], $0x20, s30, s7, $0xb8;
	[tilespmem:$0x1F000] =	vst v63  }
0x34: {  	_ = 	snop  }
0x35: {  	[tilespmem:s8], [sflag:$0x2] =	stream.indirect.gather [hbm4b:s3+s7], $0x20, s7, s7, $0xb8;
	[tilespmem:$0x1F000] =	vst v63  }
0x36: {  	_ =	swait.ge [sflag:s11], $0x8000  }
0x37: {  	[sflag:s11] =	ssyncset.done $0x0  }
0x38: {  	[sflag:s11] =	ssyncadd.s32 $0xFFFF8000  }
0x39: {  	[spmem:s2] =	stream.indirect.scatter.add.f32 [tilespmem:s9], [sflag:$0x3], $0x20, s31, s7, $0xb8;
	[tilespmem:$0x1F000] =	vst v63  }
0x3a: {  	_ =	swait.ge [sflag:s4], $0x8000  }
0x3b: {  	[sflag:s4] =	ssyncset.done $0x0  }
0x3c: {  	[sflag:s4] =	ssyncadd.s32 $0xFFFF8000  }
0x3d: {  	_ =	swait.ge [sflag:s10], $0x8000  }
0x3e: {  	[sflag:s10] =	ssyncset.done $0x0  }
0x3f: {  	s12 =	rddreg [dreg:$0x8];
	[sflag:s10] =	ssyncadd.s32 $0xFFFF8000  }
0x40: {  	[spmem:s2] =	stream.indirect.scatter.add.f32 [tilespmem:s8], [sflag:$0x3], $0x20, s12, s7, $0xb8;
	[tilespmem:$0x1F000] =	vst v63  }
0x41: {  	_ =	swait.ge [sflag:s4], $0x8000  }
0x42: {  	[sflag:s4] =	ssyncset.done $0x0  }
0x43: {  	s0 =	rddreg [dreg:$0x9];
	[sflag:s4] =	ssyncadd.s32 $0xFFFF8000  }
0x44: {  	[tilespmem:s9], [sflag:$0x1] =	stream.indirect.gather [hbm4b:s3+s7], $0x20, s0, s7, $0xb8;
	[tilespmem:$0x1F000] =	vst v63  }
0x45: {  	s12 =	smov.u32 s1;
	s1 =	rddreg [dreg:$0xa]  }
0x46: {  	[tilespmem:s8], [sflag:$0x2] =	stream.indirect.gather [hbm4b:s3+s7], $0x20, s1, s7, $0xb8;
	[tilespmem:$0x1F000] =	vst v63  }
0x47: {  	_ =	swait.ge [sflag:s11], $0x8000  }
0x48: {  	[sflag:s11] =	ssyncset.done $0x0  }
0x49: {  	s1 =	rddreg [dreg:$0xb];
	[sflag:s11] =	ssyncadd.s32 $0xFFFF8000  }
0x4a: {  	[spmem:s2] =	stream.indirect.scatter.add.f32 [tilespmem:s9], [sflag:$0x3], $0x20, s1, s7, $0xb8;
	[tilespmem:$0x1F000] =	vst v63  }
0x4b: {  	_ =	swait.ge [sflag:s4], $0x8000  }
0x4c: {  	[sflag:s4] =	ssyncset.done $0x0  }
0x4d: {  	[sflag:s4] =	ssyncadd.s32 $0xFFFF8000  }
0x4e: {  	_ =	swait.ge [sflag:s10], $0x8000  }
0x4f: {  	[sflag:s10] =	ssyncset.done $0x0  }
0x50: {  	s1 =	rddreg [dreg:$0xc];
	[sflag:s10] =	ssyncadd.s32 $0xFFFF8000  }
0x51: {  	[spmem:s2] =	stream.indirect.scatter.add.f32 [tilespmem:s8], [sflag:$0x3], $0x20, s1, s7, $0xb8;
	[tilespmem:$0x1F000] =	vst v63  }
0x52: {  	_ =	swait.ge [sflag:s4], $0x8000  }
0x53: {  	[sflag:s4] =	ssyncset.done $0x0  }
0x54: {  	s0 =	rddreg [dreg:$0xd];
	[sflag:s4] =	ssyncadd.s32 $0xFFFF8000  }
0x55: {  	[tilespmem:s9], [sflag:$0x1] =	stream.indirect.gather [hbm4b:s3+s7], $0x20, s0, s7, $0xb8;
	[tilespmem:$0x1F000] =	vst v63  }
0x56: {  	s1 =	rddreg [dreg:$0xe]  }
0x57: {  	[tilespmem:s8], [sflag:$0x2] =	stream.indirect.gather [hbm4b:s3+s7], $0x20, s1, s7, $0xb8;
	[tilespmem:$0x1F000] =	vst v63  }
0x58: {  	_ =	swait.ge [sflag:s11], $0x8000  }
0x59: {  	[sflag:s11] =	ssyncset.done $0x0  }
0x5a: {  	s1 =	rddreg [dreg:$0xf];
	[sflag:s11] =	ssyncadd.s32 $0xFFFF8000  }
0x5b: {  	[spmem:s2] =	stream.indirect.scatter.add.f32 [tilespmem:s9], [sflag:$0x3], $0x20, s1, s7, $0xb8;
	[tilespmem:$0x1F000] =	vst v63  }
0x5c: {  	_ =	swait.ge [sflag:s4], $0x8000  }
0x5d: {  	[sflag:s4] =	ssyncset.done $0x0  }
0x5e: {  	[sflag:s4] =	ssyncadd.s32 $0xFFFF8000  }
0x5f: {  	_ =	swait.ge [sflag:s10], $0x8000  }
0x60: {  	[sflag:s10] =	ssyncset.done $0x0  }
0x61: {  	s1 =	rddreg [dreg:$0x10];
	[sflag:s10] =	ssyncadd.s32 $0xFFFF8000  }
0x62: {  	[spmem:s2] =	stream.indirect.scatter.add.f32 [tilespmem:s8], [sflag:$0x3], $0x20, s1, s7, $0xb8;
	[tilespmem:$0x1F000] =	vst v63  }
0x63: {  	_ =	swait.ge [sflag:s4], $0x8000  }
0x64: {  	[sflag:s4] =	ssyncset.done $0x0  }
0x65: {  	s0 =	rddreg [dreg:$0x11];
	[sflag:s4] =	ssyncadd.s32 $0xFFFF8000  }
0x66: {  	[tilespmem:s9], [sflag:$0x1] =	stream.indirect.gather [hbm4b:s3+s7], $0x20, s0, s7, $0xb8;
	[tilespmem:$0x1F000] =	vst v63  }
0x67: {  	s1 =	rddreg [dreg:$0x12]  }
0x68: {  	[tilespmem:s8], [sflag:$0x2] =	stream.indirect.gather [hbm4b:s3+s7], $0x20, s1, s7, $0xb8;
	[tilespmem:$0x1F000] =	vst v63  }
0x69: {  	_ =	swait.ge [sflag:s11], $0x8000  }
0x6a: {  	[sflag:s11] =	ssyncset.done $0x0  }
0x6b: {  	s1 =	rddreg [dreg:$0x13];
	[sflag:s11] =	ssyncadd.s32 $0xFFFF8000  }
0x6c: {  	[spmem:s2] =	stream.indirect.scatter.add.f32 [tilespmem:s9], [sflag:$0x3], $0x20, s1, s7, $0xb8;
	[tilespmem:$0x1F000] =	vst v63  }
0x6d: {  	_ =	swait.ge [sflag:s4], $0x8000  }
0x6e: {  	[sflag:s4] =	ssyncset.done $0x0  }
0x6f: {  	[sflag:s4] =	ssyncadd.s32 $0xFFFF8000  }
0x70: {  	_ =	swait.ge [sflag:s10], $0x8000  }
0x71: {  	[sflag:s10] =	ssyncset.done $0x0  }
0x72: {  	s1 =	rddreg [dreg:$0x14];
	[sflag:s10] =	ssyncadd.s32 $0xFFFF8000  }
0x73: {  	[spmem:s2] =	stream.indirect.scatter.add.f32 [tilespmem:s8], [sflag:$0x3], $0x20, s1, s7, $0xb8;
	[tilespmem:$0x1F000] =	vst v63  }
0x74: {  	_ =	swait.ge [sflag:s4], $0x8000  }
0x75: {  	[sflag:s4] =	ssyncset.done $0x0  }
0x76: {  	s0 =	rddreg [dreg:$0x15];
	[sflag:s4] =	ssyncadd.s32 $0xFFFF8000  }
0x77: {  	[tilespmem:s9], [sflag:$0x1] =	stream.indirect.gather [hbm4b:s3+s7], $0x20, s0, s7, $0xb8;
	[tilespmem:$0x1F000] =	vst v63  }
0x78: {  	s1 =	rddreg [dreg:$0x16]  }
0x79: {  	[tilespmem:s8], [sflag:$0x2] =	stream.indirect.gather [hbm4b:s3+s7], $0x20, s1, s7, $0xb8;
	[tilespmem:$0x1F000] =	vst v63  }
0x7a: {  	_ =	swait.ge [sflag:s11], $0x8000  }
0x7b: {  	[sflag:s11] =	ssyncset.done $0x0  }
0x7c: {  	s1 =	rddreg [dreg:$0x17];
	[sflag:s11] =	ssyncadd.s32 $0xFFFF8000  }
0x7d: {  	[spmem:s2] =	stream.indirect.scatter.add.f32 [tilespmem:s9], [sflag:$0x3], $0x20, s1, s7, $0xb8;
	[tilespmem:$0x1F000] =	vst v63  }
0x7e: {  	_ =	swait.ge [sflag:s4], $0x8000  }
0x7f: {  	[sflag:s4] =	ssyncset.done $0x0  }
0x80: {  	[sflag:s4] =	ssyncadd.s32 $0xFFFF8000  }
0x81: {  	_ =	swait.ge [sflag:s10], $0x8000  }
0x82: {  	[sflag:s10] =	ssyncset.done $0x0  }
0x83: {  	s1 =	rddreg [dreg:$0x18];
	[sflag:s10] =	ssyncadd.s32 $0xFFFF8000  }
0x84: {  	[spmem:s2] =	stream.indirect.scatter.add.f32 [tilespmem:s8], [sflag:$0x3], $0x20, s1, s7, $0xb8;
	[tilespmem:$0x1F000] =	vst v63  }
0x85: {  	_ =	swait.ge [sflag:s4], $0x8000  }
0x86: {  	[sflag:s4] =	ssyncset.done $0x0  }
0x87: {  	s0 =	rddreg [dreg:$0x19];
	[sflag:s4] =	ssyncadd.s32 $0xFFFF8000  }
0x88: {  	[tilespmem:s9], [sflag:$0x1] =	stream.indirect.gather [hbm4b:s3+s7], $0x20, s0, s7, $0xb8;
	[tilespmem:$0x1F000] =	vst v63  }
0x89: {  	s1 =	rddreg [dreg:$0x1a]  }
0x8a: {  	[tilespmem:s8], [sflag:$0x2] =	stream.indirect.gather [hbm4b:s3+s7], $0x20, s1, s7, $0xb8;
	[tilespmem:$0x1F000] =	vst v63  }
0x8b: {  	_ =	swait.ge [sflag:s11], $0x8000  }
0x8c: {  	[sflag:s11] =	ssyncset.done $0x0  }
0x8d: {  	s1 =	rddreg [dreg:$0x1b];
	[sflag:s11] =	ssyncadd.s32 $0xFFFF8000  }
0x8e: {  	[spmem:s2] =	stream.indirect.scatter.add.f32 [tilespmem:s9], [sflag:$0x3], $0x20, s1, s7, $0xb8;
	[tilespmem:$0x1F000] =	vst v63  }
0x8f: {  	_ =	swait.ge [sflag:s4], $0x8000  }
0x90: {  	[sflag:s4] =	ssyncset.done $0x0  }
0x91: {  	[sflag:s4] =	ssyncadd.s32 $0xFFFF8000  }
0x92: {  	_ =	swait.ge [sflag:s10], $0x8000  }
0x93: {  	[sflag:s10] =	ssyncset.done $0x0  }
0x94: {  	[sflag:s10] =	ssyncadd.s32 $0xFFFF8000  }
0x95: {  	[spmem:s2] =	stream.indirect.scatter.add.f32 [tilespmem:s8], [sflag:$0x3], $0x20, s18, s7, $0xb8;
	[tilespmem:$0x1F000] =	vst v63  }
0x96: {  	_ =	swait.ge [sflag:s4], $0x8000  }
0x97: {  	[sflag:s4] =	ssyncset.done $0x0  }
0x98: {  	[sflag:s4] =	ssyncadd.s32 $0xFFFF8000  }
0x99: {  	[tilespmem:s9], [sflag:$0x1] =	stream.indirect.gather [hbm4b:s3+s7], $0x20, s28, s7, $0xb8;
	[tilespmem:$0x1F000] =	vst v63  }
0x9a: {  	_ = 	snop  }
0x9b: {  	[tilespmem:s8], [sflag:$0x2] =	stream.indirect.gather [hbm4b:s3+s7], $0x20, s29, s7, $0xb8;
	[tilespmem:$0x1F000] =	vst v63  }
0x9c: {  	_ =	swait.ge [sflag:s11], $0x8000  }
0x9d: {  	[sflag:s11] =	ssyncset.done $0x0  }
0x9e: {  	[sflag:s11] =	ssyncadd.s32 $0xFFFF8000  }
0x9f: {  	[spmem:s2] =	stream.indirect.scatter.add.f32 [tilespmem:s9], [sflag:$0x3], $0x20, s26, s7, $0xb8;
	[tilespmem:$0x1F000] =	vst v63  }
0xa0: {  	_ =	swait.ge [sflag:s4], $0x8000  }
0xa1: {  	[sflag:s4] =	ssyncset.done $0x0  }
0xa2: {  	[sflag:s4] =	ssyncadd.s32 $0xFFFF8000  }
0xa3: {  	_ =	swait.ge [sflag:s10], $0x8000  }
0xa4: {  	[sflag:s10] =	ssyncset.done $0x0  }
0xa5: {  	[sflag:s10] =	ssyncadd.s32 $0xFFFF8000  }
0xa6: {  	[spmem:s2] =	stream.indirect.scatter.add.f32 [tilespmem:s8], [sflag:$0x3], $0x20, s25, s7, $0xb8;
	[tilespmem:$0x1F000] =	vst v63  }
0xa7: {  	_ =	swait.ge [sflag:s4], $0x8000  }
0xa8: {  	[sflag:s4] =	ssyncset.done $0x0  }
0xa9: {  	[sflag:s4] =	ssyncadd.s32 $0xFFFF8000  }
0xaa: {  	[tilespmem:s9], [sflag:$0x1] =	stream.indirect.gather [hbm4b:s3+s7], $0x20, s23, s7, $0xb8;
	[tilespmem:$0x1F000] =	vst v63  }
0xab: {  	_ = 	snop  }
0xac: {  	[tilespmem:s8], [sflag:$0x2] =	stream.indirect.gather [hbm4b:s3+s7], $0x20, s24, s7, $0xb8;
	[tilespmem:$0x1F000] =	vst v63  }
0xad: {  	_ =	swait.ge [sflag:s11], $0x8000  }
0xae: {  	[sflag:s11] =	ssyncset.done $0x0  }
0xaf: {  	[sflag:s11] =	ssyncadd.s32 $0xFFFF8000  }
0xb0: {  	[spmem:s2] =	stream.indirect.scatter.add.f32 [tilespmem:s9], [sflag:$0x3], $0x20, s22, s7, $0xb8;
	[tilespmem:$0x1F000] =	vst v63  }
0xb1: {  	_ =	swait.ge [sflag:s4], $0x8000  }
0xb2: {  	[sflag:s4] =	ssyncset.done $0x0  }
0xb3: {  	[sflag:s4] =	ssyncadd.s32 $0xFFFF8000  }
0xb4: {  	_ =	swait.ge [sflag:s10], $0x8000  }
0xb5: {  	[sflag:s10] =	ssyncset.done $0x0  }
0xb6: {  	[sflag:s10] =	ssyncadd.s32 $0xFFFF8000  }
0xb7: {  	[spmem:s2] =	stream.indirect.scatter.add.f32 [tilespmem:s8], [sflag:$0x3], $0x20, s21, s7, $0xb8;
	[tilespmem:$0x1F000] =	vst v63  }
0xb8: {  	_ =	swait.ge [sflag:s4], $0x8000  }
0xb9: {  	[sflag:s4] =	ssyncset.done $0x0  }
0xba: {  	s1 =	simm.s32 $0x4000;
	[sflag:s4] =	ssyncadd.s32 $0xFFFF8000  }
0xbb: {  	[tilespmem:s9], [sflag:$0x1] =	stream.indirect.gather [hbm4b:s3+s7], $0x20, s1, s7, $0xb8;
	[tilespmem:$0x1F000] =	vst v63  }
0xbc: {  	_ = 	snop  }
0xbd: {  	[tilespmem:s8], [sflag:$0x2] =	stream.indirect.gather [hbm4b:s3+s7], $0x20, s19, s7, $0xb8;
	[tilespmem:$0x1F000] =	vst v63  }
0xbe: {  	_ =	swait.ge [sflag:s11], $0x8000  }
0xbf: {  	[sflag:s11] =	ssyncset.done $0x0  }
0xc0: {  	[sflag:s11] =	ssyncadd.s32 $0xFFFF8000  }
0xc1: {  	[spmem:s2] =	stream.indirect.scatter.add.f32 [tilespmem:s9], [sflag:$0x3], $0x20, s20, s7, $0xb8;
	[tilespmem:$0x1F000] =	vst v63  }
0xc2: {  	_ =	swait.ge [sflag:s4], $0x8000  }
0xc3: {  	[sflag:s4] =	ssyncset.done $0x0  }
0xc4: {  	[sflag:s4] =	ssyncadd.s32 $0xFFFF8000  }
0xc5: {  	_ =	swait.ge [sflag:s10], $0x8000  }
0xc6: {  	[sflag:s10] =	ssyncset.done $0x0  }
0xc7: {  	[sflag:s10] =	ssyncadd.s32 $0xFFFF8000  }
0xc8: {  	[spmem:s2] =	stream.indirect.scatter.add.f32 [tilespmem:s8], [sflag:$0x3], $0x20, s17, s7, $0xb8;
	[tilespmem:$0x1F000] =	vst v63  }
0xc9: {  	_ =	swait.ge [sflag:s4], $0x8000  }
0xca: {  	[sflag:s4] =	ssyncset.done $0x0  }
0xcb: {  	[sflag:s4] =	ssyncadd.s32 $0xFFFF8000  }
0xcc: {  	[tilespmem:s9], [sflag:$0x1] =	stream.indirect.gather [hbm4b:s3+s7], $0x20, s15, s7, $0xb8;
	[tilespmem:$0x1F000] =	vst v63  }
0xcd: {  	_ = 	snop  }
0xce: {  	[tilespmem:s8], [sflag:$0x2] =	stream.indirect.gather [hbm4b:s3+s7], $0x20, s16, s7, $0xb8;
	[tilespmem:$0x1F000] =	vst v63  }
0xcf: {  	_ =	swait.ge [sflag:s11], $0x8000  }
0xd0: {  	[sflag:s11] =	ssyncset.done $0x0  }
0xd1: {  	[sflag:s11] =	ssyncadd.s32 $0xFFFF8000  }
0xd2: {  	[spmem:s2] =	stream.indirect.scatter.add.f32 [tilespmem:s9], [sflag:$0x3], $0x20, s14, s7, $0xb8;
	[tilespmem:$0x1F000] =	vst v63  }
0xd3: {  	_ =	swait.ge [sflag:s4], $0x8000  }
0xd4: {  	[sflag:s4] =	ssyncset.done $0x0  }
0xd5: {  	[sflag:s4] =	ssyncadd.s32 $0xFFFF8000  }
0xd6: {  	_ =	swait.ge [sflag:s10], $0x8000  }
0xd7: {  	[sflag:s10] =	ssyncset.done $0x0  }
0xd8: {  	[sflag:s10] =	ssyncadd.s32 $0xFFFF8000  }
0xd9: {  	[spmem:s2] =	stream.indirect.scatter.add.f32 [tilespmem:s8], [sflag:$0x3], $0x20, s13, s7, $0xb8;
	[tilespmem:$0x1F000] =	vst v63  }
0xda: {  	_ =	swait.ge [sflag:s4], $0x8000  }
0xdb: {  	[sflag:s4] =	ssyncset.done $0x0  }
0xdc: {  	p1 =	sne.s32 s12, $0x1;
	[sflag:s4] =	ssyncadd.s32 $0xFFFF8000  }
.Ltmp1:
0xdd: {  	[bflag:$0x0] =	sbarrier.arrive $0xFFFF;
	(pc) =	sbr.rel @!p1 .LBB2_3-.Ltmp1, $4  }
0xde: {  	s1 =	rddreg [dreg:$0x7]  }
0xdf: {  	[hbm:s1], [sflag:s5] =	dma.local [spmem:s6], $0xA00  }
0xe0: {  	p0 =	por $0x1, $0x1;
	_ =	swait.ge [sflag:s4], $0xA00  }
0xe1: {  	s1 =	sadd.s32 $0xFFFFFFFF, s12;
	s0 =	rddreg [dreg:$0x5];
	[sflag:s4] =	ssyncset.done $0x0  }
.LBB2_4:
0xe2: {  	[sflag:s4] =	ssyncadd.s32 $0xFFFFF600  }
0xe3: {  	[tilespmem:s30], [sflag:$0x3] =	stream.linear.gather [hbm4b:s0+s30], $0x5000, $0x38;
	[tilespmem:$0x1F000] =	vst v63  }
0xe4: {  	_ =	swait.ge [sflag:s4], $0x5000  }
0xe5: {  	[sflag:s4] =	ssyncset.done $0x0  }
0xe6: {  	s12 =	rddreg [dreg:$0x6];
	[sflag:s4] =	ssyncadd.s32 $0xFFFFB000  }
0xe7: {  	[tilespmem:s31], [sflag:$0x3] =	stream.linear.gather [hbm4b:s12+s30], $0x5000, $0x38;
	[tilespmem:$0x1F000] =	vst v63  }
0xe8: {  	_ =	swait.ge [sflag:s4], $0x5000  }
0xe9: {  	[sflag:s4] =	ssyncset.done $0x0  }
0xea: {  	s12 =	rddreg [dreg:$0x4];
	[sflag:s4] =	ssyncadd.s32 $0xFFFFB000  }
0xeb: {  	[spmem:s6], [sflag:s5] =	dma.local [hbm:s12], $0xA00  }
0xec: {  	_ =	swait.ge [sflag:s4], $0xA00  }
0xed: {  	[sflag:s4] =	ssyncset.done $0x0  }
0xee: {  	[sflag:s4] =	ssyncadd.s32 $0xFFFFF600  }
0xef: {  	[bflag:$0x0] =	sbarrier.arrive $0xFFFF  }
0xf0: {  	[tilespmem:s9], [sflag:$0x1] =	stream.indirect.gather [hbm4b:s3+s7], $0x20, s30, s7, $0xb8;
	[tilespmem:$0x1F000] =	vst v63  }
0xf1: {  	_ = 	snop  }
0xf2: {  	[tilespmem:s8], [sflag:$0x2] =	stream.indirect.gather [hbm4b:s3+s7], $0x20, s7, s7, $0xb8;
	[tilespmem:$0x1F000] =	vst v63  }
0xf3: {  	_ =	swait.ge [sflag:s11], $0x8000  }
0xf4: {  	[sflag:s11] =	ssyncset.done $0x0  }
0xf5: {  	[sflag:s11] =	ssyncadd.s32 $0xFFFF8000  }
0xf6: {  	[spmem:s2] =	stream.indirect.scatter.add.f32 [tilespmem:s9], [sflag:$0x3], $0x20, s31, s7, $0xb8;
	[tilespmem:$0x1F000] =	vst v63  }
0xf7: {  	_ =	swait.ge [sflag:s4], $0x8000  }
0xf8: {  	[sflag:s4] =	ssyncset.done $0x0  }
0xf9: {  	[sflag:s4] =	ssyncadd.s32 $0xFFFF8000  }
0xfa: {  	_ =	swait.ge [sflag:s10], $0x8000  }
0xfb: {  	[sflag:s10] =	ssyncset.done $0x0  }
0xfc: {  	s12 =	rddreg [dreg:$0x8];
	[sflag:s10] =	ssyncadd.s32 $0xFFFF8000  }
0xfd: {  	[spmem:s2] =	stream.indirect.scatter.add.f32 [tilespmem:s8], [sflag:$0x3], $0x20, s12, s7, $0xb8;
	[tilespmem:$0x1F000] =	vst v63  }
0xfe: {  	_ =	swait.ge [sflag:s4], $0x8000  }
0xff: {  	[sflag:s4] =	ssyncset.done $0x0  }
0x100: {  	s0 =	rddreg [dreg:$0x9];
	[sflag:s4] =	ssyncadd.s32 $0xFFFF8000  }
0x101: {  	[tilespmem:s9], [sflag:$0x1] =	stream.indirect.gather [hbm4b:s3+s7], $0x20, s0, s7, $0xb8;
	[tilespmem:$0x1F000] =	vst v63  }
0x102: {  	s12 =	rddreg [dreg:$0xa]  }
0x103: {  	[tilespmem:s8], [sflag:$0x2] =	stream.indirect.gather [hbm4b:s3+s7], $0x20, s12, s7, $0xb8;
	[tilespmem:$0x1F000] =	vst v63  }
0x104: {  	_ =	swait.ge [sflag:s11], $0x8000  }
0x105: {  	[sflag:s11] =	ssyncset.done $0x0  }
0x106: {  	s12 =	rddreg [dreg:$0xb];
	[sflag:s11] =	ssyncadd.s32 $0xFFFF8000  }
0x107: {  	[spmem:s2] =	stream.indirect.scatter.add.f32 [tilespmem:s9], [sflag:$0x3], $0x20, s12, s7, $0xb8;
	[tilespmem:$0x1F000] =	vst v63  }
0x108: {  	_ =	swait.ge [sflag:s4], $0x8000  }
0x109: {  	[sflag:s4] =	ssyncset.done $0x0  }
0x10a: {  	[sflag:s4] =	ssyncadd.s32 $0xFFFF8000  }
0x10b: {  	_ =	swait.ge [sflag:s10], $0x8000  }
0x10c: {  	[sflag:s10] =	ssyncset.done $0x0  }
0x10d: {  	s12 =	rddreg [dreg:$0xc];
	[sflag:s10] =	ssyncadd.s32 $0xFFFF8000  }
0x10e: {  	[spmem:s2] =	stream.indirect.scatter.add.f32 [tilespmem:s8], [sflag:$0x3], $0x20, s12, s7, $0xb8;
	[tilespmem:$0x1F000] =	vst v63  }
0x10f: {  	_ =	swait.ge [sflag:s4], $0x8000  }
0x110: {  	[sflag:s4] =	ssyncset.done $0x0  }
0x111: {  	s0 =	rddreg [dreg:$0xd];
	[sflag:s4] =	ssyncadd.s32 $0xFFFF8000  }
0x112: {  	[tilespmem:s9], [sflag:$0x1] =	stream.indirect.gather [hbm4b:s3+s7], $0x20, s0, s7, $0xb8;
	[tilespmem:$0x1F000] =	vst v63  }
0x113: {  	s12 =	rddreg [dreg:$0xe]  }
0x114: {  	[tilespmem:s8], [sflag:$0x2] =	stream.indirect.gather [hbm4b:s3+s7], $0x20, s12, s7, $0xb8;
	[tilespmem:$0x1F000] =	vst v63  }
0x115: {  	_ =	swait.ge [sflag:s11], $0x8000  }
0x116: {  	[sflag:s11] =	ssyncset.done $0x0  }
0x117: {  	s12 =	rddreg [dreg:$0xf];
	[sflag:s11] =	ssyncadd.s32 $0xFFFF8000  }
0x118: {  	[spmem:s2] =	stream.indirect.scatter.add.f32 [tilespmem:s9], [sflag:$0x3], $0x20, s12, s7, $0xb8;
	[tilespmem:$0x1F000] =	vst v63  }
0x119: {  	_ =	swait.ge [sflag:s4], $0x8000  }
0x11a: {  	[sflag:s4] =	ssyncset.done $0x0  }
0x11b: {  	[sflag:s4] =	ssyncadd.s32 $0xFFFF8000  }
0x11c: {  	_ =	swait.ge [sflag:s10], $0x8000  }
0x11d: {  	[sflag:s10] =	ssyncset.done $0x0  }
0x11e: {  	s12 =	rddreg [dreg:$0x10];
	[sflag:s10] =	ssyncadd.s32 $0xFFFF8000  }
0x11f: {  	[spmem:s2] =	stream.indirect.scatter.add.f32 [tilespmem:s8], [sflag:$0x3], $0x20, s12, s7, $0xb8;
	[tilespmem:$0x1F000] =	vst v63  }
0x120: {  	_ =	swait.ge [sflag:s4], $0x8000  }
0x121: {  	[sflag:s4] =	ssyncset.done $0x0  }
0x122: {  	s0 =	rddreg [dreg:$0x11];
	[sflag:s4] =	ssyncadd.s32 $0xFFFF8000  }
0x123: {  	[tilespmem:s9], [sflag:$0x1] =	stream.indirect.gather [hbm4b:s3+s7], $0x20, s0, s7, $0xb8;
	[tilespmem:$0x1F000] =	vst v63  }
0x124: {  	s12 =	rddreg [dreg:$0x12]  }
0x125: {  	[tilespmem:s8], [sflag:$0x2] =	stream.indirect.gather [hbm4b:s3+s7], $0x20, s12, s7, $0xb8;
	[tilespmem:$0x1F000] =	vst v63  }
0x126: {  	_ =	swait.ge [sflag:s11], $0x8000  }
0x127: {  	[sflag:s11] =	ssyncset.done $0x0  }
0x128: {  	s12 =	rddreg [dreg:$0x13];
	[sflag:s11] =	ssyncadd.s32 $0xFFFF8000  }
0x129: {  	[spmem:s2] =	stream.indirect.scatter.add.f32 [tilespmem:s9], [sflag:$0x3], $0x20, s12, s7, $0xb8;
	[tilespmem:$0x1F000] =	vst v63  }
0x12a: {  	_ =	swait.ge [sflag:s4], $0x8000  }
0x12b: {  	[sflag:s4] =	ssyncset.done $0x0  }
0x12c: {  	[sflag:s4] =	ssyncadd.s32 $0xFFFF8000  }
0x12d: {  	_ =	swait.ge [sflag:s10], $0x8000  }
0x12e: {  	[sflag:s10] =	ssyncset.done $0x0  }
0x12f: {  	s12 =	rddreg [dreg:$0x14];
	[sflag:s10] =	ssyncadd.s32 $0xFFFF8000  }
0x130: {  	[spmem:s2] =	stream.indirect.scatter.add.f32 [tilespmem:s8], [sflag:$0x3], $0x20, s12, s7, $0xb8;
	[tilespmem:$0x1F000] =	vst v63  }
0x131: {  	_ =	swait.ge [sflag:s4], $0x8000  }
0x132: {  	[sflag:s4] =	ssyncset.done $0x0  }
0x133: {  	s0 =	rddreg [dreg:$0x15];
	[sflag:s4] =	ssyncadd.s32 $0xFFFF8000  }
0x134: {  	[tilespmem:s9], [sflag:$0x1] =	stream.indirect.gather [hbm4b:s3+s7], $0x20, s0, s7, $0xb8;
	[tilespmem:$0x1F000] =	vst v63  }
0x135: {  	s12 =	rddreg [dreg:$0x16]  }
0x136: {  	[tilespmem:s8], [sflag:$0x2] =	stream.indirect.gather [hbm4b:s3+s7], $0x20, s12, s7, $0xb8;
	[tilespmem:$0x1F000] =	vst v63  }
0x137: {  	_ =	swait.ge [sflag:s11], $0x8000  }
0x138: {  	[sflag:s11] =	ssyncset.done $0x0  }
0x139: {  	s12 =	rddreg [dreg:$0x17];
	[sflag:s11] =	ssyncadd.s32 $0xFFFF8000  }
0x13a: {  	[spmem:s2] =	stream.indirect.scatter.add.f32 [tilespmem:s9], [sflag:$0x3], $0x20, s12, s7, $0xb8;
	[tilespmem:$0x1F000] =	vst v63  }
0x13b: {  	_ =	swait.ge [sflag:s4], $0x8000  }
0x13c: {  	[sflag:s4] =	ssyncset.done $0x0  }
0x13d: {  	[sflag:s4] =	ssyncadd.s32 $0xFFFF8000  }
0x13e: {  	_ =	swait.ge [sflag:s10], $0x8000  }
0x13f: {  	[sflag:s10] =	ssyncset.done $0x0  }
0x140: {  	s12 =	rddreg [dreg:$0x18];
	[sflag:s10] =	ssyncadd.s32 $0xFFFF8000  }
0x141: {  	[spmem:s2] =	stream.indirect.scatter.add.f32 [tilespmem:s8], [sflag:$0x3], $0x20, s12, s7, $0xb8;
	[tilespmem:$0x1F000] =	vst v63  }
0x142: {  	_ =	swait.ge [sflag:s4], $0x8000  }
0x143: {  	[sflag:s4] =	ssyncset.done $0x0  }
0x144: {  	s0 =	rddreg [dreg:$0x19];
	[sflag:s4] =	ssyncadd.s32 $0xFFFF8000  }
0x145: {  	[tilespmem:s9], [sflag:$0x1] =	stream.indirect.gather [hbm4b:s3+s7], $0x20, s0, s7, $0xb8;
	[tilespmem:$0x1F000] =	vst v63  }
0x146: {  	s12 =	rddreg [dreg:$0x1a]  }
0x147: {  	[tilespmem:s8], [sflag:$0x2] =	stream.indirect.gather [hbm4b:s3+s7], $0x20, s12, s7, $0xb8;
	[tilespmem:$0x1F000] =	vst v63  }
0x148: {  	_ =	swait.ge [sflag:s11], $0x8000  }
0x149: {  	[sflag:s11] =	ssyncset.done $0x0  }
0x14a: {  	s12 =	rddreg [dreg:$0x1b];
	[sflag:s11] =	ssyncadd.s32 $0xFFFF8000  }
0x14b: {  	[spmem:s2] =	stream.indirect.scatter.add.f32 [tilespmem:s9], [sflag:$0x3], $0x20, s12, s7, $0xb8;
	[tilespmem:$0x1F000] =	vst v63  }
0x14c: {  	_ =	swait.ge [sflag:s4], $0x8000  }
0x14d: {  	[sflag:s4] =	ssyncset.done $0x0  }
0x14e: {  	[sflag:s4] =	ssyncadd.s32 $0xFFFF8000  }
0x14f: {  	_ =	swait.ge [sflag:s10], $0x8000  }
0x150: {  	[sflag:s10] =	ssyncset.done $0x0  }
0x151: {  	[sflag:s10] =	ssyncadd.s32 $0xFFFF8000  }
0x152: {  	[spmem:s2] =	stream.indirect.scatter.add.f32 [tilespmem:s8], [sflag:$0x3], $0x20, s18, s7, $0xb8;
	[tilespmem:$0x1F000] =	vst v63  }
0x153: {  	_ =	swait.ge [sflag:s4], $0x8000  }
0x154: {  	[sflag:s4] =	ssyncset.done $0x0  }
0x155: {  	[sflag:s4] =	ssyncadd.s32 $0xFFFF8000  }
0x156: {  	[tilespmem:s9], [sflag:$0x1] =	stream.indirect.gather [hbm4b:s3+s7], $0x20, s28, s7, $0xb8;
	[tilespmem:$0x1F000] =	vst v63  }
0x157: {  	_ = 	snop  }
0x158: {  	[tilespmem:s8], [sflag:$0x2] =	stream.indirect.gather [hbm4b:s3+s7], $0x20, s29, s7, $0xb8;
	[tilespmem:$0x1F000] =	vst v63  }
0x159: {  	_ =	swait.ge [sflag:s11], $0x8000  }
0x15a: {  	[sflag:s11] =	ssyncset.done $0x0  }
0x15b: {  	[sflag:s11] =	ssyncadd.s32 $0xFFFF8000  }
0x15c: {  	[spmem:s2] =	stream.indirect.scatter.add.f32 [tilespmem:s9], [sflag:$0x3], $0x20, s26, s7, $0xb8;
	[tilespmem:$0x1F000] =	vst v63  }
0x15d: {  	_ =	swait.ge [sflag:s4], $0x8000  }
0x15e: {  	[sflag:s4] =	ssyncset.done $0x0  }
0x15f: {  	[sflag:s4] =	ssyncadd.s32 $0xFFFF8000  }
0x160: {  	_ =	swait.ge [sflag:s10], $0x8000  }
0x161: {  	[sflag:s10] =	ssyncset.done $0x0  }
0x162: {  	[sflag:s10] =	ssyncadd.s32 $0xFFFF8000  }
0x163: {  	[spmem:s2] =	stream.indirect.scatter.add.f32 [tilespmem:s8], [sflag:$0x3], $0x20, s25, s7, $0xb8;
	[tilespmem:$0x1F000] =	vst v63  }
0x164: {  	_ =	swait.ge [sflag:s4], $0x8000  }
0x165: {  	[sflag:s4] =	ssyncset.done $0x0  }
0x166: {  	[sflag:s4] =	ssyncadd.s32 $0xFFFF8000  }
0x167: {  	[tilespmem:s9], [sflag:$0x1] =	stream.indirect.gather [hbm4b:s3+s7], $0x20, s23, s7, $0xb8;
	[tilespmem:$0x1F000] =	vst v63  }
0x168: {  	_ = 	snop  }
0x169: {  	[tilespmem:s8], [sflag:$0x2] =	stream.indirect.gather [hbm4b:s3+s7], $0x20, s24, s7, $0xb8;
	[tilespmem:$0x1F000] =	vst v63  }
0x16a: {  	_ =	swait.ge [sflag:s11], $0x8000  }
0x16b: {  	[sflag:s11] =	ssyncset.done $0x0  }
0x16c: {  	[sflag:s11] =	ssyncadd.s32 $0xFFFF8000  }
0x16d: {  	[spmem:s2] =	stream.indirect.scatter.add.f32 [tilespmem:s9], [sflag:$0x3], $0x20, s22, s7, $0xb8;
	[tilespmem:$0x1F000] =	vst v63  }
0x16e: {  	_ =	swait.ge [sflag:s4], $0x8000  }
0x16f: {  	[sflag:s4] =	ssyncset.done $0x0  }
0x170: {  	[sflag:s4] =	ssyncadd.s32 $0xFFFF8000  }
0x171: {  	_ =	swait.ge [sflag:s10], $0x8000  }
0x172: {  	[sflag:s10] =	ssyncset.done $0x0  }
0x173: {  	[sflag:s10] =	ssyncadd.s32 $0xFFFF8000  }
0x174: {  	[spmem:s2] =	stream.indirect.scatter.add.f32 [tilespmem:s8], [sflag:$0x3], $0x20, s21, s7, $0xb8;
	[tilespmem:$0x1F000] =	vst v63  }
0x175: {  	_ =	swait.ge [sflag:s4], $0x8000  }
0x176: {  	[sflag:s4] =	ssyncset.done $0x0  }
0x177: {  	s12 =	simm.s32 $0x4000;
	[sflag:s4] =	ssyncadd.s32 $0xFFFF8000  }
0x178: {  	[tilespmem:s9], [sflag:$0x1] =	stream.indirect.gather [hbm4b:s3+s7], $0x20, s12, s7, $0xb8;
	[tilespmem:$0x1F000] =	vst v63  }
0x179: {  	_ = 	snop  }
0x17a: {  	[tilespmem:s8], [sflag:$0x2] =	stream.indirect.gather [hbm4b:s3+s7], $0x20, s19, s7, $0xb8;
	[tilespmem:$0x1F000] =	vst v63  }
0x17b: {  	_ =	swait.ge [sflag:s11], $0x8000  }
0x17c: {  	[sflag:s11] =	ssyncset.done $0x0  }
0x17d: {  	[sflag:s11] =	ssyncadd.s32 $0xFFFF8000  }
0x17e: {  	[spmem:s2] =	stream.indirect.scatter.add.f32 [tilespmem:s9], [sflag:$0x3], $0x20, s20, s7, $0xb8;
	[tilespmem:$0x1F000] =	vst v63  }
0x17f: {  	_ =	swait.ge [sflag:s4], $0x8000  }
0x180: {  	[sflag:s4] =	ssyncset.done $0x0  }
0x181: {  	[sflag:s4] =	ssyncadd.s32 $0xFFFF8000  }
0x182: {  	_ =	swait.ge [sflag:s10], $0x8000  }
0x183: {  	[sflag:s10] =	ssyncset.done $0x0  }
0x184: {  	[sflag:s10] =	ssyncadd.s32 $0xFFFF8000  }
0x185: {  	[spmem:s2] =	stream.indirect.scatter.add.f32 [tilespmem:s8], [sflag:$0x3], $0x20, s17, s7, $0xb8;
	[tilespmem:$0x1F000] =	vst v63  }
0x186: {  	_ =	swait.ge [sflag:s4], $0x8000  }
0x187: {  	[sflag:s4] =	ssyncset.done $0x0  }
0x188: {  	[sflag:s4] =	ssyncadd.s32 $0xFFFF8000  }
0x189: {  	[tilespmem:s9], [sflag:$0x1] =	stream.indirect.gather [hbm4b:s3+s7], $0x20, s15, s7, $0xb8;
	[tilespmem:$0x1F000] =	vst v63  }
0x18a: {  	_ = 	snop  }
0x18b: {  	[tilespmem:s8], [sflag:$0x2] =	stream.indirect.gather [hbm4b:s3+s7], $0x20, s16, s7, $0xb8;
	[tilespmem:$0x1F000] =	vst v63  }
0x18c: {  	_ =	swait.ge [sflag:s11], $0x8000  }
0x18d: {  	[sflag:s11] =	ssyncset.done $0x0  }
0x18e: {  	[sflag:s11] =	ssyncadd.s32 $0xFFFF8000  }
0x18f: {  	[spmem:s2] =	stream.indirect.scatter.add.f32 [tilespmem:s9], [sflag:$0x3], $0x20, s14, s7, $0xb8;
	[tilespmem:$0x1F000] =	vst v63  }
0x190: {  	_ =	swait.ge [sflag:s4], $0x8000  }
0x191: {  	[sflag:s4] =	ssyncset.done $0x0  }
0x192: {  	[sflag:s4] =	ssyncadd.s32 $0xFFFF8000  }
0x193: {  	_ =	swait.ge [sflag:s10], $0x8000  }
0x194: {  	[sflag:s10] =	ssyncset.done $0x0  }
0x195: {  	[sflag:s10] =	ssyncadd.s32 $0xFFFF8000  }
0x196: {  	[spmem:s2] =	stream.indirect.scatter.add.f32 [tilespmem:s8], [sflag:$0x3], $0x20, s13, s7, $0xb8;
	[tilespmem:$0x1F000] =	vst v63  }
0x197: {  	_ =	swait.ge [sflag:s4], $0x8000  }
0x198: {  	[sflag:s4] =	ssyncset.done $0x0  }
0x199: {  	p1 =	sne.s32 s1, $0x1;
	[sflag:s4] =	ssyncadd.s32 $0xFFFF8000  }
.Ltmp2:
0x19a: {  	[bflag:$0x0] =	sbarrier.arrive $0xFFFF;
	(pc) =	sbr.rel @p1 .LBB2_4-.Ltmp2, $4  }
0x19b: {  	s12 =	rddreg [dreg:$0x7]  }
0x19c: {  	[hbm:s12], [sflag:s5] =	dma.local [spmem:s6], $0xA00  }
0x19d: {  	_ =	swait.ge [sflag:s4], $0xA00  }
0x19e: {  	s1 =	sadd.s32 $0xFFFFFFFF, s1;
	s0 =	rddreg [dreg:$0x5];
	[sflag:s4] =	ssyncset.done $0x0  }
0x19f: {  	s13 =	simm.s32 $0x7C00;
	s29 =	simm.s32 $0x3400  }
0x1a0: {  	s28 =	simm.s32 $0x3000;
	s26 =	simm.s32 $0x8000;
	s25 =	simm.s32 $0x8400  }
0x1a1: {  	s24 =	simm.s32 $0x3C00;
	s23 =	simm.s32 $0x3800;
	s22 =	simm.s32 $0x8800  }
0x1a2: {  	s21 =	simm.s32 $0x8C00;
	s20 =	simm.s32 $0x9000;
	s19 =	simm.s32 $0x4400  }
0x1a3: {  	s18 =	simm.s32 $0x4000;
	s17 =	simm.s32 $0x9400;
	s16 =	simm.s32 $0x4C00  }
0x1a4: {  	s15 =	simm.s32 $0x4800;
	s14 =	simm.s32 $0x9800;
	s12 =	stileid.u32  }
.LBB2_6:
0x1a5: {  	[sflag:s4] =	ssyncadd.s32 @p0 $0xFFFFF600  }
0x1a6: {  	[tilespmem:s30], [sflag:$0x3] =	stream.linear.gather [hbm4b:s0+s30], $0x5000, $0x38;
	[tilespmem:$0x1F000] =	vst v63  }
0x1a7: {  	_ =	swait.ge [sflag:s4], $0x5000  }
0x1a8: {  	[sflag:s4] =	ssyncset.done $0x0  }
0x1a9: {  	s1 =	rddreg [dreg:$0x6];
	[sflag:s4] =	ssyncadd.s32 $0xFFFFB000  }
0x1aa: {  	[tilespmem:s31], [sflag:$0x3] =	stream.linear.gather [hbm4b:s1+s30], $0x5000, $0x38;
	[tilespmem:$0x1F000] =	vst v63  }
0x1ab: {  	_ =	swait.ge [sflag:s4], $0x5000  }
0x1ac: {  	[sflag:s4] =	ssyncset.done $0x0  }
0x1ad: {  	s1 =	rddreg [dreg:$0x4];
	[sflag:s4] =	ssyncadd.s32 $0xFFFFB000  }
0x1ae: {  	[spmem:s6], [sflag:s5] =	dma.local [hbm:s1], $0xA00  }
0x1af: {  	_ =	swait.ge [sflag:s4], $0xA00  }
0x1b0: {  	[sflag:s4] =	ssyncset.done $0x0  }
0x1b1: {  	[sflag:s4] =	ssyncadd.s32 $0xFFFFF600  }
0x1b2: {  	[bflag:$0x0] =	sbarrier.arrive $0xFFFF  }
0x1b3: {  	[tilespmem:s9], [sflag:$0x1] =	stream.indirect.gather [hbm4b:s3+s7], $0x20, s30, s7, $0xb8;
	[tilespmem:$0x1F000] =	vst v63  }
0x1b4: {  	_ = 	snop  }
0x1b5: {  	[tilespmem:s8], [sflag:$0x2] =	stream.indirect.gather [hbm4b:s3+s7], $0x20, s7, s7, $0xb8;
	[tilespmem:$0x1F000] =	vst v63  }
0x1b6: {  	_ =	swait.ge [sflag:s11], $0x8000  }
0x1b7: {  	[sflag:s11] =	ssyncset.done $0x0  }
0x1b8: {  	[sflag:s11] =	ssyncadd.s32 $0xFFFF8000  }
0x1b9: {  	[spmem:s2] =	stream.indirect.scatter.add.f32 [tilespmem:s9], [sflag:$0x3], $0x20, s31, s7, $0xb8;
	[tilespmem:$0x1F000] =	vst v63  }
0x1ba: {  	_ =	swait.ge [sflag:s4], $0x8000  }
0x1bb: {  	[sflag:s4] =	ssyncset.done $0x0  }
0x1bc: {  	[sflag:s4] =	ssyncadd.s32 $0xFFFF8000  }
0x1bd: {  	_ =	swait.ge [sflag:s10], $0x8000  }
0x1be: {  	[sflag:s10] =	ssyncset.done $0x0  }
0x1bf: {  	s30 =	rddreg [dreg:$0x8];
	[sflag:s10] =	ssyncadd.s32 $0xFFFF8000  }
0x1c0: {  	[spmem:s2] =	stream.indirect.scatter.add.f32 [tilespmem:s8], [sflag:$0x3], $0x20, s30, s7, $0xb8;
	[tilespmem:$0x1F000] =	vst v63  }
0x1c1: {  	_ =	swait.ge [sflag:s4], $0x8000  }
0x1c2: {  	[sflag:s4] =	ssyncset.done $0x0  }
0x1c3: {  	s31 =	rddreg [dreg:$0x9];
	[sflag:s4] =	ssyncadd.s32 $0xFFFF8000  }
0x1c4: {  	[tilespmem:s9], [sflag:$0x1] =	stream.indirect.gather [hbm4b:s3+s7], $0x20, s31, s7, $0xb8;
	[tilespmem:$0x1F000] =	vst v63  }
0x1c5: {  	s1 =	rddreg [dreg:$0xa]  }
0x1c6: {  	[tilespmem:s8], [sflag:$0x2] =	stream.indirect.gather [hbm4b:s3+s7], $0x20, s1, s7, $0xb8;
	[tilespmem:$0x1F000] =	vst v63  }
0x1c7: {  	_ =	swait.ge [sflag:s11], $0x8000  }
0x1c8: {  	[sflag:s11] =	ssyncset.done $0x0  }
0x1c9: {  	s30 =	rddreg [dreg:$0xb];
	[sflag:s11] =	ssyncadd.s32 $0xFFFF8000  }
0x1ca: {  	[spmem:s2] =	stream.indirect.scatter.add.f32 [tilespmem:s9], [sflag:$0x3], $0x20, s30, s7, $0xb8;
	[tilespmem:$0x1F000] =	vst v63  }
0x1cb: {  	_ =	swait.ge [sflag:s4], $0x8000  }
0x1cc: {  	[sflag:s4] =	ssyncset.done $0x0  }
0x1cd: {  	[sflag:s4] =	ssyncadd.s32 $0xFFFF8000  }
0x1ce: {  	_ =	swait.ge [sflag:s10], $0x8000  }
0x1cf: {  	[sflag:s10] =	ssyncset.done $0x0  }
0x1d0: {  	s31 =	rddreg [dreg:$0xc];
	[sflag:s10] =	ssyncadd.s32 $0xFFFF8000  }
0x1d1: {  	[spmem:s2] =	stream.indirect.scatter.add.f32 [tilespmem:s8], [sflag:$0x3], $0x20, s31, s7, $0xb8;
	[tilespmem:$0x1F000] =	vst v63  }
0x1d2: {  	_ =	swait.ge [sflag:s4], $0x8000  }
0x1d3: {  	[sflag:s4] =	ssyncset.done $0x0  }
0x1d4: {  	s1 =	rddreg [dreg:$0xd];
	[sflag:s4] =	ssyncadd.s32 $0xFFFF8000  }
0x1d5: {  	[tilespmem:s9], [sflag:$0x1] =	stream.indirect.gather [hbm4b:s3+s7], $0x20, s1, s7, $0xb8;
	[tilespmem:$0x1F000] =	vst v63  }
0x1d6: {  	s30 =	rddreg [dreg:$0xe]  }
0x1d7: {  	[tilespmem:s8], [sflag:$0x2] =	stream.indirect.gather [hbm4b:s3+s7], $0x20, s30, s7, $0xb8;
	[tilespmem:$0x1F000] =	vst v63  }
0x1d8: {  	_ =	swait.ge [sflag:s11], $0x8000  }
0x1d9: {  	[sflag:s11] =	ssyncset.done $0x0  }
0x1da: {  	s31 =	rddreg [dreg:$0xf];
	[sflag:s11] =	ssyncadd.s32 $0xFFFF8000  }
0x1db: {  	[spmem:s2] =	stream.indirect.scatter.add.f32 [tilespmem:s9], [sflag:$0x3], $0x20, s31, s7, $0xb8;
	[tilespmem:$0x1F000] =	vst v63  }
0x1dc: {  	_ =	swait.ge [sflag:s4], $0x8000  }
0x1dd: {  	[sflag:s4] =	ssyncset.done $0x0  }
0x1de: {  	[sflag:s4] =	ssyncadd.s32 $0xFFFF8000  }
0x1df: {  	_ =	swait.ge [sflag:s10], $0x8000  }
0x1e0: {  	[sflag:s10] =	ssyncset.done $0x0  }
0x1e1: {  	s1 =	rddreg [dreg:$0x10];
	[sflag:s10] =	ssyncadd.s32 $0xFFFF8000  }
0x1e2: {  	[spmem:s2] =	stream.indirect.scatter.add.f32 [tilespmem:s8], [sflag:$0x3], $0x20, s1, s7, $0xb8;
	[tilespmem:$0x1F000] =	vst v63  }
0x1e3: {  	_ =	swait.ge [sflag:s4], $0x8000  }
0x1e4: {  	[sflag:s4] =	ssyncset.done $0x0  }
0x1e5: {  	s30 =	rddreg [dreg:$0x11];
	[sflag:s4] =	ssyncadd.s32 $0xFFFF8000  }
0x1e6: {  	[tilespmem:s9], [sflag:$0x1] =	stream.indirect.gather [hbm4b:s3+s7], $0x20, s30, s7, $0xb8;
	[tilespmem:$0x1F000] =	vst v63  }
0x1e7: {  	s31 =	rddreg [dreg:$0x12]  }
0x1e8: {  	[tilespmem:s8], [sflag:$0x2] =	stream.indirect.gather [hbm4b:s3+s7], $0x20, s31, s7, $0xb8;
	[tilespmem:$0x1F000] =	vst v63  }
0x1e9: {  	_ =	swait.ge [sflag:s11], $0x8000  }
0x1ea: {  	[sflag:s11] =	ssyncset.done $0x0  }
0x1eb: {  	s30 =	rddreg [dreg:$0x13];
	[sflag:s11] =	ssyncadd.s32 $0xFFFF8000  }
0x1ec: {  	[spmem:s2] =	stream.indirect.scatter.add.f32 [tilespmem:s9], [sflag:$0x3], $0x20, s30, s7, $0xb8;
	[tilespmem:$0x1F000] =	vst v63  }
0x1ed: {  	_ =	swait.ge [sflag:s4], $0x8000  }
0x1ee: {  	[sflag:s4] =	ssyncset.done $0x0  }
0x1ef: {  	[sflag:s4] =	ssyncadd.s32 $0xFFFF8000  }
0x1f0: {  	_ =	swait.ge [sflag:s10], $0x8000  }
0x1f1: {  	[sflag:s10] =	ssyncset.done $0x0  }
0x1f2: {  	s31 =	rddreg [dreg:$0x14];
	[sflag:s10] =	ssyncadd.s32 $0xFFFF8000  }
0x1f3: {  	[spmem:s2] =	stream.indirect.scatter.add.f32 [tilespmem:s8], [sflag:$0x3], $0x20, s31, s7, $0xb8;
	[tilespmem:$0x1F000] =	vst v63  }
0x1f4: {  	_ =	swait.ge [sflag:s4], $0x8000  }
0x1f5: {  	[sflag:s4] =	ssyncset.done $0x0  }
0x1f6: {  	s1 =	rddreg [dreg:$0x15];
	[sflag:s4] =	ssyncadd.s32 $0xFFFF8000  }
0x1f7: {  	[tilespmem:s9], [sflag:$0x1] =	stream.indirect.gather [hbm4b:s3+s7], $0x20, s1, s7, $0xb8;
	[tilespmem:$0x1F000] =	vst v63  }
0x1f8: {  	s30 =	rddreg [dreg:$0x16]  }
0x1f9: {  	[tilespmem:s8], [sflag:$0x2] =	stream.indirect.gather [hbm4b:s3+s7], $0x20, s30, s7, $0xb8;
	[tilespmem:$0x1F000] =	vst v63  }
0x1fa: {  	_ =	swait.ge [sflag:s11], $0x8000  }
0x1fb: {  	[sflag:s11] =	ssyncset.done $0x0  }
0x1fc: {  	s31 =	rddreg [dreg:$0x17];
	[sflag:s11] =	ssyncadd.s32 $0xFFFF8000  }
0x1fd: {  	[spmem:s2] =	stream.indirect.scatter.add.f32 [tilespmem:s9], [sflag:$0x3], $0x20, s31, s7, $0xb8;
	[tilespmem:$0x1F000] =	vst v63  }
0x1fe: {  	_ =	swait.ge [sflag:s4], $0x8000  }
0x1ff: {  	[sflag:s4] =	ssyncset.done $0x0  }
0x200: {  	[sflag:s4] =	ssyncadd.s32 $0xFFFF8000  }
0x201: {  	_ =	swait.ge [sflag:s10], $0x8000  }
0x202: {  	[sflag:s10] =	ssyncset.done $0x0  }
0x203: {  	s1 =	rddreg [dreg:$0x18];
	[sflag:s10] =	ssyncadd.s32 $0xFFFF8000  }
0x204: {  	[spmem:s2] =	stream.indirect.scatter.add.f32 [tilespmem:s8], [sflag:$0x3], $0x20, s1, s7, $0xb8;
	[tilespmem:$0x1F000] =	vst v63  }
0x205: {  	_ =	swait.ge [sflag:s4], $0x8000  }
0x206: {  	[sflag:s4] =	ssyncset.done $0x0  }
0x207: {  	s30 =	rddreg [dreg:$0x19];
	[sflag:s4] =	ssyncadd.s32 $0xFFFF8000  }
0x208: {  	[tilespmem:s9], [sflag:$0x1] =	stream.indirect.gather [hbm4b:s3+s7], $0x20, s30, s7, $0xb8;
	[tilespmem:$0x1F000] =	vst v63  }
0x209: {  	s31 =	rddreg [dreg:$0x1a]  }
0x20a: {  	[tilespmem:s8], [sflag:$0x2] =	stream.indirect.gather [hbm4b:s3+s7], $0x20, s31, s7, $0xb8;
	[tilespmem:$0x1F000] =	vst v63  }
0x20b: {  	_ =	swait.ge [sflag:s11], $0x8000  }
0x20c: {  	[sflag:s11] =	ssyncset.done $0x0  }
0x20d: {  	s1 =	rddreg [dreg:$0x1b];
	[sflag:s11] =	ssyncadd.s32 $0xFFFF8000  }
0x20e: {  	[spmem:s2] =	stream.indirect.scatter.add.f32 [tilespmem:s9], [sflag:$0x3], $0x20, s1, s7, $0xb8;
	[tilespmem:$0x1F000] =	vst v63  }
0x20f: {  	_ =	swait.ge [sflag:s4], $0x8000  }
0x210: {  	[sflag:s4] =	ssyncset.done $0x0  }
0x211: {  	[sflag:s4] =	ssyncadd.s32 $0xFFFF8000  }
0x212: {  	_ =	swait.ge [sflag:s10], $0x8000  }
0x213: {  	[sflag:s10] =	ssyncset.done $0x0  }
0x214: {  	[sflag:s10] =	ssyncadd.s32 $0xFFFF8000  }
0x215: {  	[spmem:s2] =	stream.indirect.scatter.add.f32 [tilespmem:s8], [sflag:$0x3], $0x20, s13, s7, $0xb8;
	[tilespmem:$0x1F000] =	vst v63  }
0x216: {  	_ =	swait.ge [sflag:s4], $0x8000  }
0x217: {  	[sflag:s4] =	ssyncset.done $0x0  }
0x218: {  	[sflag:s4] =	ssyncadd.s32 $0xFFFF8000  }
0x219: {  	[tilespmem:s9], [sflag:$0x1] =	stream.indirect.gather [hbm4b:s3+s7], $0x20, s28, s7, $0xb8;
	[tilespmem:$0x1F000] =	vst v63  }
0x21a: {  	_ = 	snop  }
0x21b: {  	[tilespmem:s8], [sflag:$0x2] =	stream.indirect.gather [hbm4b:s3+s7], $0x20, s29, s7, $0xb8;
	[tilespmem:$0x1F000] =	vst v63  }
0x21c: {  	_ =	swait.ge [sflag:s11], $0x8000  }
0x21d: {  	[sflag:s11] =	ssyncset.done $0x0  }
0x21e: {  	[sflag:s11] =	ssyncadd.s32 $0xFFFF8000  }
0x21f: {  	[spmem:s2] =	stream.indirect.scatter.add.f32 [tilespmem:s9], [sflag:$0x3], $0x20, s26, s7, $0xb8;
	[tilespmem:$0x1F000] =	vst v63  }
0x220: {  	_ =	swait.ge [sflag:s4], $0x8000  }
0x221: {  	[sflag:s4] =	ssyncset.done $0x0  }
0x222: {  	[sflag:s4] =	ssyncadd.s32 $0xFFFF8000  }
0x223: {  	_ =	swait.ge [sflag:s10], $0x8000  }
0x224: {  	[sflag:s10] =	ssyncset.done $0x0  }
0x225: {  	[sflag:s10] =	ssyncadd.s32 $0xFFFF8000  }
0x226: {  	[spmem:s2] =	stream.indirect.scatter.add.f32 [tilespmem:s8], [sflag:$0x3], $0x20, s25, s7, $0xb8;
	[tilespmem:$0x1F000] =	vst v63  }
0x227: {  	_ =	swait.ge [sflag:s4], $0x8000  }
0x228: {  	[sflag:s4] =	ssyncset.done $0x0  }
0x229: {  	[sflag:s4] =	ssyncadd.s32 $0xFFFF8000  }
0x22a: {  	[tilespmem:s9], [sflag:$0x1] =	stream.indirect.gather [hbm4b:s3+s7], $0x20, s23, s7, $0xb8;
	[tilespmem:$0x1F000] =	vst v63  }
0x22b: {  	_ = 	snop  }
0x22c: {  	[tilespmem:s8], [sflag:$0x2] =	stream.indirect.gather [hbm4b:s3+s7], $0x20, s24, s7, $0xb8;
	[tilespmem:$0x1F000] =	vst v63  }
0x22d: {  	_ =	swait.ge [sflag:s11], $0x8000  }
0x22e: {  	[sflag:s11] =	ssyncset.done $0x0  }
0x22f: {  	[sflag:s11] =	ssyncadd.s32 $0xFFFF8000  }
0x230: {  	[spmem:s2] =	stream.indirect.scatter.add.f32 [tilespmem:s9], [sflag:$0x3], $0x20, s22, s7, $0xb8;
	[tilespmem:$0x1F000] =	vst v63  }
0x231: {  	_ =	swait.ge [sflag:s4], $0x8000  }
0x232: {  	[sflag:s4] =	ssyncset.done $0x0  }
0x233: {  	[sflag:s4] =	ssyncadd.s32 $0xFFFF8000  }
0x234: {  	_ =	swait.ge [sflag:s10], $0x8000  }
0x235: {  	[sflag:s10] =	ssyncset.done $0x0  }
0x236: {  	[sflag:s10] =	ssyncadd.s32 $0xFFFF8000  }
0x237: {  	[spmem:s2] =	stream.indirect.scatter.add.f32 [tilespmem:s8], [sflag:$0x3], $0x20, s21, s7, $0xb8;
	[tilespmem:$0x1F000] =	vst v63  }
0x238: {  	_ =	swait.ge [sflag:s4], $0x8000  }
0x239: {  	[sflag:s4] =	ssyncset.done $0x0  }
0x23a: {  	[sflag:s4] =	ssyncadd.s32 $0xFFFF8000  }
0x23b: {  	[tilespmem:s9], [sflag:$0x1] =	stream.indirect.gather [hbm4b:s3+s7], $0x20, s18, s7, $0xb8;
	[tilespmem:$0x1F000] =	vst v63  }
0x23c: {  	_ = 	snop  }
0x23d: {  	[tilespmem:s8], [sflag:$0x2] =	stream.indirect.gather [hbm4b:s3+s7], $0x20, s19, s7, $0xb8;
	[tilespmem:$0x1F000] =	vst v63  }
0x23e: {  	_ =	swait.ge [sflag:s11], $0x8000  }
0x23f: {  	[sflag:s11] =	ssyncset.done $0x0  }
0x240: {  	[sflag:s11] =	ssyncadd.s32 $0xFFFF8000  }
0x241: {  	[spmem:s2] =	stream.indirect.scatter.add.f32 [tilespmem:s9], [sflag:$0x3], $0x20, s20, s7, $0xb8;
	[tilespmem:$0x1F000] =	vst v63  }
0x242: {  	_ =	swait.ge [sflag:s4], $0x8000  }
0x243: {  	[sflag:s4] =	ssyncset.done $0x0  }
0x244: {  	[sflag:s4] =	ssyncadd.s32 $0xFFFF8000  }
0x245: {  	_ =	swait.ge [sflag:s10], $0x8000  }
0x246: {  	[sflag:s10] =	ssyncset.done $0x0  }
0x247: {  	[sflag:s10] =	ssyncadd.s32 $0xFFFF8000  }
0x248: {  	[spmem:s2] =	stream.indirect.scatter.add.f32 [tilespmem:s8], [sflag:$0x3], $0x20, s17, s7, $0xb8;
	[tilespmem:$0x1F000] =	vst v63  }
0x249: {  	_ =	swait.ge [sflag:s4], $0x8000  }
0x24a: {  	[sflag:s4] =	ssyncset.done $0x0  }
0x24b: {  	[sflag:s4] =	ssyncadd.s32 $0xFFFF8000  }
0x24c: {  	[tilespmem:s9], [sflag:$0x1] =	stream.indirect.gather [hbm4b:s3+s7], $0x20, s15, s7, $0xb8;
	[tilespmem:$0x1F000] =	vst v63  }
0x24d: {  	_ = 	snop  }
0x24e: {  	[tilespmem:s8], [sflag:$0x2] =	stream.indirect.gather [hbm4b:s3+s7], $0x20, s16, s7, $0xb8;
	[tilespmem:$0x1F000] =	vst v63  }
0x24f: {  	_ =	swait.ge [sflag:s11], $0x8000  }
0x250: {  	[sflag:s11] =	ssyncset.done $0x0  }
0x251: {  	[sflag:s11] =	ssyncadd.s32 $0xFFFF8000  }
0x252: {  	[spmem:s2] =	stream.indirect.scatter.add.f32 [tilespmem:s9], [sflag:$0x3], $0x20, s14, s7, $0xb8;
	[tilespmem:$0x1F000] =	vst v63  }
0x253: {  	_ =	swait.ge [sflag:s4], $0x8000  }
0x254: {  	[sflag:s4] =	ssyncset.done $0x0  }
0x255: {  	[sflag:s4] =	ssyncadd.s32 $0xFFFF8000  }
0x256: {  	_ =	swait.ge [sflag:s10], $0x8000  }
0x257: {  	[sflag:s10] =	ssyncset.done $0x0  }
0x258: {  	s30 =	simm.s32 $0x9C00;
	[sflag:s10] =	ssyncadd.s32 $0xFFFF8000  }
0x259: {  	[spmem:s2] =	stream.indirect.scatter.add.f32 [tilespmem:s8], [sflag:$0x3], $0x20, s30, s7, $0xb8;
	[tilespmem:$0x1F000] =	vst v63  }
0x25a: {  	_ =	swait.ge [sflag:s4], $0x8000  }
0x25b: {  	[sflag:s4] =	ssyncset.done $0x0  }
0x25c: {  	[sflag:s4] =	ssyncadd.s32 $0xFFFF8000  }
0x25d: {  	[bflag:$0x0] =	sbarrier.arrive $0xFFFF  }
0x25e: {  	s31 =	rddreg [dreg:$0x7]  }
0x25f: {  	[hbm:s31], [sflag:s5] =	dma.local [spmem:s6], $0xA00  }
0x260: {  	_ =	swait.ge [sflag:s4], $0xA00  }
0x261: {  	[sflag:s4] =	ssyncset.done $0x0  }
0x262: {  	[sflag:s4] =	ssyncadd.s32 $0xFFFFF600  }
0x263: {  	_ =	sfence.sel $0x180000  }
0x264: {  	[bflag:$0x0] =	sbarrier.arrive $0xFFFF  }
0x265: {  	_ =	strace $0x9000004D  }
0x266: {  	[bflag:$0x2] =	sbarrier.arrive $0xFFFF  }
0x267: {  	p0 =	sne.s32 s12, $0x0;
	s0 =	rddreg [dreg:$0x3]  }
0x268: {  	s0 =	sadd.s32 @!p0 $0x100000, s0  }
0x269: {  	[sflag:s0] =	ssyncadd.tile.s32 @!p0 $0x1;
	_ =	shalt  }
.LBB2_1:
0x26a: {  	s13 =	simm.s32 $0x7C00;
	s29 =	simm.s32 $0x3400  }
.Ltmp3:
0x26b: {  	s28 =	simm.s32 $0x3000;
	s26 =	simm.s32 $0x8000;
	(pc) =	sbr.rel .LBB2_6-.Ltmp3, $4  }
0x26c: {  	s25 =	simm.s32 $0x8400;
	s24 =	simm.s32 $0x3C00;
	s23 =	simm.s32 $0x3800  }
0x26d: {  	s22 =	simm.s32 $0x8800;
	s21 =	simm.s32 $0x8C00;
	s20 =	simm.s32 $0x9000  }
0x26e: {  	s19 =	simm.s32 $0x4400;
	s18 =	simm.s32 $0x4000;
	s17 =	simm.s32 $0x9400  }
0x26f: {  	s16 =	simm.s32 $0x4C00;
	s15 =	simm.s32 $0x4800;
	s14 =	simm.s32 $0x9800  }
.LBB2_3:
0x270: {  	s13 =	simm.s32 $0x7C00;
	s29 =	simm.s32 $0x3400;
	s28 =	simm.s32 $0x3000  }
.Ltmp4:
0x271: {  	s26 =	simm.s32 $0x8000;
	s25 =	simm.s32 $0x8400;
	(pc) =	sbr.rel .LBB2_6-.Ltmp4, $4  }
0x272: {  	s24 =	simm.s32 $0x3C00;
	s23 =	simm.s32 $0x3800;
	s22 =	simm.s32 $0x8800  }
0x273: {  	s21 =	simm.s32 $0x8C00;
	s20 =	simm.s32 $0x9000;
	s19 =	simm.s32 $0x4400  }
0x274: {  	s18 =	simm.s32 $0x4000;
	s17 =	simm.s32 $0x9400;
	s16 =	simm.s32 $0x4C00  }
0x275: {  	s15 =	simm.s32 $0x4800;
	s14 =	simm.s32 $0x9800;
	s12 =	stileid.u32  }
.Lfunc_end2:
_tile_overlayer_lowered:
.L_overlay_start_2:
0x276: {  	(tag) =	ssettag $0x2  }
0x277: {  	s0 =	rddreg [dreg:$0x0];
	s2 =	stileid.u32  }
0x278: {  	s1 =	rddreg [dreg:$0x1];
	p0 =	sne.s32 s2, $0x0  }
0x279: {  	s3 =	rddreg [dreg:$0x2];
	[bflag:$0x3] =	sbarrier.arrive $0xFFFF;
	s2 =	simm.s32 @!p0 $0x1C03  }
0x27a: {  	[timem:s3], [sflag:s2] =	dma.local @!p0 [hbm:s0], s1  }
0x27b: {  	s0 =	simm.s32 @!p0 $0x3  }
0x27c: {  	_ =	swait.ge @!p0 [sflag:s0], s1  }
0x27d: {  	s1 =	ssub.s32 @!p0 $0x0, s1;
	[sflag:s0] =	ssyncset.done @!p0 $0x0  }
0x27e: {  	[sflag:s0] =	ssyncadd.s32 @!p0 s1  }
0x27f: {  	[bflag:$0x3] =	sbarrier.arrive $0xFFFF  }
0x280: {  	_ =	shalt  }

</sc_bundles>
